<compile_context>
chip_gen: v7x
topology: tpu7x:2x2x1
jax: 0.10.2.dev20260603
libtpu: 0.0.44.dev20260713+nightly
codegen_flags: <defaults>
</compile_context>

<pallas_src>
import functools

import jax
import jax.numpy as jnp
from jax import lax
from jax.experimental import pallas as pl
from jax.experimental.pallas import tpu as pltpu
from jax.experimental.pallas import tpu_sc as plsc

N = 100000
E = 1600000
D = 9
G = 64

NC = 2
NS = 16
F = 16
F2 = 32

NP = 100352
EP = 1605632
CH = 128
IB = 4
ROWS_PER_TILE = NP // NS
L1_STAGES = EP // (NC * NS) // (CH * IB)
BLK = 1024
NBLK = NP // BLK


GRP = IB * CH


def _agg_body(n_stages, stage_base_fn, gather_fn, out_plane_fn,
              dummy_hbm, src_hbm, dst_hbm, out, idx_v, rows_v, acc,
              gsems, ssems, isems, feat, dtype):
    c = lax.axis_index("c")
    s = lax.axis_index("s")
    row0 = s * ROWS_PER_TILE

    def zfill(i, _):
        rows_v[pl.ds(i * 16, 16), :] = jnp.zeros((16, feat), dtype)
        return 0
    lax.fori_loop(0, GRP // 16, zfill, 0)
    def zero_acc(k, _):
        pltpu.sync_copy(rows_v.at[pl.ds(0, GRP), :],
                        acc.at[pl.ds(row0 + k * GRP, GRP), :])
        return 0
    lax.fori_loop(0, ROWS_PER_TILE // GRP, zero_acc, 0)
    pltpu.sync_copy(rows_v.at[pl.ds(0, CH), :],
                    acc.at[pl.ds(row0 + (ROWS_PER_TILE // GRP) * GRP,
                                 ROWS_PER_TILE - (ROWS_PER_TILE // GRP) * GRP),
                           :])
    plsc.subcore_barrier()

    def load_idx(st, g):
        n = stage_base_fn(c, s, st) * GRP
        pltpu.async_copy(src_hbm.at[pl.ds(n, GRP)], idx_v.at[g, 0], isems[g])
        pltpu.async_copy(dst_hbm.at[pl.ds(n, GRP)], idx_v.at[g, 1], isems[g])
        pltpu.make_async_copy(src_hbm.at[pl.ds(0, GRP)], idx_v.at[g, 0],
                              isems[g]).wait()
        pltpu.make_async_copy(src_hbm.at[pl.ds(0, GRP)], idx_v.at[g, 1],
                              isems[g]).wait()

    def drain_group(g, sems):
        pltpu.make_async_copy(dummy_hbm.at[pl.ds(0, GRP), :],
                              rows_v.at[pl.ds(g * GRP, GRP), :],
                              sems[g]).wait()

    def fire_scatters(g):
        pltpu.async_copy(rows_v.at[pl.ds(g * GRP, GRP), :],
                         acc.at[idx_v.at[g, 1]], ssems[g], add=True)

    n_pairs = n_stages // 2
    load_idx(0, 0)
    gather_fn(0)

    def stage_pair(p, _):
        e = 2 * p

        @pl.when(p > 0)
        def _():
            drain_group(1, ssems)
        load_idx(e + 1, 1)
        gather_fn(1)
        drain_group(0, gsems)
        fire_scatters(0)

        @pl.when(p + 1 < n_pairs)
        def _():
            drain_group(0, ssems)
            load_idx(e + 2, 0)
            gather_fn(0)
        drain_group(1, gsems)
        fire_scatters(1)
        return 0

    lax.fori_loop(0, n_pairs, stage_pair, 0)
    drain_group(0, ssems)
    drain_group(1, ssems)
    plsc.subcore_barrier()

    out_pl = out_plane_fn(out, c)
    n_out = ROWS_PER_TILE // GRP
    tail = ROWS_PER_TILE - n_out * GRP

    def out_cp(k2, _):
        for g in (0, 1):
            r = row0 + (2 * k2 + g) * GRP

            @pl.when(k2 > 0)
            def _(g=g):
                drain_group(g, gsems)
            pltpu.sync_copy(acc.at[pl.ds(r, GRP), :],
                            rows_v.at[pl.ds(g * GRP, GRP), :])
            pltpu.async_copy(rows_v.at[pl.ds(g * GRP, GRP), :],
                             out_pl.at[pl.ds(r, GRP), :], gsems[g])
        return 0
    lax.fori_loop(0, n_out // 2, out_cp, 0)
    rt = row0 + n_out * GRP
    gt = n_out % 2
    drain_group(gt, gsems)
    pltpu.sync_copy(acc.at[pl.ds(rt, tail), :],
                    rows_v.at[pl.ds(gt * GRP, tail), :])
    pltpu.async_copy(rows_v.at[pl.ds(gt * GRP, tail), :],
                     out_pl.at[pl.ds(rt, tail), :], gsems[gt])
    pltpu.make_async_copy(dummy_hbm.at[pl.ds(0, tail), :],
                          rows_v.at[pl.ds(gt * GRP, tail), :],
                          gsems[gt]).wait()
    pltpu.make_async_copy(dummy_hbm.at[pl.ds(0, GRP), :],
                          rows_v.at[pl.ds((1 - gt) * GRP, GRP), :],
                          gsems[1 - gt]).wait()


_SC_SCRATCH = [
    pltpu.VMEM((2, 2, GRP), jnp.int32),
    pltpu.VMEM((2 * GRP, F), jnp.float32),
    pltpu.VMEM_SHARED((NP, F), jnp.float32),
    pltpu.SemaphoreType.DMA,
    pltpu.SemaphoreType.DMA,
    pltpu.SemaphoreType.DMA,
    pltpu.SemaphoreType.DMA,
    pltpu.SemaphoreType.DMA,
    pltpu.SemaphoreType.DMA,
]


def _sc_mesh():
    return plsc.VectorSubcoreMesh(core_axis_name="c", subcore_axis_name="s",
                                  num_cores=NC, num_subcores=NS)


def _make_agg1():
    def stage_base(c, s, st):
        return (s * NC + c) * L1_STAGES + st

    def body(table, src_hbm, dst_hbm, out, idx_v, rows_v, acc,
             gsem0, gsem1, ssem0, ssem1, isem0, isem1):
        gsems = (gsem0, gsem1)

        def gather_fn(g):
            pltpu.async_copy(table.at[idx_v.at[g, 0]],
                             rows_v.at[pl.ds(g * GRP, GRP), :], gsems[g])

        _agg_body(L1_STAGES, stage_base, gather_fn,
                  lambda out, c: out.at[c],
                  table, src_hbm, dst_hbm, out, idx_v, rows_v, acc,
                  gsems, (ssem0, ssem1), (isem0, isem1), F, jnp.float32)

    return pl.kernel(
        body,
        out_type=jax.ShapeDtypeStruct((NC, NP, F), jnp.float32),
        mesh=_sc_mesh(),
        scratch_types=list(_SC_SCRATCH),
        compiler_params=pltpu.CompilerParams(use_tc_tiling_on_sc=False),
    )


def _make_agg2():
    def stage_base(c, s, st):
        return (s * NC + c) * L1_STAGES + st

    def body(table, src_hbm, dst_hbm, out, idx_v, rows_v, acc,
             gsem0, gsem1, ssem0, ssem1, isem0, isem1):
        gsems = (gsem0, gsem1)

        def gather_fn(g):
            pltpu.async_copy(table.at[idx_v.at[g, 0]],
                             rows_v.at[pl.ds(g * GRP, GRP), :], gsems[g])

        _agg_body(L1_STAGES, stage_base, gather_fn,
                  lambda out, c: out.at[c],
                  table, src_hbm, dst_hbm, out, idx_v, rows_v, acc,
                  gsems, (ssem0, ssem1), (isem0, isem1), F2, jnp.bfloat16)

    return pl.kernel(
        body,
        out_type=jax.ShapeDtypeStruct((NC, NP, F2), jnp.bfloat16),
        mesh=_sc_mesh(),
        scratch_types=[
            pltpu.VMEM((2, 2, GRP), jnp.int32),
            pltpu.VMEM((2 * GRP, F2), jnp.bfloat16),
            pltpu.VMEM_SHARED((NP, F2), jnp.bfloat16),
            pltpu.SemaphoreType.DMA,
            pltpu.SemaphoreType.DMA,
            pltpu.SemaphoreType.DMA,
            pltpu.SemaphoreType.DMA,
            pltpu.SemaphoreType.DMA,
            pltpu.SemaphoreType.DMA,
        ],
        compiler_params=pltpu.CompilerParams(use_tc_tiling_on_sc=False),
    )


PB = BLK // 8
PB4 = BLK // 4


def _layer1_block(p_ref, x_ref, w_rel_ref, w_root_ref, m_ref, b_ref, g_ref,
                  be_ref, out_ref):
    i = pl.program_id(0)
    agg = p_ref[0] + p_ref[1]
    xb = x_ref[...]
    dn = (((1,), (0,)), ((), ()))
    m = m_ref[...]
    halves = []
    for half in (0, 1):
        h = (lax.dot_general(agg, w_rel_ref[half], dn,
                             preferred_element_type=jnp.float32)
             + lax.dot_general(xb, w_root_ref[half], dn,
                               preferred_element_type=jnp.float32)
             + b_ref[...])
        mu = lax.dot_general(h, m, dn, preferred_element_type=jnp.float32)
        msq = lax.dot_general(h * h, m, dn,
                              preferred_element_type=jnp.float32)
        var = msq - mu * mu
        h = (h - mu) * lax.rsqrt(var + 1e-5) * g_ref[...] + be_ref[...]
        h = jnp.maximum(h, 0.0)
        r = lax.broadcasted_iota(jnp.int32, (PB, 128), 0)
        l = lax.broadcasted_iota(jnp.int32, (PB, 128), 1)
        nid = i * BLK + 8 * r + 4 * half + l // 32
        h = jnp.where(nid < N, h, 0.0)
        halves.append(h.astype(jnp.bfloat16))
    stacked = jnp.concatenate([halves[0][:, None, :], halves[1][:, None, :]],
                              axis=1)
    out_ref[...] = stacked.reshape(PB * 2, 128)


def _layer2_block(a_ref, h_ref, batch_ref, w_rel_ref, w_root_ref, m_ref,
                  b_ref, g_ref, be_ref, out_ref, acc_ref):
    i = pl.program_id(0)
    agg = (a_ref[0].astype(jnp.float32) + a_ref[1].astype(jnp.float32))
    hb = h_ref[...].astype(jnp.float32)
    dn = (((1,), (0,)), ((), ()))
    m = m_ref[...]

    @pl.when(i == 0)
    def _():
        acc_ref[...] = jnp.zeros_like(acc_ref)

    for half in (0, 1):
        h2 = (lax.dot_general(agg, w_rel_ref[half], dn,
                              preferred_element_type=jnp.float32)
              + lax.dot_general(hb, w_root_ref[half], dn,
                                preferred_element_type=jnp.float32)
              + b_ref[...])
        mu = lax.dot_general(h2, m, dn, preferred_element_type=jnp.float32)
        msq = lax.dot_general(h2 * h2, m, dn,
                              preferred_element_type=jnp.float32)
        var = msq - mu * mu
        h2 = (h2 - mu) * lax.rsqrt(var + 1e-5) * g_ref[...] + be_ref[...]
        h2 = jnp.maximum(h2, 0.0)
        for k in (0, 1):
            hseg = h2[:, k * G:(k + 1) * G]
            bk = batch_ref[0, 2 * half + k, :]
            onehot = (bk[:, None]
                      == lax.broadcasted_iota(jnp.int32, (PB4, G), 1))
            onehot = onehot.astype(jnp.float32)
            aug = jnp.concatenate([hseg, jnp.ones((PB4, G), jnp.float32)],
                                  axis=1)
            acc_ref[...] += lax.dot_general(
                onehot, aug, (((0,), (0,)), ((), ())),
                preferred_element_type=jnp.float32)

    @pl.when(i == NBLK - 1)
    def _():
        a = acc_ref[...]
        out_ref[...] = a[:, :G] / jnp.maximum(a[:, G:], 1.0)


_layer1_call = pl.pallas_call(
    _layer1_block,
    grid=(NBLK,),
    in_specs=[
        pl.BlockSpec((NC, PB, 128), lambda i: (0, i, 0)),
        pl.BlockSpec((PB, 128), lambda i: (i, 0)),
        pl.BlockSpec((2, 128, 128), lambda i: (0, 0, 0)),
        pl.BlockSpec((2, 128, 128), lambda i: (0, 0, 0)),
        pl.BlockSpec((128, 128), lambda i: (0, 0)),
        pl.BlockSpec((1, 128), lambda i: (0, 0)),
        pl.BlockSpec((1, 128), lambda i: (0, 0)),
        pl.BlockSpec((1, 128), lambda i: (0, 0)),
    ],
    out_specs=pl.BlockSpec((PB4, 128), lambda i: (i, 0)),
    out_shape=jax.ShapeDtypeStruct((NP // 4, 128), jnp.bfloat16),
)

_layer2_call = pl.pallas_call(
    _layer2_block,
    grid=(NBLK,),
    in_specs=[
        pl.BlockSpec((NC, PB4, 128), lambda i: (0, i, 0)),
        pl.BlockSpec((PB4, 128), lambda i: (i, 0)),
        pl.BlockSpec((1, 8, PB4), lambda i: (i, 0, 0)),
        pl.BlockSpec((2, 128, 128), lambda i: (0, 0, 0)),
        pl.BlockSpec((2, 128, 128), lambda i: (0, 0, 0)),
        pl.BlockSpec((128, 128), lambda i: (0, 0)),
        pl.BlockSpec((1, 128), lambda i: (0, 0)),
        pl.BlockSpec((1, 128), lambda i: (0, 0)),
        pl.BlockSpec((1, 128), lambda i: (0, 0)),
    ],
    out_specs=pl.BlockSpec((G, G), lambda i: (0, 0)),
    out_shape=jax.ShapeDtypeStruct((G, G), jnp.float32),
    scratch_shapes=[pltpu.VMEM((G, 2 * G), jnp.float32)],
)


def _block_diag(w_t, n_rep, half_out):
    fin, fout = w_t.shape
    eye = jnp.eye(n_rep, dtype=jnp.float32)
    big = (eye[:, None, :, None] * w_t[None, :, None, :]).reshape(
        n_rep * fin, n_rep * fout)
    return jnp.stack([big[:, :half_out], big[:, half_out:]])


def _seg_mean(block):
    lane = jnp.arange(128)
    return jnp.where(lane[:, None] // block == lane[None, :] // block,
                     1.0 / block, 0.0).astype(jnp.float32)


def kernel(x, edge_index, batch, W1_rel, b1, W1_root, ln1_g, ln1_b,
           W2_rel, b2, W2_root, ln2_g, ln2_b):
    x_lin = jnp.pad(x, ((0, NP - N), (0, F - D))).reshape(NP // 8, 128)
    src = edge_index[0]
    dst = edge_index[1]
    src_p = jnp.concatenate([src, jnp.full((EP - E,), N, jnp.int32)])
    dst_p = jnp.concatenate([dst, jnp.zeros((EP - E,), jnp.int32)])
    w1r_t = jnp.zeros((F, 32), jnp.float32).at[:D, :].set(W1_rel.T)
    w1o_t = jnp.zeros((F, 32), jnp.float32).at[:D, :].set(W1_root.T)
    w1r_big = _block_diag(w1r_t, 8, 128)
    w1o_big = _block_diag(w1o_t, 8, 128)
    w2r_big = _block_diag(W2_rel.T, 4, 128)
    w2o_big = _block_diag(W2_root.T, 4, 128)

    p1 = _make_agg1()(x_lin.reshape(NP, F), src_p, dst_p)
    h_pk = _layer1_call(p1.reshape(NC, NP // 8, 128), x_lin,
                        w1r_big, w1o_big, _seg_mean(32),
                        jnp.tile(b1, 4).reshape(1, 128),
                        jnp.tile(ln1_g, 4).reshape(1, 128),
                        jnp.tile(ln1_b, 4).reshape(1, 128))
    p2 = _make_agg2()(h_pk.reshape(NP, F2), src_p, dst_p)

    batch_p = jnp.concatenate([batch, jnp.full((NP - N,), G, jnp.int32)])
    batch4 = batch_p.reshape(NBLK, PB4, 4).transpose(0, 2, 1)
    batch8 = jnp.concatenate([batch4, batch4], axis=1)
    out = _layer2_call(p2.reshape(NC, NP // 4, 128), h_pk, batch8,
                       w2r_big, w2o_big, _seg_mean(G),
                       jnp.tile(b2, 2).reshape(1, 128),
                       jnp.tile(ln2_g, 2).reshape(1, 128),
                       jnp.tile(ln2_b, 2).reshape(1, 128))
    return out

# --- scband reference (transcript-rebuilt; emitter-appended) ---
"""Pipeline reference for scband-gcnembedding-model-75685913690834 (READ-ONLY COPY).

The authoritative reference and input builder live on the scoring server;
editing this copy changes nothing except your own understanding.
"""

import jax, jax.numpy as jnp
import numpy as np

N = 100000
E = 1600000
D = 9
G = 64


def setup_inputs(seed: int = 0) -> dict:
    key = jax.random.key(seed)
    ks = jax.random.split(key, 14)
    x = jax.random.normal(ks[0], (N, D), dtype=jnp.float32)
    edge_index = jax.random.randint(ks[1], (2, E), 0, N, dtype=jnp.int32)
    batch = jnp.sort(jax.random.randint(ks[2], (N,), 0, G, dtype=jnp.int32))
    # GraphConv1: in=9, out=32 (lin_rel has bias, lin_root no bias)
    W1_rel = jax.random.normal(ks[3], (32, D), dtype=jnp.float32) * (1.0 / np.sqrt(D))
    b1 = jax.random.normal(ks[4], (32,), dtype=jnp.float32) * 0.01
    W1_root = jax.random.normal(ks[5], (32, D), dtype=jnp.float32) * (1.0 / np.sqrt(D))
    ln1_g = jnp.ones((32,), dtype=jnp.float32)
    ln1_b = jnp.zeros((32,), dtype=jnp.float32)
    # GraphConv2: in=32, out=64
    W2_rel = jax.random.normal(ks[6], (64, 32), dtype=jnp.float32) * (1.0 / np.sqrt(32))
    b2 = jax.random.normal(ks[7], (64,), dtype=jnp.float32) * 0.01
    W2_root = jax.random.normal(ks[8], (64, 32), dtype=jnp.float32) * (1.0 / np.sqrt(32))
    ln2_g = jnp.ones((64,), dtype=jnp.float32)
    ln2_b = jnp.zeros((64,), dtype=jnp.float32)
    return {
        'x': x, 'edge_index': edge_index, 'batch': batch,
        'W1_rel': W1_rel, 'b1': b1, 'W1_root': W1_root, 'ln1_g': ln1_g, 'ln1_b': ln1_b,
        'W2_rel': W2_rel, 'b2': b2, 'W2_root': W2_root, 'ln2_g': ln2_g, 'ln2_b': ln2_b,
    }


def _layer_norm(h, g, b):
    mu = jnp.mean(h, axis=-1, keepdims=True)
    var = jnp.mean((h - mu) ** 2, axis=-1, keepdims=True)
    return (h - mu) / jnp.sqrt(var + 1e-5) * g + b


def reference(x, edge_index, batch, W1_rel, b1, W1_root, ln1_g, ln1_b, W2_rel, b2, W2_root, ln2_g, ln2_b):
    src = edge_index[0]
    dst = edge_index[1]
    # GraphConv layer 1: out = lin_rel(sum_{j->i} x_j) + lin_root(x_i)
    agg1 = jax.ops.segment_sum(jnp.take(x, src, axis=0), dst, num_segments=N)
    h = agg1 @ W1_rel.T + b1 + x @ W1_root.T
    h = _layer_norm(h, ln1_g, ln1_b)
    h = jax.nn.relu(h)
    # GraphConv layer 2
    agg2 = jax.ops.segment_sum(jnp.take(h, src, axis=0), dst, num_segments=N)
    h2 = agg2 @ W2_rel.T + b2 + h @ W2_root.T
    h2 = _layer_norm(h2, ln2_g, ln2_b)
    h2 = jax.nn.relu(h2)
    # global_mean_pool over batch ids
    sums = jax.ops.segment_sum(h2, batch, num_segments=G)
    counts = jax.ops.segment_sum(jnp.ones((N, 1), dtype=jnp.float32), batch, num_segments=G)
    return sums / jnp.maximum(counts, 1.0)

if __name__ == "__main__":
    import jax
    _d = setup_inputs()
    print(jax.jit(kernel)(*tuple(_d.values())))

</pallas_src>

<mosaic_0001>
#map = affine_map<(d0, d1) -> (0, 0)>
#map1 = affine_map<(d0, d1) -> (0)>
#map2 = affine_map<(d0, d1) -> (0, 0, 0)>
module attributes {stable_mosaic.version = 14 : i64} {
  func.func @body(%arg0: i32, %arg1: i32, %arg2: memref<100352x32xbf16, #tpu.memory_space<hbm>>, %arg3: memref<1605632xi32, #tpu.memory_space<hbm>>, %arg4: memref<1605632xi32, #tpu.memory_space<hbm>>, %arg5: memref<2x100352x32xbf16, #tpu.memory_space<hbm>>, %arg6: memref<2x2x512xi32, #tpu.memory_space<vmem>>, %arg7: memref<1024x32xbf16, #tpu.memory_space<vmem>>, %arg8: memref<100352x32xbf16, #tpu.memory_space<vmem_shared>>, %arg9: memref<!tpu.dma_semaphore, #tpu.memory_space<semaphore_mem>>, %arg10: memref<!tpu.dma_semaphore, #tpu.memory_space<semaphore_mem>>, %arg11: memref<!tpu.dma_semaphore, #tpu.memory_space<semaphore_mem>>, %arg12: memref<!tpu.dma_semaphore, #tpu.memory_space<semaphore_mem>>, %arg13: memref<!tpu.dma_semaphore, #tpu.memory_space<semaphore_mem>>, %arg14: memref<!tpu.dma_semaphore, #tpu.memory_space<semaphore_mem>>) attributes {dimension_semantics = [#tpu.dimension_semantics<core_parallel>, #tpu.dimension_semantics<subcore_parallel>], iteration_bounds = array<i64: 2, 16>, scalar_prefetch = 0 : i64, scratch_operands = 9 : i64, tpu.core_type = #tpu.core_type<sc_vector_subcore>, window_params = [{transform_indices = #map}, {transform_indices = #map1}, {transform_indices = #map1}, {transform_indices = #map2}]} {
    %mul3A = arith.constant 6272 : i32
    %mul3A_0 = arith.muli %arg1, %mul3A : i32
    %scan3A = arith.constant 0 : i32
    %scan3A_1 = arith.constant 0 : i32
    %scan3A_2 = arith.constant 32 : i32
    %scan3A_3 = arith.addi %scan3A_1, %scan3A_2 : i32
    %scan3A_4 = arith.constant 1 : i32
    %scan3A_5 = scf.for %scan3A_172 = %scan3A_1 to %scan3A_3 step %scan3A_4 iter_args(%scan3A_173 = %scan3A) -> (i32)  : i32 {
      %broadcast_in_dim3A = arith.constant 0.000000e+00 : bf16
      %broadcast_in_dim3A_174 = vector.broadcast %broadcast_in_dim3A : bf16 to vector<16x32xbf16>
      %mul3A_175 = arith.constant 16 : i32
      %mul3A_176 = arith.muli %scan3A_172, %mul3A_175 : i32
      %swap3A = arith.index_cast %mul3A_176 : i32 to index
      %swap3A_177 = arith.constant 0 : index
      %swap3A_178 = tpu.vector_load %arg7[%swap3A, %swap3A_177] {strides = array<i32>} : memref<1024x32xbf16, #tpu.memory_space<vmem>>, vector<16x32xbf16>,
      %swap3A_179 = vector.shape_cast %swap3A_178 : vector<16x32xbf16> to vector<16x32xbf16>
      %swap3A_180 = vector.shape_cast %broadcast_in_dim3A_174 : vector<16x32xbf16> to vector<16x32xbf16>
      tpu.vector_store %arg7[%swap3A, %swap3A_177], %swap3A_180 {strides = array<i32>} : memref<1024x32xbf16, #tpu.memory_space<vmem>>, vector<16x32xbf16>,
      %scan3A_181 = arith.constant 0 : i32
      scf.yield %scan3A_181 : i32
    }
    %scan3A_6 = arith.constant 32 : i32
    %scan3A_7 = arith.constant 0 : i32
    %scan3A_8 = arith.constant 0 : i32
    %scan3A_9 = arith.constant 12 : i32
    %scan3A_10 = arith.addi %scan3A_8, %scan3A_9 : i32
    %scan3A_11 = arith.constant 1 : i32
    %scan3A_12 = scf.for %scan3A_172 = %scan3A_8 to %scan3A_10 step %scan3A_11 iter_args(%scan3A_173 = %scan3A_7) -> (i32)  : i32 {
      %mul3A_174 = arith.constant 512 : i32
      %mul3A_175 = arith.muli %scan3A_172, %mul3A_174 : i32
      %add3A_176 = arith.addi %mul3A_0, %mul3A_175 : i32
      "tpu.region"() ({
        %run_scoped3A = tpu.sem_alloc : memref<!tpu.dma_semaphore, #tpu.memory_space<semaphore_mem>>
        %dma_start3A_178 = arith.constant 0 : i32
        %dma_start3A_179 = arith.constant 0 : i32
        %dma_start3A_180 = tpu.memref_slice %arg7[%dma_start3A_178, %dma_start3A_179] : memref<1024x32xbf16, #tpu.memory_space<vmem>> -> memref<512x32xbf16, #tpu.memory_space<vmem>>
        %dma_start3A_181 = arith.constant 0 : i32
        %dma_start3A_182 = tpu.memref_slice %arg8[%add3A_176, %dma_start3A_181] : memref<100352x32xbf16, #tpu.memory_space<vmem_shared>> -> memref<512x32xbf16, #tpu.memory_space<vmem_shared>>
        %dma_start3A_183 = arith.constant 0 : i32
        %dma_start3A_184 = tpu.memref_slice %arg8[%add3A_176, %dma_start3A_183] : memref<100352x32xbf16, #tpu.memory_space<vmem_shared>> -> memref<512x32xbf16, #tpu.memory_space<vmem_shared>>
        %dma_start3A_185 = arith.constant 0 : i32
        %dma_start3A_186 = arith.constant 0 : i32
        %dma_start3A_187 = tpu.memref_slice %arg7[%dma_start3A_185, %dma_start3A_186] : memref<1024x32xbf16, #tpu.memory_space<vmem>> -> memref<512x32xbf16, #tpu.memory_space<vmem>>
        tpu.enqueue_dma source(%dma_start3A_187 : memref<512x32xbf16, #tpu.memory_space<vmem>>) target(%dma_start3A_184 : memref<512x32xbf16, #tpu.memory_space<vmem_shared>>) target_semaphore(%run_scoped3A : memref<!tpu.dma_semaphore, #tpu.memory_space<semaphore_mem>>)
        %dma_wait3A_188 = arith.constant 0 : i32
        %dma_wait3A_189 = arith.constant 0 : i32
        %dma_wait3A_190 = tpu.memref_slice %arg7[%dma_wait3A_188, %dma_wait3A_189] : memref<1024x32xbf16, #tpu.memory_space<vmem>> -> memref<512x32xbf16, #tpu.memory_space<vmem>>
        %dma_wait3A_191 = arith.constant 0 : i32
        %dma_wait3A_192 = tpu.memref_slice %arg8[%add3A_176, %dma_wait3A_191] : memref<100352x32xbf16, #tpu.memory_space<vmem_shared>> -> memref<512x32xbf16, #tpu.memory_space<vmem_shared>>
        %dma_wait3A_193 = arith.constant 0 : i32
        %dma_wait3A_194 = tpu.memref_slice %arg8[%add3A_176, %dma_wait3A_193] : memref<100352x32xbf16, #tpu.memory_space<vmem_shared>> -> memref<512x32xbf16, #tpu.memory_space<vmem_shared>>
        %dma_wait3A_195 = arith.constant 0 : i32
        %dma_wait3A_196 = arith.constant 0 : i32
        %dma_wait3A_197 = tpu.memref_slice %arg7[%dma_wait3A_195, %dma_wait3A_196] : memref<1024x32xbf16, #tpu.memory_space<vmem>> -> memref<512x32xbf16, #tpu.memory_space<vmem>>
        tpu.wait_dma2 semaphore(%run_scoped3A : memref<!tpu.dma_semaphore, #tpu.memory_space<semaphore_mem>>) src(%dma_wait3A_197 : memref<512x32xbf16, #tpu.memory_space<vmem>>) dst(%dma_wait3A_194 : memref<512x32xbf16, #tpu.memory_space<vmem_shared>>)
        tpu.yield
      }) : () -> ()
      %scan3A_177 = arith.constant 0 : i32
      scf.yield %scan3A_177 : i32
    }
    %scan3A_13 = arith.constant 12 : i32
    %add3A = arith.constant 6144 : i32
    %add3A_14 = arith.addi %mul3A_0, %add3A : i32
    "tpu.region"() ({
      %run_scoped3A = tpu.sem_alloc : memref<!tpu.dma_semaphore, #tpu.memory_space<semaphore_mem>>
      %dma_start3A_172 = arith.constant 0 : i32
      %dma_start3A_173 = arith.constant 0 : i32
      %dma_start3A_174 = tpu.memref_slice %arg7[%dma_start3A_172, %dma_start3A_173] : memref<1024x32xbf16, #tpu.memory_space<vmem>> -> memref<128x32xbf16, #tpu.memory_space<vmem>>
      %dma_start3A_175 = arith.constant 0 : i32
      %dma_start3A_176 = tpu.memref_slice %arg8[%add3A_14, %dma_start3A_175] : memref<100352x32xbf16, #tpu.memory_space<vmem_shared>> -> memref<128x32xbf16, #tpu.memory_space<vmem_shared>>
      %dma_start3A_177 = arith.constant 0 : i32
      %dma_start3A_178 = tpu.memref_slice %arg8[%add3A_14, %dma_start3A_177] : memref<100352x32xbf16, #tpu.memory_space<vmem_shared>> -> memref<128x32xbf16, #tpu.memory_space<vmem_shared>>
      %dma_start3A_179 = arith.constant 0 : i32
      %dma_start3A_180 = arith.constant 0 : i32
      %dma_start3A_181 = tpu.memref_slice %arg7[%dma_start3A_179, %dma_start3A_180] : memref<1024x32xbf16, #tpu.memory_space<vmem>> -> memref<128x32xbf16, #tpu.memory_space<vmem>>
      tpu.enqueue_dma source(%dma_start3A_181 : memref<128x32xbf16, #tpu.memory_space<vmem>>) target(%dma_start3A_178 : memref<128x32xbf16, #tpu.memory_space<vmem_shared>>) target_semaphore(%run_scoped3A : memref<!tpu.dma_semaphore, #tpu.memory_space<semaphore_mem>>)
      %dma_wait3A_182 = arith.constant 0 : i32
      %dma_wait3A_183 = arith.constant 0 : i32
      %dma_wait3A_184 = tpu.memref_slice %arg7[%dma_wait3A_182, %dma_wait3A_183] : memref<1024x32xbf16, #tpu.memory_space<vmem>> -> memref<128x32xbf16, #tpu.memory_space<vmem>>
      %dma_wait3A_185 = arith.constant 0 : i32
      %dma_wait3A_186 = tpu.memref_slice %arg8[%add3A_14, %dma_wait3A_185] : memref<100352x32xbf16, #tpu.memory_space<vmem_shared>> -> memref<128x32xbf16, #tpu.memory_space<vmem_shared>>
      %dma_wait3A_187 = arith.constant 0 : i32
      %dma_wait3A_188 = tpu.memref_slice %arg8[%add3A_14, %dma_wait3A_187] : memref<100352x32xbf16, #tpu.memory_space<vmem_shared>> -> memref<128x32xbf16, #tpu.memory_space<vmem_shared>>
      %dma_wait3A_189 = arith.constant 0 : i32
      %dma_wait3A_190 = arith.constant 0 : i32
      %dma_wait3A_191 = tpu.memref_slice %arg7[%dma_wait3A_189, %dma_wait3A_190] : memref<1024x32xbf16, #tpu.memory_space<vmem>> -> memref<128x32xbf16, #tpu.memory_space<vmem>>
      tpu.wait_dma2 semaphore(%run_scoped3A : memref<!tpu.dma_semaphore, #tpu.memory_space<semaphore_mem>>) src(%dma_wait3A_191 : memref<128x32xbf16, #tpu.memory_space<vmem>>) dst(%dma_wait3A_188 : memref<128x32xbf16, #tpu.memory_space<vmem_shared>>)
      tpu.yield
    }) : () -> ()
    %barrier3A = arith.constant 0 : index
    tpu.barrier barrier_id(%barrier3A)
    %mul3A_15 = arith.constant 2 : i32
    %mul3A_16 = arith.muli %arg1, %mul3A_15 : i32
    %add3A_17 = arith.addi %mul3A_16, %arg0 : i32
    %mul3A_18 = arith.constant 98 : i32
    %mul3A_19 = arith.muli %add3A_17, %mul3A_18 : i32
    %add3A_20 = arith.constant 0 : i32
    %add3A_21 = arith.addi %mul3A_19, %add3A_20 : i32
    %mul3A_22 = arith.constant 512 : i32
    %mul3A_23 = arith.muli %add3A_21, %mul3A_22 : i32
    %dma_start3A = arith.constant 0 : i32
    %dma_start3A_24 = arith.constant 0 : i32
    %dma_start3A_25 = arith.constant 0 : i32
    %dma_start3A_26 = tpu.memref_slice %arg6[%dma_start3A, %dma_start3A_24, %dma_start3A_25] : memref<2x2x512xi32, #tpu.memory_space<vmem>> -> memref<1x1x512xi32, #tpu.memory_space<vmem>>
    %dma_start3A_27 = tpu.memref_squeeze %dma_start3A_26 : memref<1x1x512xi32, #tpu.memory_space<vmem>> -> memref<512xi32, #tpu.memory_space<vmem>>
    %dma_start3A_28 = tpu.memref_slice %arg3[%mul3A_23] : memref<1605632xi32, #tpu.memory_space<hbm>> -> memref<512xi32, #tpu.memory_space<hbm>>
    %dma_start3A_29 = arith.constant 0 : i32
    %dma_start3A_30 = tpu.memref_slice %arg6[%dma_start3A, %dma_start3A_24, %dma_start3A_29] : memref<2x2x512xi32, #tpu.memory_space<vmem>> -> memref<1x1x512xi32, #tpu.memory_space<vmem>>
    %dma_start3A_31 = tpu.memref_squeeze %dma_start3A_30 : memref<1x1x512xi32, #tpu.memory_space<vmem>> -> memref<512xi32, #tpu.memory_space<vmem>>
    %dma_start3A_32 = tpu.memref_slice %arg3[%mul3A_23] : memref<1605632xi32, #tpu.memory_space<hbm>> -> memref<512xi32, #tpu.memory_space<hbm>>
    tpu.enqueue_dma source(%dma_start3A_32 : memref<512xi32, #tpu.memory_space<hbm>>) target(%dma_start3A_31 : memref<512xi32, #tpu.memory_space<vmem>>) target_semaphore(%arg13 : memref<!tpu.dma_semaphore, #tpu.memory_space<semaphore_mem>>)
    %dma_start3A_33 = arith.constant 0 : i32
    %dma_start3A_34 = arith.constant 1 : i32
    %dma_start3A_35 = arith.constant 0 : i32
    %dma_start3A_36 = tpu.memref_slice %arg6[%dma_start3A_33, %dma_start3A_34, %dma_start3A_35] : memref<2x2x512xi32, #tpu.memory_space<vmem>> -> memref<1x1x512xi32, #tpu.memory_space<vmem>>
    %dma_start3A_37 = tpu.memref_squeeze %dma_start3A_36 : memref<1x1x512xi32, #tpu.memory_space<vmem>> -> memref<512xi32, #tpu.memory_space<vmem>>
    %dma_start3A_38 = tpu.memref_slice %arg4[%mul3A_23] : memref<1605632xi32, #tpu.memory_space<hbm>> -> memref<512xi32, #tpu.memory_space<hbm>>
    %dma_start3A_39 = arith.constant 0 : i32
    %dma_start3A_40 = tpu.memref_slice %arg6[%dma_start3A_33, %dma_start3A_34, %dma_start3A_39] : memref<2x2x512xi32, #tpu.memory_space<vmem>> -> memref<1x1x512xi32, #tpu.memory_space<vmem>>
    %dma_start3A_41 = tpu.memref_squeeze %dma_start3A_40 : memref<1x1x512xi32, #tpu.memory_space<vmem>> -> memref<512xi32, #tpu.memory_space<vmem>>
    %dma_start3A_42 = tpu.memref_slice %arg4[%mul3A_23] : memref<1605632xi32, #tpu.memory_space<hbm>> -> memref<512xi32, #tpu.memory_space<hbm>>
    tpu.enqueue_dma source(%dma_start3A_42 : memref<512xi32, #tpu.memory_space<hbm>>) target(%dma_start3A_41 : memref<512xi32, #tpu.memory_space<vmem>>) target_semaphore(%arg13 : memref<!tpu.dma_semaphore, #tpu.memory_space<semaphore_mem>>)
    %dma_wait3A = arith.constant 0 : i32
    %dma_wait3A_43 = arith.constant 0 : i32
    %dma_wait3A_44 = arith.constant 0 : i32
    %dma_wait3A_45 = tpu.memref_slice %arg6[%dma_wait3A, %dma_wait3A_43, %dma_wait3A_44] : memref<2x2x512xi32, #tpu.memory_space<vmem>> -> memref<1x1x512xi32, #tpu.memory_space<vmem>>
    %dma_wait3A_46 = tpu.memref_squeeze %dma_wait3A_45 : memref<1x1x512xi32, #tpu.memory_space<vmem>> -> memref<512xi32, #tpu.memory_space<vmem>>
    %dma_wait3A_47 = arith.constant 0 : i32
    %dma_wait3A_48 = tpu.memref_slice %arg3[%dma_wait3A_47] : memref<1605632xi32, #tpu.memory_space<hbm>> -> memref<512xi32, #tpu.memory_space<hbm>>
    %dma_wait3A_49 = arith.constant 0 : i32
    %dma_wait3A_50 = tpu.memref_slice %arg6[%dma_wait3A, %dma_wait3A_43, %dma_wait3A_49] : memref<2x2x512xi32, #tpu.memory_space<vmem>> -> memref<1x1x512xi32, #tpu.memory_space<vmem>>
    %dma_wait3A_51 = tpu.memref_squeeze %dma_wait3A_50 : memref<1x1x512xi32, #tpu.memory_space<vmem>> -> memref<512xi32, #tpu.memory_space<vmem>>
    %dma_wait3A_52 = arith.constant 0 : i32
    %dma_wait3A_53 = tpu.memref_slice %arg3[%dma_wait3A_52] : memref<1605632xi32, #tpu.memory_space<hbm>> -> memref<512xi32, #tpu.memory_space<hbm>>
    tpu.wait_dma2 semaphore(%arg13 : memref<!tpu.dma_semaphore, #tpu.memory_space<semaphore_mem>>) src(%dma_wait3A_53 : memref<512xi32, #tpu.memory_space<hbm>>) dst(%dma_wait3A_51 : memref<512xi32, #tpu.memory_space<vmem>>)
    %dma_wait3A_54 = arith.constant 0 : i32
    %dma_wait3A_55 = arith.constant 1 : i32
    %dma_wait3A_56 = arith.constant 0 : i32
    %dma_wait3A_57 = tpu.memref_slice %arg6[%dma_wait3A_54, %dma_wait3A_55, %dma_wait3A_56] : memref<2x2x512xi32, #tpu.memory_space<vmem>> -> memref<1x1x512xi32, #tpu.memory_space<vmem>>
    %dma_wait3A_58 = tpu.memref_squeeze %dma_wait3A_57 : memref<1x1x512xi32, #tpu.memory_space<vmem>> -> memref<512xi32, #tpu.memory_space<vmem>>
    %dma_wait3A_59 = arith.constant 0 : i32
    %dma_wait3A_60 = tpu.memref_slice %arg3[%dma_wait3A_59] : memref<1605632xi32, #tpu.memory_space<hbm>> -> memref<512xi32, #tpu.memory_space<hbm>>
    %dma_wait3A_61 = arith.constant 0 : i32
    %dma_wait3A_62 = tpu.memref_slice %arg6[%dma_wait3A_54, %dma_wait3A_55, %dma_wait3A_61] : memref<2x2x512xi32, #tpu.memory_space<vmem>> -> memref<1x1x512xi32, #tpu.memory_space<vmem>>
    %dma_wait3A_63 = tpu.memref_squeeze %dma_wait3A_62 : memref<1x1x512xi32, #tpu.memory_space<vmem>> -> memref<512xi32, #tpu.memory_space<vmem>>
    %dma_wait3A_64 = arith.constant 0 : i32
    %dma_wait3A_65 = tpu.memref_slice %arg3[%dma_wait3A_64] : memref<1605632xi32, #tpu.memory_space<hbm>> -> memref<512xi32, #tpu.memory_space<hbm>>
    tpu.wait_dma2 semaphore(%arg13 : memref<!tpu.dma_semaphore, #tpu.memory_space<semaphore_mem>>) src(%dma_wait3A_65 : memref<512xi32, #tpu.memory_space<hbm>>) dst(%dma_wait3A_63 : memref<512xi32, #tpu.memory_space<vmem>>)
    %dma_start3A_66 = arith.constant 0 : i32
    %dma_start3A_67 = arith.constant 0 : i32
    %dma_start3A_68 = arith.constant 0 : i32
    %dma_start3A_69 = arith.constant 0 : i32
    %dma_start3A_70 = tpu.memref_slice %arg7[%dma_start3A_68, %dma_start3A_69] : memref<1024x32xbf16, #tpu.memory_space<vmem>> -> memref<512x32xbf16, #tpu.memory_space<vmem>>
    %dma_start3A_71 = arith.constant 0 : i32
    %dma_start3A_72 = tpu.memref_slice %arg6[%dma_start3A_66, %dma_start3A_67, %dma_start3A_71] : memref<2x2x512xi32, #tpu.memory_space<vmem>> -> memref<1x1x512xi32, #tpu.memory_space<vmem>>
    %dma_start3A_73 = tpu.memref_squeeze %dma_start3A_72 : memref<1x1x512xi32, #tpu.memory_space<vmem>> -> memref<512xi32, #tpu.memory_space<vmem>>
    %dma_start3A_74 = arith.constant 0 : i32
    %dma_start3A_75 = arith.constant 0 : i32
    %dma_start3A_76 = tpu.memref_slice %arg2[%dma_start3A_74, %dma_start3A_75] : memref<100352x32xbf16, #tpu.memory_space<hbm>> -> memref<100352x32xbf16, #tpu.memory_space<hbm>>
    tpu.enqueue_indirect_dma source(%dma_start3A_76 : memref<100352x32xbf16, #tpu.memory_space<hbm>>) target(%dma_start3A_70 : memref<512x32xbf16, #tpu.memory_space<vmem>>) offsets(%dma_start3A_73 : memref<512xi32, #tpu.memory_space<vmem>>) semaphore(%arg9 : memref<!tpu.dma_semaphore, #tpu.memory_space<semaphore_mem>>)
    %scan3A_77 = arith.constant 0 : i32
    %scan3A_78 = arith.constant 0 : i32
    %scan3A_79 = arith.constant 49 : i32
    %scan3A_80 = arith.addi %scan3A_78, %scan3A_79 : i32
    %scan3A_81 = arith.constant 1 : i32
    %scan3A_82 = scf.for %scan3A_172 = %scan3A_78 to %scan3A_80 step %scan3A_81 iter_args(%scan3A_173 = %scan3A_77) -> (i32)  : i32 {
      %mul3A_174 = arith.constant 2 : i32
      %mul3A_175 = arith.muli %mul3A_174, %scan3A_172 : i32
      %gt3A = arith.constant 0 : i32
      %gt3A_176 = arith.cmpi sgt, %scan3A_172, %gt3A : i32
      %convert_element_type3A = arith.extui %gt3A_176 : i1 to i32
      %cond3A = arith.constant 0 : i32
      %cond3A_177 = arith.cmpi ne, %convert_element_type3A, %cond3A : i32
      scf.if %cond3A_177 {
        %dma_wait3A_296 = arith.constant 512 : i32
        %dma_wait3A_297 = arith.constant 0 : i32
        %dma_wait3A_298 = tpu.memref_slice %arg7[%dma_wait3A_296, %dma_wait3A_297] : memref<1024x32xbf16, #tpu.memory_space<vmem>> -> memref<512x32xbf16, #tpu.memory_space<vmem>>
        %dma_wait3A_299 = arith.constant 0 : i32
        %dma_wait3A_300 = arith.constant 0 : i32
        %dma_wait3A_301 = tpu.memref_slice %arg2[%dma_wait3A_299, %dma_wait3A_300] : memref<100352x32xbf16, #tpu.memory_space<hbm>> -> memref<512x32xbf16, #tpu.memory_space<hbm>>
        %dma_wait3A_302 = arith.constant 512 : i32
        %dma_wait3A_303 = arith.constant 0 : i32
        %dma_wait3A_304 = tpu.memref_slice %arg7[%dma_wait3A_302, %dma_wait3A_303] : memref<1024x32xbf16, #tpu.memory_space<vmem>> -> memref<512x32xbf16, #tpu.memory_space<vmem>>
        %dma_wait3A_305 = arith.constant 0 : i32
        %dma_wait3A_306 = arith.constant 0 : i32
        %dma_wait3A_307 = tpu.memref_slice %arg2[%dma_wait3A_305, %dma_wait3A_306] : memref<100352x32xbf16, #tpu.memory_space<hbm>> -> memref<512x32xbf16, #tpu.memory_space<hbm>>
        tpu.wait_dma2 semaphore(%arg12 : memref<!tpu.dma_semaphore, #tpu.memory_space<semaphore_mem>>) src(%dma_wait3A_307 : memref<512x32xbf16, #tpu.memory_space<hbm>>) dst(%dma_wait3A_304 : memref<512x32xbf16, #tpu.memory_space<vmem>>)
      } else {
      }
      %add3A_178 = arith.constant 1 : i32
      %add3A_179 = arith.addi %mul3A_175, %add3A_178 : i32
      %mul3A_180 = arith.constant 2 : i32
      %mul3A_181 = arith.muli %arg1, %mul3A_180 : i32
      %add3A_182 = arith.addi %mul3A_181, %arg0 : i32
      %mul3A_183 = arith.constant 98 : i32
      %mul3A_184 = arith.muli %add3A_182, %mul3A_183 : i32
      %add3A_185 = arith.addi %mul3A_184, %add3A_179 : i32
      %mul3A_186 = arith.constant 512 : i32
      %mul3A_187 = arith.muli %add3A_185, %mul3A_186 : i32
      %dma_start3A_188 = arith.constant 1 : i32
      %dma_start3A_189 = arith.constant 0 : i32
      %dma_start3A_190 = arith.constant 0 : i32
      %dma_start3A_191 = tpu.memref_slice %arg6[%dma_start3A_188, %dma_start3A_189, %dma_start3A_190] : memref<2x2x512xi32, #tpu.memory_space<vmem>> -> memref<1x1x512xi32, #tpu.memory_space<vmem>>
      %dma_start3A_192 = tpu.memref_squeeze %dma_start3A_191 : memref<1x1x512xi32, #tpu.memory_space<vmem>> -> memref<512xi32, #tpu.memory_space<vmem>>
      %dma_start3A_193 = tpu.memref_slice %arg3[%mul3A_187] : memref<1605632xi32, #tpu.memory_space<hbm>> -> memref<512xi32, #tpu.memory_space<hbm>>
      %dma_start3A_194 = arith.constant 0 : i32
      %dma_start3A_195 = tpu.memref_slice %arg6[%dma_start3A_188, %dma_start3A_189, %dma_start3A_194] : memref<2x2x512xi32, #tpu.memory_space<vmem>> -> memref<1x1x512xi32, #tpu.memory_space<vmem>>
      %dma_start3A_196 = tpu.memref_squeeze %dma_start3A_195 : memref<1x1x512xi32, #tpu.memory_space<vmem>> -> memref<512xi32, #tpu.memory_space<vmem>>
      %dma_start3A_197 = tpu.memref_slice %arg3[%mul3A_187] : memref<1605632xi32, #tpu.memory_space<hbm>> -> memref<512xi32, #tpu.memory_space<hbm>>
      tpu.enqueue_dma source(%dma_start3A_197 : memref<512xi32, #tpu.memory_space<hbm>>) target(%dma_start3A_196 : memref<512xi32, #tpu.memory_space<vmem>>) target_semaphore(%arg14 : memref<!tpu.dma_semaphore, #tpu.memory_space<semaphore_mem>>)
      %dma_start3A_198 = arith.constant 1 : i32
      %dma_start3A_199 = arith.constant 1 : i32
      %dma_start3A_200 = arith.constant 0 : i32
      %dma_start3A_201 = tpu.memref_slice %arg6[%dma_start3A_198, %dma_start3A_199, %dma_start3A_200] : memref<2x2x512xi32, #tpu.memory_space<vmem>> -> memref<1x1x512xi32, #tpu.memory_space<vmem>>
      %dma_start3A_202 = tpu.memref_squeeze %dma_start3A_201 : memref<1x1x512xi32, #tpu.memory_space<vmem>> -> memref<512xi32, #tpu.memory_space<vmem>>
      %dma_start3A_203 = tpu.memref_slice %arg4[%mul3A_187] : memref<1605632xi32, #tpu.memory_space<hbm>> -> memref<512xi32, #tpu.memory_space<hbm>>
      %dma_start3A_204 = arith.constant 0 : i32
      %dma_start3A_205 = tpu.memref_slice %arg6[%dma_start3A_198, %dma_start3A_199, %dma_start3A_204] : memref<2x2x512xi32, #tpu.memory_space<vmem>> -> memref<1x1x512xi32, #tpu.memory_space<vmem>>
      %dma_start3A_206 = tpu.memref_squeeze %dma_start3A_205 : memref<1x1x512xi32, #tpu.memory_space<vmem>> -> memref<512xi32, #tpu.memory_space<vmem>>
      %dma_start3A_207 = tpu.memref_slice %arg4[%mul3A_187] : memref<1605632xi32, #tpu.memory_space<hbm>> -> memref<512xi32, #tpu.memory_space<hbm>>
      tpu.enqueue_dma source(%dma_start3A_207 : memref<512xi32, #tpu.memory_space<hbm>>) target(%dma_start3A_206 : memref<512xi32, #tpu.memory_space<vmem>>) target_semaphore(%arg14 : memref<!tpu.dma_semaphore, #tpu.memory_space<semaphore_mem>>)
      %dma_wait3A_208 = arith.constant 1 : i32
      %dma_wait3A_209 = arith.constant 0 : i32
      %dma_wait3A_210 = arith.constant 0 : i32
      %dma_wait3A_211 = tpu.memref_slice %arg6[%dma_wait3A_208, %dma_wait3A_209, %dma_wait3A_210] : memref<2x2x512xi32, #tpu.memory_space<vmem>> -> memref<1x1x512xi32, #tpu.memory_space<vmem>>
      %dma_wait3A_212 = tpu.memref_squeeze %dma_wait3A_211 : memref<1x1x512xi32, #tpu.memory_space<vmem>> -> memref<512xi32, #tpu.memory_space<vmem>>
      %dma_wait3A_213 = arith.constant 0 : i32
      %dma_wait3A_214 = tpu.memref_slice %arg3[%dma_wait3A_213] : memref<1605632xi32, #tpu.memory_space<hbm>> -> memref<512xi32, #tpu.memory_space<hbm>>
      %dma_wait3A_215 = arith.constant 0 : i32
      %dma_wait3A_216 = tpu.memref_slice %arg6[%dma_wait3A_208, %dma_wait3A_209, %dma_wait3A_215] : memref<2x2x512xi32, #tpu.memory_space<vmem>> -> memref<1x1x512xi32, #tpu.memory_space<vmem>>
      %dma_wait3A_217 = tpu.memref_squeeze %dma_wait3A_216 : memref<1x1x512xi32, #tpu.memory_space<vmem>> -> memref<512xi32, #tpu.memory_space<vmem>>
      %dma_wait3A_218 = arith.constant 0 : i32
      %dma_wait3A_219 = tpu.memref_slice %arg3[%dma_wait3A_218] : memref<1605632xi32, #tpu.memory_space<hbm>> -> memref<512xi32, #tpu.memory_space<hbm>>
      tpu.wait_dma2 semaphore(%arg14 : memref<!tpu.dma_semaphore, #tpu.memory_space<semaphore_mem>>) src(%dma_wait3A_219 : memref<512xi32, #tpu.memory_space<hbm>>) dst(%dma_wait3A_217 : memref<512xi32, #tpu.memory_space<vmem>>)
      %dma_wait3A_220 = arith.constant 1 : i32
      %dma_wait3A_221 = arith.constant 1 : i32
      %dma_wait3A_222 = arith.constant 0 : i32
      %dma_wait3A_223 = tpu.memref_slice %arg6[%dma_wait3A_220, %dma_wait3A_221, %dma_wait3A_222] : memref<2x2x512xi32, #tpu.memory_space<vmem>> -> memref<1x1x512xi32, #tpu.memory_space<vmem>>
      %dma_wait3A_224 = tpu.memref_squeeze %dma_wait3A_223 : memref<1x1x512xi32, #tpu.memory_space<vmem>> -> memref<512xi32, #tpu.memory_space<vmem>>
      %dma_wait3A_225 = arith.constant 0 : i32
      %dma_wait3A_226 = tpu.memref_slice %arg3[%dma_wait3A_225] : memref<1605632xi32, #tpu.memory_space<hbm>> -> memref<512xi32, #tpu.memory_space<hbm>>
      %dma_wait3A_227 = arith.constant 0 : i32
      %dma_wait3A_228 = tpu.memref_slice %arg6[%dma_wait3A_220, %dma_wait3A_221, %dma_wait3A_227] : memref<2x2x512xi32, #tpu.memory_space<vmem>> -> memref<1x1x512xi32, #tpu.memory_space<vmem>>
      %dma_wait3A_229 = tpu.memref_squeeze %dma_wait3A_228 : memref<1x1x512xi32, #tpu.memory_space<vmem>> -> memref<512xi32, #tpu.memory_space<vmem>>
      %dma_wait3A_230 = arith.constant 0 : i32
      %dma_wait3A_231 = tpu.memref_slice %arg3[%dma_wait3A_230] : memref<1605632xi32, #tpu.memory_space<hbm>> -> memref<512xi32, #tpu.memory_space<hbm>>
      tpu.wait_dma2 semaphore(%arg14 : memref<!tpu.dma_semaphore, #tpu.memory_space<semaphore_mem>>) src(%dma_wait3A_231 : memref<512xi32, #tpu.memory_space<hbm>>) dst(%dma_wait3A_229 : memref<512xi32, #tpu.memory_space<vmem>>)
      %dma_start3A_232 = arith.constant 1 : i32
      %dma_start3A_233 = arith.constant 0 : i32
      %dma_start3A_234 = arith.constant 512 : i32
      %dma_start3A_235 = arith.constant 0 : i32
      %dma_start3A_236 = tpu.memref_slice %arg7[%dma_start3A_234, %dma_start3A_235] : memref<1024x32xbf16, #tpu.memory_space<vmem>> -> memref<512x32xbf16, #tpu.memory_space<vmem>>
      %dma_start3A_237 = arith.constant 0 : i32
      %dma_start3A_238 = tpu.memref_slice %arg6[%dma_start3A_232, %dma_start3A_233, %dma_start3A_237] : memref<2x2x512xi32, #tpu.memory_space<vmem>> -> memref<1x1x512xi32, #tpu.memory_space<vmem>>
      %dma_start3A_239 = tpu.memref_squeeze %dma_start3A_238 : memref<1x1x512xi32, #tpu.memory_space<vmem>> -> memref<512xi32, #tpu.memory_space<vmem>>
      %dma_start3A_240 = arith.constant 0 : i32
      %dma_start3A_241 = arith.constant 0 : i32
      %dma_start3A_242 = tpu.memref_slice %arg2[%dma_start3A_240, %dma_start3A_241] : memref<100352x32xbf16, #tpu.memory_space<hbm>> -> memref<100352x32xbf16, #tpu.memory_space<hbm>>
      tpu.enqueue_indirect_dma source(%dma_start3A_242 : memref<100352x32xbf16, #tpu.memory_space<hbm>>) target(%dma_start3A_236 : memref<512x32xbf16, #tpu.memory_space<vmem>>) offsets(%dma_start3A_239 : memref<512xi32, #tpu.memory_space<vmem>>) semaphore(%arg10 : memref<!tpu.dma_semaphore, #tpu.memory_space<semaphore_mem>>)
      %dma_wait3A_243 = arith.constant 0 : i32
      %dma_wait3A_244 = arith.constant 0 : i32
      %dma_wait3A_245 = tpu.memref_slice %arg7[%dma_wait3A_243, %dma_wait3A_244] : memref<1024x32xbf16, #tpu.memory_space<vmem>> -> memref<512x32xbf16, #tpu.memory_space<vmem>>
      %dma_wait3A_246 = arith.constant 0 : i32
      %dma_wait3A_247 = arith.constant 0 : i32
      %dma_wait3A_248 = tpu.memref_slice %arg2[%dma_wait3A_246, %dma_wait3A_247] : memref<100352x32xbf16, #tpu.memory_space<hbm>> -> memref<512x32xbf16, #tpu.memory_space<hbm>>
      %dma_wait3A_249 = arith.constant 0 : i32
      %dma_wait3A_250 = arith.constant 0 : i32
      %dma_wait3A_251 = tpu.memref_slice %arg7[%dma_wait3A_249, %dma_wait3A_250] : memref<1024x32xbf16, #tpu.memory_space<vmem>> -> memref<512x32xbf16, #tpu.memory_space<vmem>>
      %dma_wait3A_252 = arith.constant 0 : i32
      %dma_wait3A_253 = arith.constant 0 : i32
      %dma_wait3A_254 = tpu.memref_slice %arg2[%dma_wait3A_252, %dma_wait3A_253] : memref<100352x32xbf16, #tpu.memory_space<hbm>> -> memref<512x32xbf16, #tpu.memory_space<hbm>>
      tpu.wait_dma2 semaphore(%arg9 : memref<!tpu.dma_semaphore, #tpu.memory_space<semaphore_mem>>) src(%dma_wait3A_254 : memref<512x32xbf16, #tpu.memory_space<hbm>>) dst(%dma_wait3A_251 : memref<512x32xbf16, #tpu.memory_space<vmem>>)
      %dma_start3A_255 = arith.constant 0 : i32
      %dma_start3A_256 = arith.constant 1 : i32
      %dma_start3A_257 = arith.constant 0 : i32
      %dma_start3A_258 = arith.constant 0 : i32
      %dma_start3A_259 = tpu.memref_slice %arg7[%dma_start3A_257, %dma_start3A_258] : memref<1024x32xbf16, #tpu.memory_space<vmem>> -> memref<512x32xbf16, #tpu.memory_space<vmem>>
      %dma_start3A_260 = arith.constant 0 : i32
      %dma_start3A_261 = tpu.memref_slice %arg6[%dma_start3A_255, %dma_start3A_256, %dma_start3A_260] : memref<2x2x512xi32, #tpu.memory_space<vmem>> -> memref<1x1x512xi32, #tpu.memory_space<vmem>>
      %dma_start3A_262 = tpu.memref_squeeze %dma_start3A_261 : memref<1x1x512xi32, #tpu.memory_space<vmem>> -> memref<512xi32, #tpu.memory_space<vmem>>
      %dma_start3A_263 = arith.constant 0 : i32
      %dma_start3A_264 = arith.constant 0 : i32
      %dma_start3A_265 = tpu.memref_slice %arg8[%dma_start3A_263, %dma_start3A_264] : memref<100352x32xbf16, #tpu.memory_space<vmem_shared>> -> memref<100352x32xbf16, #tpu.memory_space<vmem_shared>>
      tpu.enqueue_indirect_dma source(%dma_start3A_259 : memref<512x32xbf16, #tpu.memory_space<vmem>>) target(%dma_start3A_265 : memref<100352x32xbf16, #tpu.memory_space<vmem_shared>>) offsets(%dma_start3A_262 : memref<512xi32, #tpu.memory_space<vmem>>) semaphore(%arg11 : memref<!tpu.dma_semaphore, #tpu.memory_space<semaphore_mem>>) {add = true}
      %add3A_266 = arith.constant 1 : i32
      %add3A_267 = arith.addi %scan3A_172, %add3A_266 : i32
      %lt3A = arith.constant 49 : i32
      %lt3A_268 = arith.cmpi slt, %add3A_267, %lt3A : i32
      %convert_element_type3A_269 = arith.extui %lt3A_268 : i1 to i32
      %cond3A_270 = arith.constant 0 : i32
      %cond3A_271 = arith.cmpi ne, %convert_element_type3A_269, %cond3A_270 : i32
      scf.if %cond3A_271 {
        %dma_wait3A_296 = arith.constant 0 : i32
        %dma_wait3A_297 = arith.constant 0 : i32
        %dma_wait3A_298 = tpu.memref_slice %arg7[%dma_wait3A_296, %dma_wait3A_297] : memref<1024x32xbf16, #tpu.memory_space<vmem>> -> memref<512x32xbf16, #tpu.memory_space<vmem>>
        %dma_wait3A_299 = arith.constant 0 : i32
        %dma_wait3A_300 = arith.constant 0 : i32
        %dma_wait3A_301 = tpu.memref_slice %arg2[%dma_wait3A_299, %dma_wait3A_300] : memref<100352x32xbf16, #tpu.memory_space<hbm>> -> memref<512x32xbf16, #tpu.memory_space<hbm>>
        %dma_wait3A_302 = arith.constant 0 : i32
        %dma_wait3A_303 = arith.constant 0 : i32
        %dma_wait3A_304 = tpu.memref_slice %arg7[%dma_wait3A_302, %dma_wait3A_303] : memref<1024x32xbf16, #tpu.memory_space<vmem>> -> memref<512x32xbf16, #tpu.memory_space<vmem>>
        %dma_wait3A_305 = arith.constant 0 : i32
        %dma_wait3A_306 = arith.constant 0 : i32
        %dma_wait3A_307 = tpu.memref_slice %arg2[%dma_wait3A_305, %dma_wait3A_306] : memref<100352x32xbf16, #tpu.memory_space<hbm>> -> memref<512x32xbf16, #tpu.memory_space<hbm>>
        tpu.wait_dma2 semaphore(%arg11 : memref<!tpu.dma_semaphore, #tpu.memory_space<semaphore_mem>>) src(%dma_wait3A_307 : memref<512x32xbf16, #tpu.memory_space<hbm>>) dst(%dma_wait3A_304 : memref<512x32xbf16, #tpu.memory_space<vmem>>)
        %add3A_308 = arith.constant 2 : i32
        %add3A_309 = arith.addi %mul3A_175, %add3A_308 : i32
        %mul3A_310 = arith.constant 2 : i32
        %mul3A_311 = arith.muli %arg1, %mul3A_310 : i32
        %add3A_312 = arith.addi %mul3A_311, %arg0 : i32
        %mul3A_313 = arith.constant 98 : i32
        %mul3A_314 = arith.muli %add3A_312, %mul3A_313 : i32
        %add3A_315 = arith.addi %mul3A_314, %add3A_309 : i32
        %mul3A_316 = arith.constant 512 : i32
        %mul3A_317 = arith.muli %add3A_315, %mul3A_316 : i32
        %dma_start3A_318 = arith.constant 0 : i32
        %dma_start3A_319 = arith.constant 0 : i32
        %dma_start3A_320 = arith.constant 0 : i32
        %dma_start3A_321 = tpu.memref_slice %arg6[%dma_start3A_318, %dma_start3A_319, %dma_start3A_320] : memref<2x2x512xi32, #tpu.memory_space<vmem>> -> memref<1x1x512xi32, #tpu.memory_space<vmem>>
        %dma_start3A_322 = tpu.memref_squeeze %dma_start3A_321 : memref<1x1x512xi32, #tpu.memory_space<vmem>> -> memref<512xi32, #tpu.memory_space<vmem>>
        %dma_start3A_323 = tpu.memref_slice %arg3[%mul3A_317] : memref<1605632xi32, #tpu.memory_space<hbm>> -> memref<512xi32, #tpu.memory_space<hbm>>
        %dma_start3A_324 = arith.constant 0 : i32
        %dma_start3A_325 = tpu.memref_slice %arg6[%dma_start3A_318, %dma_start3A_319, %dma_start3A_324] : memref<2x2x512xi32, #tpu.memory_space<vmem>> -> memref<1x1x512xi32, #tpu.memory_space<vmem>>
        %dma_start3A_326 = tpu.memref_squeeze %dma_start3A_325 : memref<1x1x512xi32, #tpu.memory_space<vmem>> -> memref<512xi32, #tpu.memory_space<vmem>>
        %dma_start3A_327 = tpu.memref_slice %arg3[%mul3A_317] : memref<1605632xi32, #tpu.memory_space<hbm>> -> memref<512xi32, #tpu.memory_space<hbm>>
        tpu.enqueue_dma source(%dma_start3A_327 : memref<512xi32, #tpu.memory_space<hbm>>) target(%dma_start3A_326 : memref<512xi32, #tpu.memory_space<vmem>>) target_semaphore(%arg13 : memref<!tpu.dma_semaphore, #tpu.memory_space<semaphore_mem>>)
        %dma_start3A_328 = arith.constant 0 : i32
        %dma_start3A_329 = arith.constant 1 : i32
        %dma_start3A_330 = arith.constant 0 : i32
        %dma_start3A_331 = tpu.memref_slice %arg6[%dma_start3A_328, %dma_start3A_329, %dma_start3A_330] : memref<2x2x512xi32, #tpu.memory_space<vmem>> -> memref<1x1x512xi32, #tpu.memory_space<vmem>>
        %dma_start3A_332 = tpu.memref_squeeze %dma_start3A_331 : memref<1x1x512xi32, #tpu.memory_space<vmem>> -> memref<512xi32, #tpu.memory_space<vmem>>
        %dma_start3A_333 = tpu.memref_slice %arg4[%mul3A_317] : memref<1605632xi32, #tpu.memory_space<hbm>> -> memref<512xi32, #tpu.memory_space<hbm>>
        %dma_start3A_334 = arith.constant 0 : i32
        %dma_start3A_335 = tpu.memref_slice %arg6[%dma_start3A_328, %dma_start3A_329, %dma_start3A_334] : memref<2x2x512xi32, #tpu.memory_space<vmem>> -> memref<1x1x512xi32, #tpu.memory_space<vmem>>
        %dma_start3A_336 = tpu.memref_squeeze %dma_start3A_335 : memref<1x1x512xi32, #tpu.memory_space<vmem>> -> memref<512xi32, #tpu.memory_space<vmem>>
        %dma_start3A_337 = tpu.memref_slice %arg4[%mul3A_317] : memref<1605632xi32, #tpu.memory_space<hbm>> -> memref<512xi32, #tpu.memory_space<hbm>>
        tpu.enqueue_dma source(%dma_start3A_337 : memref<512xi32, #tpu.memory_space<hbm>>) target(%dma_start3A_336 : memref<512xi32, #tpu.memory_space<vmem>>) target_semaphore(%arg13 : memref<!tpu.dma_semaphore, #tpu.memory_space<semaphore_mem>>)
        %dma_wait3A_338 = arith.constant 0 : i32
        %dma_wait3A_339 = arith.constant 0 : i32
        %dma_wait3A_340 = arith.constant 0 : i32
        %dma_wait3A_341 = tpu.memref_slice %arg6[%dma_wait3A_338, %dma_wait3A_339, %dma_wait3A_340] : memref<2x2x512xi32, #tpu.memory_space<vmem>> -> memref<1x1x512xi32, #tpu.memory_space<vmem>>
        %dma_wait3A_342 = tpu.memref_squeeze %dma_wait3A_341 : memref<1x1x512xi32, #tpu.memory_space<vmem>> -> memref<512xi32, #tpu.memory_space<vmem>>
        %dma_wait3A_343 = arith.constant 0 : i32
        %dma_wait3A_344 = tpu.memref_slice %arg3[%dma_wait3A_343] : memref<1605632xi32, #tpu.memory_space<hbm>> -> memref<512xi32, #tpu.memory_space<hbm>>
        %dma_wait3A_345 = arith.constant 0 : i32
        %dma_wait3A_346 = tpu.memref_slice %arg6[%dma_wait3A_338, %dma_wait3A_339, %dma_wait3A_345] : memref<2x2x512xi32, #tpu.memory_space<vmem>> -> memref<1x1x512xi32, #tpu.memory_space<vmem>>
        %dma_wait3A_347 = tpu.memref_squeeze %dma_wait3A_346 : memref<1x1x512xi32, #tpu.memory_space<vmem>> -> memref<512xi32, #tpu.memory_space<vmem>>
        %dma_wait3A_348 = arith.constant 0 : i32
        %dma_wait3A_349 = tpu.memref_slice %arg3[%dma_wait3A_348] : memref<1605632xi32, #tpu.memory_space<hbm>> -> memref<512xi32, #tpu.memory_space<hbm>>
        tpu.wait_dma2 semaphore(%arg13 : memref<!tpu.dma_semaphore, #tpu.memory_space<semaphore_mem>>) src(%dma_wait3A_349 : memref<512xi32, #tpu.memory_space<hbm>>) dst(%dma_wait3A_347 : memref<512xi32, #tpu.memory_space<vmem>>)
        %dma_wait3A_350 = arith.constant 0 : i32
        %dma_wait3A_351 = arith.constant 1 : i32
        %dma_wait3A_352 = arith.constant 0 : i32
        %dma_wait3A_353 = tpu.memref_slice %arg6[%dma_wait3A_350, %dma_wait3A_351, %dma_wait3A_352] : memref<2x2x512xi32, #tpu.memory_space<vmem>> -> memref<1x1x512xi32, #tpu.memory_space<vmem>>
        %dma_wait3A_354 = tpu.memref_squeeze %dma_wait3A_353 : memref<1x1x512xi32, #tpu.memory_space<vmem>> -> memref<512xi32, #tpu.memory_space<vmem>>
        %dma_wait3A_355 = arith.constant 0 : i32
        %dma_wait3A_356 = tpu.memref_slice %arg3[%dma_wait3A_355] : memref<1605632xi32, #tpu.memory_space<hbm>> -> memref<512xi32, #tpu.memory_space<hbm>>
        %dma_wait3A_357 = arith.constant 0 : i32
        %dma_wait3A_358 = tpu.memref_slice %arg6[%dma_wait3A_350, %dma_wait3A_351, %dma_wait3A_357] : memref<2x2x512xi32, #tpu.memory_space<vmem>> -> memref<1x1x512xi32, #tpu.memory_space<vmem>>
        %dma_wait3A_359 = tpu.memref_squeeze %dma_wait3A_358 : memref<1x1x512xi32, #tpu.memory_space<vmem>> -> memref<512xi32, #tpu.memory_space<vmem>>
        %dma_wait3A_360 = arith.constant 0 : i32
        %dma_wait3A_361 = tpu.memref_slice %arg3[%dma_wait3A_360] : memref<1605632xi32, #tpu.memory_space<hbm>> -> memref<512xi32, #tpu.memory_space<hbm>>
        tpu.wait_dma2 semaphore(%arg13 : memref<!tpu.dma_semaphore, #tpu.memory_space<semaphore_mem>>) src(%dma_wait3A_361 : memref<512xi32, #tpu.memory_space<hbm>>) dst(%dma_wait3A_359 : memref<512xi32, #tpu.memory_space<vmem>>)
        %dma_start3A_362 = arith.constant 0 : i32
        %dma_start3A_363 = arith.constant 0 : i32
        %dma_start3A_364 = arith.constant 0 : i32
        %dma_start3A_365 = arith.constant 0 : i32
        %dma_start3A_366 = tpu.memref_slice %arg7[%dma_start3A_364, %dma_start3A_365] : memref<1024x32xbf16, #tpu.memory_space<vmem>> -> memref<512x32xbf16, #tpu.memory_space<vmem>>
        %dma_start3A_367 = arith.constant 0 : i32
        %dma_start3A_368 = tpu.memref_slice %arg6[%dma_start3A_362, %dma_start3A_363, %dma_start3A_367] : memref<2x2x512xi32, #tpu.memory_space<vmem>> -> memref<1x1x512xi32, #tpu.memory_space<vmem>>
        %dma_start3A_369 = tpu.memref_squeeze %dma_start3A_368 : memref<1x1x512xi32, #tpu.memory_space<vmem>> -> memref<512xi32, #tpu.memory_space<vmem>>
        %dma_start3A_370 = arith.constant 0 : i32
        %dma_start3A_371 = arith.constant 0 : i32
        %dma_start3A_372 = tpu.memref_slice %arg2[%dma_start3A_370, %dma_start3A_371] : memref<100352x32xbf16, #tpu.memory_space<hbm>> -> memref<100352x32xbf16, #tpu.memory_space<hbm>>
        tpu.enqueue_indirect_dma source(%dma_start3A_372 : memref<100352x32xbf16, #tpu.memory_space<hbm>>) target(%dma_start3A_366 : memref<512x32xbf16, #tpu.memory_space<vmem>>) offsets(%dma_start3A_369 : memref<512xi32, #tpu.memory_space<vmem>>) semaphore(%arg9 : memref<!tpu.dma_semaphore, #tpu.memory_space<semaphore_mem>>)
      } else {
      }
      %dma_wait3A_272 = arith.constant 512 : i32
      %dma_wait3A_273 = arith.constant 0 : i32
      %dma_wait3A_274 = tpu.memref_slice %arg7[%dma_wait3A_272, %dma_wait3A_273] : memref<1024x32xbf16, #tpu.memory_space<vmem>> -> memref<512x32xbf16, #tpu.memory_space<vmem>>
      %dma_wait3A_275 = arith.constant 0 : i32
      %dma_wait3A_276 = arith.constant 0 : i32
      %dma_wait3A_277 = tpu.memref_slice %arg2[%dma_wait3A_275, %dma_wait3A_276] : memref<100352x32xbf16, #tpu.memory_space<hbm>> -> memref<512x32xbf16, #tpu.memory_space<hbm>>
      %dma_wait3A_278 = arith.constant 512 : i32
      %dma_wait3A_279 = arith.constant 0 : i32
      %dma_wait3A_280 = tpu.memref_slice %arg7[%dma_wait3A_278, %dma_wait3A_279] : memref<1024x32xbf16, #tpu.memory_space<vmem>> -> memref<512x32xbf16, #tpu.memory_space<vmem>>
      %dma_wait3A_281 = arith.constant 0 : i32
      %dma_wait3A_282 = arith.constant 0 : i32
      %dma_wait3A_283 = tpu.memref_slice %arg2[%dma_wait3A_281, %dma_wait3A_282] : memref<100352x32xbf16, #tpu.memory_space<hbm>> -> memref<512x32xbf16, #tpu.memory_space<hbm>>
      tpu.wait_dma2 semaphore(%arg10 : memref<!tpu.dma_semaphore, #tpu.memory_space<semaphore_mem>>) src(%dma_wait3A_283 : memref<512x32xbf16, #tpu.memory_space<hbm>>) dst(%dma_wait3A_280 : memref<512x32xbf16, #tpu.memory_space<vmem>>)
      %dma_start3A_284 = arith.constant 1 : i32
      %dma_start3A_285 = arith.constant 1 : i32
      %dma_start3A_286 = arith.constant 512 : i32
      %dma_start3A_287 = arith.constant 0 : i32
      %dma_start3A_288 = tpu.memref_slice %arg7[%dma_start3A_286, %dma_start3A_287] : memref<1024x32xbf16, #tpu.memory_space<vmem>> -> memref<512x32xbf16, #tpu.memory_space<vmem>>
      %dma_start3A_289 = arith.constant 0 : i32
      %dma_start3A_290 = tpu.memref_slice %arg6[%dma_start3A_284, %dma_start3A_285, %dma_start3A_289] : memref<2x2x512xi32, #tpu.memory_space<vmem>> -> memref<1x1x512xi32, #tpu.memory_space<vmem>>
      %dma_start3A_291 = tpu.memref_squeeze %dma_start3A_290 : memref<1x1x512xi32, #tpu.memory_space<vmem>> -> memref<512xi32, #tpu.memory_space<vmem>>
      %dma_start3A_292 = arith.constant 0 : i32
      %dma_start3A_293 = arith.constant 0 : i32
      %dma_start3A_294 = tpu.memref_slice %arg8[%dma_start3A_292, %dma_start3A_293] : memref<100352x32xbf16, #tpu.memory_space<vmem_shared>> -> memref<100352x32xbf16, #tpu.memory_space<vmem_shared>>
      tpu.enqueue_indirect_dma source(%dma_start3A_288 : memref<512x32xbf16, #tpu.memory_space<vmem>>) target(%dma_start3A_294 : memref<100352x32xbf16, #tpu.memory_space<vmem_shared>>) offsets(%dma_start3A_291 : memref<512xi32, #tpu.memory_space<vmem>>) semaphore(%arg12 : memref<!tpu.dma_semaphore, #tpu.memory_space<semaphore_mem>>) {add = true}
      %scan3A_295 = arith.constant 0 : i32
      scf.yield %scan3A_295 : i32
    }
    %scan3A_83 = arith.constant 49 : i32
    %dma_wait3A_84 = arith.constant 0 : i32
    %dma_wait3A_85 = arith.constant 0 : i32
    %dma_wait3A_86 = tpu.memref_slice %arg7[%dma_wait3A_84, %dma_wait3A_85] : memref<1024x32xbf16, #tpu.memory_space<vmem>> -> memref<512x32xbf16, #tpu.memory_space<vmem>>
    %dma_wait3A_87 = arith.constant 0 : i32
    %dma_wait3A_88 = arith.constant 0 : i32
    %dma_wait3A_89 = tpu.memref_slice %arg2[%dma_wait3A_87, %dma_wait3A_88] : memref<100352x32xbf16, #tpu.memory_space<hbm>> -> memref<512x32xbf16, #tpu.memory_space<hbm>>
    %dma_wait3A_90 = arith.constant 0 : i32
    %dma_wait3A_91 = arith.constant 0 : i32
    %dma_wait3A_92 = tpu.memref_slice %arg7[%dma_wait3A_90, %dma_wait3A_91] : memref<1024x32xbf16, #tpu.memory_space<vmem>> -> memref<512x32xbf16, #tpu.memory_space<vmem>>
    %dma_wait3A_93 = arith.constant 0 : i32
    %dma_wait3A_94 = arith.constant 0 : i32
    %dma_wait3A_95 = tpu.memref_slice %arg2[%dma_wait3A_93, %dma_wait3A_94] : memref<100352x32xbf16, #tpu.memory_space<hbm>> -> memref<512x32xbf16, #tpu.memory_space<hbm>>
    tpu.wait_dma2 semaphore(%arg11 : memref<!tpu.dma_semaphore, #tpu.memory_space<semaphore_mem>>) src(%dma_wait3A_95 : memref<512x32xbf16, #tpu.memory_space<hbm>>) dst(%dma_wait3A_92 : memref<512x32xbf16, #tpu.memory_space<vmem>>)
    %dma_wait3A_96 = arith.constant 512 : i32
    %dma_wait3A_97 = arith.constant 0 : i32
    %dma_wait3A_98 = tpu.memref_slice %arg7[%dma_wait3A_96, %dma_wait3A_97] : memref<1024x32xbf16, #tpu.memory_space<vmem>> -> memref<512x32xbf16, #tpu.memory_space<vmem>>
    %dma_wait3A_99 = arith.constant 0 : i32
    %dma_wait3A_100 = arith.constant 0 : i32
    %dma_wait3A_101 = tpu.memref_slice %arg2[%dma_wait3A_99, %dma_wait3A_100] : memref<100352x32xbf16, #tpu.memory_space<hbm>> -> memref<512x32xbf16, #tpu.memory_space<hbm>>
    %dma_wait3A_102 = arith.constant 512 : i32
    %dma_wait3A_103 = arith.constant 0 : i32
    %dma_wait3A_104 = tpu.memref_slice %arg7[%dma_wait3A_102, %dma_wait3A_103] : memref<1024x32xbf16, #tpu.memory_space<vmem>> -> memref<512x32xbf16, #tpu.memory_space<vmem>>
    %dma_wait3A_105 = arith.constant 0 : i32
    %dma_wait3A_106 = arith.constant 0 : i32
    %dma_wait3A_107 = tpu.memref_slice %arg2[%dma_wait3A_105, %dma_wait3A_106] : memref<100352x32xbf16, #tpu.memory_space<hbm>> -> memref<512x32xbf16, #tpu.memory_space<hbm>>
    tpu.wait_dma2 semaphore(%arg12 : memref<!tpu.dma_semaphore, #tpu.memory_space<semaphore_mem>>) src(%dma_wait3A_107 : memref<512x32xbf16, #tpu.memory_space<hbm>>) dst(%dma_wait3A_104 : memref<512x32xbf16, #tpu.memory_space<vmem>>)
    %barrier3A_108 = arith.constant 0 : index
    tpu.barrier barrier_id(%barrier3A_108)
    %scan3A_109 = arith.constant 0 : i32
    %scan3A_110 = arith.constant 0 : i32
    %scan3A_111 = arith.constant 6 : i32
    %scan3A_112 = arith.addi %scan3A_110, %scan3A_111 : i32
    %scan3A_113 = arith.constant 1 : i32
    %scan3A_114 = scf.for %scan3A_172 = %scan3A_110 to %scan3A_112 step %scan3A_113 iter_args(%scan3A_173 = %scan3A_109) -> (i32)  : i32 {
      %mul3A_174 = arith.constant 2 : i32
      %mul3A_175 = arith.muli %mul3A_174, %scan3A_172 : i32
      %add3A_176 = arith.constant 0 : i32
      %add3A_177 = arith.addi %mul3A_175, %add3A_176 : i32
      %mul3A_178 = arith.constant 512 : i32
      %mul3A_179 = arith.muli %add3A_177, %mul3A_178 : i32
      %add3A_180 = arith.addi %mul3A_0, %mul3A_179 : i32
      %gt3A = arith.constant 0 : i32
      %gt3A_181 = arith.cmpi sgt, %scan3A_172, %gt3A : i32
      %convert_element_type3A = arith.extui %gt3A_181 : i1 to i32
      %cond3A = arith.constant 0 : i32
      %cond3A_182 = arith.cmpi ne, %convert_element_type3A, %cond3A : i32
      scf.if %cond3A_182 {
        %dma_wait3A_232 = arith.constant 0 : i32
        %dma_wait3A_233 = arith.constant 0 : i32
        %dma_wait3A_234 = tpu.memref_slice %arg7[%dma_wait3A_232, %dma_wait3A_233] : memref<1024x32xbf16, #tpu.memory_space<vmem>> -> memref<512x32xbf16, #tpu.memory_space<vmem>>
        %dma_wait3A_235 = arith.constant 0 : i32
        %dma_wait3A_236 = arith.constant 0 : i32
        %dma_wait3A_237 = tpu.memref_slice %arg2[%dma_wait3A_235, %dma_wait3A_236] : memref<100352x32xbf16, #tpu.memory_space<hbm>> -> memref<512x32xbf16, #tpu.memory_space<hbm>>
        %dma_wait3A_238 = arith.constant 0 : i32
        %dma_wait3A_239 = arith.constant 0 : i32
        %dma_wait3A_240 = tpu.memref_slice %arg7[%dma_wait3A_238, %dma_wait3A_239] : memref<1024x32xbf16, #tpu.memory_space<vmem>> -> memref<512x32xbf16, #tpu.memory_space<vmem>>
        %dma_wait3A_241 = arith.constant 0 : i32
        %dma_wait3A_242 = arith.constant 0 : i32
        %dma_wait3A_243 = tpu.memref_slice %arg2[%dma_wait3A_241, %dma_wait3A_242] : memref<100352x32xbf16, #tpu.memory_space<hbm>> -> memref<512x32xbf16, #tpu.memory_space<hbm>>
        tpu.wait_dma2 semaphore(%arg9 : memref<!tpu.dma_semaphore, #tpu.memory_space<semaphore_mem>>) src(%dma_wait3A_243 : memref<512x32xbf16, #tpu.memory_space<hbm>>) dst(%dma_wait3A_240 : memref<512x32xbf16, #tpu.memory_space<vmem>>)
      } else {
      }
      "tpu.region"() ({
        %run_scoped3A = tpu.sem_alloc : memref<!tpu.dma_semaphore, #tpu.memory_space<semaphore_mem>>
        %dma_start3A_232 = arith.constant 0 : i32
        %dma_start3A_233 = arith.constant 0 : i32
        %dma_start3A_234 = tpu.memref_slice %arg7[%dma_start3A_232, %dma_start3A_233] : memref<1024x32xbf16, #tpu.memory_space<vmem>> -> memref<512x32xbf16, #tpu.memory_space<vmem>>
        %dma_start3A_235 = arith.constant 0 : i32
        %dma_start3A_236 = tpu.memref_slice %arg8[%add3A_180, %dma_start3A_235] : memref<100352x32xbf16, #tpu.memory_space<vmem_shared>> -> memref<512x32xbf16, #tpu.memory_space<vmem_shared>>
        %dma_start3A_237 = arith.constant 0 : i32
        %dma_start3A_238 = arith.constant 0 : i32
        %dma_start3A_239 = tpu.memref_slice %arg7[%dma_start3A_237, %dma_start3A_238] : memref<1024x32xbf16, #tpu.memory_space<vmem>> -> memref<512x32xbf16, #tpu.memory_space<vmem>>
        %dma_start3A_240 = arith.constant 0 : i32
        %dma_start3A_241 = tpu.memref_slice %arg8[%add3A_180, %dma_start3A_240] : memref<100352x32xbf16, #tpu.memory_space<vmem_shared>> -> memref<512x32xbf16, #tpu.memory_space<vmem_shared>>
        tpu.enqueue_dma source(%dma_start3A_241 : memref<512x32xbf16, #tpu.memory_space<vmem_shared>>) target(%dma_start3A_239 : memref<512x32xbf16, #tpu.memory_space<vmem>>) target_semaphore(%run_scoped3A : memref<!tpu.dma_semaphore, #tpu.memory_space<semaphore_mem>>)
        %dma_wait3A_242 = arith.constant 0 : i32
        %dma_wait3A_243 = arith.constant 0 : i32
        %dma_wait3A_244 = tpu.memref_slice %arg7[%dma_wait3A_242, %dma_wait3A_243] : memref<1024x32xbf16, #tpu.memory_space<vmem>> -> memref<512x32xbf16, #tpu.memory_space<vmem>>
        %dma_wait3A_245 = arith.constant 0 : i32
        %dma_wait3A_246 = tpu.memref_slice %arg8[%add3A_180, %dma_wait3A_245] : memref<100352x32xbf16, #tpu.memory_space<vmem_shared>> -> memref<512x32xbf16, #tpu.memory_space<vmem_shared>>
        %dma_wait3A_247 = arith.constant 0 : i32
        %dma_wait3A_248 = arith.constant 0 : i32
        %dma_wait3A_249 = tpu.memref_slice %arg7[%dma_wait3A_247, %dma_wait3A_248] : memref<1024x32xbf16, #tpu.memory_space<vmem>> -> memref<512x32xbf16, #tpu.memory_space<vmem>>
        %dma_wait3A_250 = arith.constant 0 : i32
        %dma_wait3A_251 = tpu.memref_slice %arg8[%add3A_180, %dma_wait3A_250] : memref<100352x32xbf16, #tpu.memory_space<vmem_shared>> -> memref<512x32xbf16, #tpu.memory_space<vmem_shared>>
        tpu.wait_dma2 semaphore(%run_scoped3A : memref<!tpu.dma_semaphore, #tpu.memory_space<semaphore_mem>>) src(%dma_wait3A_251 : memref<512x32xbf16, #tpu.memory_space<vmem_shared>>) dst(%dma_wait3A_249 : memref<512x32xbf16, #tpu.memory_space<vmem>>)
        tpu.yield
      }) : () -> ()
      %dma_start3A_183 = arith.constant 0 : i32
      %dma_start3A_184 = arith.constant 0 : i32
      %dma_start3A_185 = tpu.memref_slice %arg7[%dma_start3A_183, %dma_start3A_184] : memref<1024x32xbf16, #tpu.memory_space<vmem>> -> memref<512x32xbf16, #tpu.memory_space<vmem>>
      %dma_start3A_186 = arith.constant 0 : i32
      %dma_start3A_187 = arith.constant 0 : i32
      %dma_start3A_188 = tpu.memref_slice %arg5[%arg0, %dma_start3A_186, %dma_start3A_187] : memref<2x100352x32xbf16, #tpu.memory_space<hbm>> -> memref<1x100352x32xbf16, #tpu.memory_space<hbm>>
      %dma_start3A_189 = tpu.memref_squeeze %dma_start3A_188 : memref<1x100352x32xbf16, #tpu.memory_space<hbm>> -> memref<100352x32xbf16, #tpu.memory_space<hbm>>
      %dma_start3A_190 = arith.constant 0 : i32
      %dma_start3A_191 = tpu.memref_slice %dma_start3A_189[%add3A_180, %dma_start3A_190] : memref<100352x32xbf16, #tpu.memory_space<hbm>> -> memref<512x32xbf16, #tpu.memory_space<hbm>>
      %dma_start3A_192 = arith.constant 0 : i32
      %dma_start3A_193 = arith.constant 0 : i32
      %dma_start3A_194 = tpu.memref_slice %arg5[%arg0, %dma_start3A_192, %dma_start3A_193] : memref<2x100352x32xbf16, #tpu.memory_space<hbm>> -> memref<1x100352x32xbf16, #tpu.memory_space<hbm>>
      %dma_start3A_195 = tpu.memref_squeeze %dma_start3A_194 : memref<1x100352x32xbf16, #tpu.memory_space<hbm>> -> memref<100352x32xbf16, #tpu.memory_space<hbm>>
      %dma_start3A_196 = arith.constant 0 : i32
      %dma_start3A_197 = tpu.memref_slice %dma_start3A_195[%add3A_180, %dma_start3A_196] : memref<100352x32xbf16, #tpu.memory_space<hbm>> -> memref<512x32xbf16, #tpu.memory_space<hbm>>
      %dma_start3A_198 = arith.constant 0 : i32
      %dma_start3A_199 = arith.constant 0 : i32
      %dma_start3A_200 = tpu.memref_slice %arg7[%dma_start3A_198, %dma_start3A_199] : memref<1024x32xbf16, #tpu.memory_space<vmem>> -> memref<512x32xbf16, #tpu.memory_space<vmem>>
      tpu.enqueue_dma source(%dma_start3A_200 : memref<512x32xbf16, #tpu.memory_space<vmem>>) target(%dma_start3A_197 : memref<512x32xbf16, #tpu.memory_space<hbm>>) target_semaphore(%arg9 : memref<!tpu.dma_semaphore, #tpu.memory_space<semaphore_mem>>)
      %mul3A_201 = arith.constant 2 : i32
      %mul3A_202 = arith.muli %mul3A_201, %scan3A_172 : i32
      %add3A_203 = arith.constant 1 : i32
      %add3A_204 = arith.addi %mul3A_202, %add3A_203 : i32
      %mul3A_205 = arith.constant 512 : i32
      %mul3A_206 = arith.muli %add3A_204, %mul3A_205 : i32
      %add3A_207 = arith.addi %mul3A_0, %mul3A_206 : i32
      %gt3A_208 = arith.constant 0 : i32
      %gt3A_209 = arith.cmpi sgt, %scan3A_172, %gt3A_208 : i32
      %convert_element_type3A_210 = arith.extui %gt3A_209 : i1 to i32
      %cond3A_211 = arith.constant 0 : i32
      %cond3A_212 = arith.cmpi ne, %convert_element_type3A_210, %cond3A_211 : i32
      scf.if %cond3A_212 {
        %dma_wait3A_232 = arith.constant 512 : i32
        %dma_wait3A_233 = arith.constant 0 : i32
        %dma_wait3A_234 = tpu.memref_slice %arg7[%dma_wait3A_232, %dma_wait3A_233] : memref<1024x32xbf16, #tpu.memory_space<vmem>> -> memref<512x32xbf16, #tpu.memory_space<vmem>>
        %dma_wait3A_235 = arith.constant 0 : i32
        %dma_wait3A_236 = arith.constant 0 : i32
        %dma_wait3A_237 = tpu.memref_slice %arg2[%dma_wait3A_235, %dma_wait3A_236] : memref<100352x32xbf16, #tpu.memory_space<hbm>> -> memref<512x32xbf16, #tpu.memory_space<hbm>>
        %dma_wait3A_238 = arith.constant 512 : i32
        %dma_wait3A_239 = arith.constant 0 : i32
        %dma_wait3A_240 = tpu.memref_slice %arg7[%dma_wait3A_238, %dma_wait3A_239] : memref<1024x32xbf16, #tpu.memory_space<vmem>> -> memref<512x32xbf16, #tpu.memory_space<vmem>>
        %dma_wait3A_241 = arith.constant 0 : i32
        %dma_wait3A_242 = arith.constant 0 : i32
        %dma_wait3A_243 = tpu.memref_slice %arg2[%dma_wait3A_241, %dma_wait3A_242] : memref<100352x32xbf16, #tpu.memory_space<hbm>> -> memref<512x32xbf16, #tpu.memory_space<hbm>>
        tpu.wait_dma2 semaphore(%arg10 : memref<!tpu.dma_semaphore, #tpu.memory_space<semaphore_mem>>) src(%dma_wait3A_243 : memref<512x32xbf16, #tpu.memory_space<hbm>>) dst(%dma_wait3A_240 : memref<512x32xbf16, #tpu.memory_space<vmem>>)
      } else {
      }
      "tpu.region"() ({
        %run_scoped3A = tpu.sem_alloc : memref<!tpu.dma_semaphore, #tpu.memory_space<semaphore_mem>>
        %dma_start3A_232 = arith.constant 512 : i32
        %dma_start3A_233 = arith.constant 0 : i32
        %dma_start3A_234 = tpu.memref_slice %arg7[%dma_start3A_232, %dma_start3A_233] : memref<1024x32xbf16, #tpu.memory_space<vmem>> -> memref<512x32xbf16, #tpu.memory_space<vmem>>
        %dma_start3A_235 = arith.constant 0 : i32
        %dma_start3A_236 = tpu.memref_slice %arg8[%add3A_207, %dma_start3A_235] : memref<100352x32xbf16, #tpu.memory_space<vmem_shared>> -> memref<512x32xbf16, #tpu.memory_space<vmem_shared>>
        %dma_start3A_237 = arith.constant 512 : i32
        %dma_start3A_238 = arith.constant 0 : i32
        %dma_start3A_239 = tpu.memref_slice %arg7[%dma_start3A_237, %dma_start3A_238] : memref<1024x32xbf16, #tpu.memory_space<vmem>> -> memref<512x32xbf16, #tpu.memory_space<vmem>>
        %dma_start3A_240 = arith.constant 0 : i32
        %dma_start3A_241 = tpu.memref_slice %arg8[%add3A_207, %dma_start3A_240] : memref<100352x32xbf16, #tpu.memory_space<vmem_shared>> -> memref<512x32xbf16, #tpu.memory_space<vmem_shared>>
        tpu.enqueue_dma source(%dma_start3A_241 : memref<512x32xbf16, #tpu.memory_space<vmem_shared>>) target(%dma_start3A_239 : memref<512x32xbf16, #tpu.memory_space<vmem>>) target_semaphore(%run_scoped3A : memref<!tpu.dma_semaphore, #tpu.memory_space<semaphore_mem>>)
        %dma_wait3A_242 = arith.constant 512 : i32
        %dma_wait3A_243 = arith.constant 0 : i32
        %dma_wait3A_244 = tpu.memref_slice %arg7[%dma_wait3A_242, %dma_wait3A_243] : memref<1024x32xbf16, #tpu.memory_space<vmem>> -> memref<512x32xbf16, #tpu.memory_space<vmem>>
        %dma_wait3A_245 = arith.constant 0 : i32
        %dma_wait3A_246 = tpu.memref_slice %arg8[%add3A_207, %dma_wait3A_245] : memref<100352x32xbf16, #tpu.memory_space<vmem_shared>> -> memref<512x32xbf16, #tpu.memory_space<vmem_shared>>
        %dma_wait3A_247 = arith.constant 512 : i32
        %dma_wait3A_248 = arith.constant 0 : i32
        %dma_wait3A_249 = tpu.memref_slice %arg7[%dma_wait3A_247, %dma_wait3A_248] : memref<1024x32xbf16, #tpu.memory_space<vmem>> -> memref<512x32xbf16, #tpu.memory_space<vmem>>
        %dma_wait3A_250 = arith.constant 0 : i32
        %dma_wait3A_251 = tpu.memref_slice %arg8[%add3A_207, %dma_wait3A_250] : memref<100352x32xbf16, #tpu.memory_space<vmem_shared>> -> memref<512x32xbf16, #tpu.memory_space<vmem_shared>>
        tpu.wait_dma2 semaphore(%run_scoped3A : memref<!tpu.dma_semaphore, #tpu.memory_space<semaphore_mem>>) src(%dma_wait3A_251 : memref<512x32xbf16, #tpu.memory_space<vmem_shared>>) dst(%dma_wait3A_249 : memref<512x32xbf16, #tpu.memory_space<vmem>>)
        tpu.yield
      }) : () -> ()
      %dma_start3A_213 = arith.constant 512 : i32
      %dma_start3A_214 = arith.constant 0 : i32
      %dma_start3A_215 = tpu.memref_slice %arg7[%dma_start3A_213, %dma_start3A_214] : memref<1024x32xbf16, #tpu.memory_space<vmem>> -> memref<512x32xbf16, #tpu.memory_space<vmem>>
      %dma_start3A_216 = arith.constant 0 : i32
      %dma_start3A_217 = arith.constant 0 : i32
      %dma_start3A_218 = tpu.memref_slice %arg5[%arg0, %dma_start3A_216, %dma_start3A_217] : memref<2x100352x32xbf16, #tpu.memory_space<hbm>> -> memref<1x100352x32xbf16, #tpu.memory_space<hbm>>
      %dma_start3A_219 = tpu.memref_squeeze %dma_start3A_218 : memref<1x100352x32xbf16, #tpu.memory_space<hbm>> -> memref<100352x32xbf16, #tpu.memory_space<hbm>>
      %dma_start3A_220 = arith.constant 0 : i32
      %dma_start3A_221 = tpu.memref_slice %dma_start3A_219[%add3A_207, %dma_start3A_220] : memref<100352x32xbf16, #tpu.memory_space<hbm>> -> memref<512x32xbf16, #tpu.memory_space<hbm>>
      %dma_start3A_222 = arith.constant 0 : i32
      %dma_start3A_223 = arith.constant 0 : i32
      %dma_start3A_224 = tpu.memref_slice %arg5[%arg0, %dma_start3A_222, %dma_start3A_223] : memref<2x100352x32xbf16, #tpu.memory_space<hbm>> -> memref<1x100352x32xbf16, #tpu.memory_space<hbm>>
      %dma_start3A_225 = tpu.memref_squeeze %dma_start3A_224 : memref<1x100352x32xbf16, #tpu.memory_space<hbm>> -> memref<100352x32xbf16, #tpu.memory_space<hbm>>
      %dma_start3A_226 = arith.constant 0 : i32
      %dma_start3A_227 = tpu.memref_slice %dma_start3A_225[%add3A_207, %dma_start3A_226] : memref<100352x32xbf16, #tpu.memory_space<hbm>> -> memref<512x32xbf16, #tpu.memory_space<hbm>>
      %dma_start3A_228 = arith.constant 512 : i32
      %dma_start3A_229 = arith.constant 0 : i32
      %dma_start3A_230 = tpu.memref_slice %arg7[%dma_start3A_228, %dma_start3A_229] : memref<1024x32xbf16, #tpu.memory_space<vmem>> -> memref<512x32xbf16, #tpu.memory_space<vmem>>
      tpu.enqueue_dma source(%dma_start3A_230 : memref<512x32xbf16, #tpu.memory_space<vmem>>) target(%dma_start3A_227 : memref<512x32xbf16, #tpu.memory_space<hbm>>) target_semaphore(%arg10 : memref<!tpu.dma_semaphore, #tpu.memory_space<semaphore_mem>>)
      %scan3A_231 = arith.constant 0 : i32
      scf.yield %scan3A_231 : i32
    }
    %scan3A_115 = arith.constant 6 : i32
    %add3A_116 = arith.constant 6144 : i32
    %add3A_117 = arith.addi %mul3A_0, %add3A_116 : i32
    %dma_wait3A_118 = arith.constant 0 : i32
    %dma_wait3A_119 = arith.constant 0 : i32
    %dma_wait3A_120 = tpu.memref_slice %arg7[%dma_wait3A_118, %dma_wait3A_119] : memref<1024x32xbf16, #tpu.memory_space<vmem>> -> memref<512x32xbf16, #tpu.memory_space<vmem>>
    %dma_wait3A_121 = arith.constant 0 : i32
    %dma_wait3A_122 = arith.constant 0 : i32
    %dma_wait3A_123 = tpu.memref_slice %arg2[%dma_wait3A_121, %dma_wait3A_122] : memref<100352x32xbf16, #tpu.memory_space<hbm>> -> memref<512x32xbf16, #tpu.memory_space<hbm>>
    %dma_wait3A_124 = arith.constant 0 : i32
    %dma_wait3A_125 = arith.constant 0 : i32
    %dma_wait3A_126 = tpu.memref_slice %arg7[%dma_wait3A_124, %dma_wait3A_125] : memref<1024x32xbf16, #tpu.memory_space<vmem>> -> memref<512x32xbf16, #tpu.memory_space<vmem>>
    %dma_wait3A_127 = arith.constant 0 : i32
    %dma_wait3A_128 = arith.constant 0 : i32
    %dma_wait3A_129 = tpu.memref_slice %arg2[%dma_wait3A_127, %dma_wait3A_128] : memref<100352x32xbf16, #tpu.memory_space<hbm>> -> memref<512x32xbf16, #tpu.memory_space<hbm>>
    tpu.wait_dma2 semaphore(%arg9 : memref<!tpu.dma_semaphore, #tpu.memory_space<semaphore_mem>>) src(%dma_wait3A_129 : memref<512x32xbf16, #tpu.memory_space<hbm>>) dst(%dma_wait3A_126 : memref<512x32xbf16, #tpu.memory_space<vmem>>)
    "tpu.region"() ({
      %run_scoped3A = tpu.sem_alloc : memref<!tpu.dma_semaphore, #tpu.memory_space<semaphore_mem>>
      %dma_start3A_172 = arith.constant 0 : i32
      %dma_start3A_173 = arith.constant 0 : i32
      %dma_start3A_174 = tpu.memref_slice %arg7[%dma_start3A_172, %dma_start3A_173] : memref<1024x32xbf16, #tpu.memory_space<vmem>> -> memref<128x32xbf16, #tpu.memory_space<vmem>>
      %dma_start3A_175 = arith.constant 0 : i32
      %dma_start3A_176 = tpu.memref_slice %arg8[%add3A_117, %dma_start3A_175] : memref<100352x32xbf16, #tpu.memory_space<vmem_shared>> -> memref<128x32xbf16, #tpu.memory_space<vmem_shared>>
      %dma_start3A_177 = arith.constant 0 : i32
      %dma_start3A_178 = arith.constant 0 : i32
      %dma_start3A_179 = tpu.memref_slice %arg7[%dma_start3A_177, %dma_start3A_178] : memref<1024x32xbf16, #tpu.memory_space<vmem>> -> memref<128x32xbf16, #tpu.memory_space<vmem>>
      %dma_start3A_180 = arith.constant 0 : i32
      %dma_start3A_181 = tpu.memref_slice %arg8[%add3A_117, %dma_start3A_180] : memref<100352x32xbf16, #tpu.memory_space<vmem_shared>> -> memref<128x32xbf16, #tpu.memory_space<vmem_shared>>
      tpu.enqueue_dma source(%dma_start3A_181 : memref<128x32xbf16, #tpu.memory_space<vmem_shared>>) target(%dma_start3A_179 : memref<128x32xbf16, #tpu.memory_space<vmem>>) target_semaphore(%run_scoped3A : memref<!tpu.dma_semaphore, #tpu.memory_space<semaphore_mem>>)
      %dma_wait3A_182 = arith.constant 0 : i32
      %dma_wait3A_183 = arith.constant 0 : i32
      %dma_wait3A_184 = tpu.memref_slice %arg7[%dma_wait3A_182, %dma_wait3A_183] : memref<1024x32xbf16, #tpu.memory_space<vmem>> -> memref<128x32xbf16, #tpu.memory_space<vmem>>
      %dma_wait3A_185 = arith.constant 0 : i32
      %dma_wait3A_186 = tpu.memref_slice %arg8[%add3A_117, %dma_wait3A_185] : memref<100352x32xbf16, #tpu.memory_space<vmem_shared>> -> memref<128x32xbf16, #tpu.memory_space<vmem_shared>>
      %dma_wait3A_187 = arith.constant 0 : i32
      %dma_wait3A_188 = arith.constant 0 : i32
      %dma_wait3A_189 = tpu.memref_slice %arg7[%dma_wait3A_187, %dma_wait3A_188] : memref<1024x32xbf16, #tpu.memory_space<vmem>> -> memref<128x32xbf16, #tpu.memory_space<vmem>>
      %dma_wait3A_190 = arith.constant 0 : i32
      %dma_wait3A_191 = tpu.memref_slice %arg8[%add3A_117, %dma_wait3A_190] : memref<100352x32xbf16, #tpu.memory_space<vmem_shared>> -> memref<128x32xbf16, #tpu.memory_space<vmem_shared>>
      tpu.wait_dma2 semaphore(%run_scoped3A : memref<!tpu.dma_semaphore, #tpu.memory_space<semaphore_mem>>) src(%dma_wait3A_191 : memref<128x32xbf16, #tpu.memory_space<vmem_shared>>) dst(%dma_wait3A_189 : memref<128x32xbf16, #tpu.memory_space<vmem>>)
      tpu.yield
    }) : () -> ()
    %dma_start3A_130 = arith.constant 0 : i32
    %dma_start3A_131 = arith.constant 0 : i32
    %dma_start3A_132 = tpu.memref_slice %arg7[%dma_start3A_130, %dma_start3A_131] : memref<1024x32xbf16, #tpu.memory_space<vmem>> -> memref<128x32xbf16, #tpu.memory_space<vmem>>
    %dma_start3A_133 = arith.constant 0 : i32
    %dma_start3A_134 = arith.constant 0 : i32
    %dma_start3A_135 = tpu.memref_slice %arg5[%arg0, %dma_start3A_133, %dma_start3A_134] : memref<2x100352x32xbf16, #tpu.memory_space<hbm>> -> memref<1x100352x32xbf16, #tpu.memory_space<hbm>>
    %dma_start3A_136 = tpu.memref_squeeze %dma_start3A_135 : memref<1x100352x32xbf16, #tpu.memory_space<hbm>> -> memref<100352x32xbf16, #tpu.memory_space<hbm>>
    %dma_start3A_137 = arith.constant 0 : i32
    %dma_start3A_138 = tpu.memref_slice %dma_start3A_136[%add3A_117, %dma_start3A_137] : memref<100352x32xbf16, #tpu.memory_space<hbm>> -> memref<128x32xbf16, #tpu.memory_space<hbm>>
    %dma_start3A_139 = arith.constant 0 : i32
    %dma_start3A_140 = arith.constant 0 : i32
    %dma_start3A_141 = tpu.memref_slice %arg5[%arg0, %dma_start3A_139, %dma_start3A_140] : memref<2x100352x32xbf16, #tpu.memory_space<hbm>> -> memref<1x100352x32xbf16, #tpu.memory_space<hbm>>
    %dma_start3A_142 = tpu.memref_squeeze %dma_start3A_141 : memref<1x100352x32xbf16, #tpu.memory_space<hbm>> -> memref<100352x32xbf16, #tpu.memory_space<hbm>>
    %dma_start3A_143 = arith.constant 0 : i32
    %dma_start3A_144 = tpu.memref_slice %dma_start3A_142[%add3A_117, %dma_start3A_143] : memref<100352x32xbf16, #tpu.memory_space<hbm>> -> memref<128x32xbf16, #tpu.memory_space<hbm>>
    %dma_start3A_145 = arith.constant 0 : i32
    %dma_start3A_146 = arith.constant 0 : i32
    %dma_start3A_147 = tpu.memref_slice %arg7[%dma_start3A_145, %dma_start3A_146] : memref<1024x32xbf16, #tpu.memory_space<vmem>> -> memref<128x32xbf16, #tpu.memory_space<vmem>>
    tpu.enqueue_dma source(%dma_start3A_147 : memref<128x32xbf16, #tpu.memory_space<vmem>>) target(%dma_start3A_144 : memref<128x32xbf16, #tpu.memory_space<hbm>>) target_semaphore(%arg9 : memref<!tpu.dma_semaphore, #tpu.memory_space<semaphore_mem>>)
    %dma_wait3A_148 = arith.constant 0 : i32
    %dma_wait3A_149 = arith.constant 0 : i32
    %dma_wait3A_150 = tpu.memref_slice %arg7[%dma_wait3A_148, %dma_wait3A_149] : memref<1024x32xbf16, #tpu.memory_space<vmem>> -> memref<128x32xbf16, #tpu.memory_space<vmem>>
    %dma_wait3A_151 = arith.constant 0 : i32
    %dma_wait3A_152 = arith.constant 0 : i32
    %dma_wait3A_153 = tpu.memref_slice %arg2[%dma_wait3A_151, %dma_wait3A_152] : memref<100352x32xbf16, #tpu.memory_space<hbm>> -> memref<128x32xbf16, #tpu.memory_space<hbm>>
    %dma_wait3A_154 = arith.constant 0 : i32
    %dma_wait3A_155 = arith.constant 0 : i32
    %dma_wait3A_156 = tpu.memref_slice %arg7[%dma_wait3A_154, %dma_wait3A_155] : memref<1024x32xbf16, #tpu.memory_space<vmem>> -> memref<128x32xbf16, #tpu.memory_space<vmem>>
    %dma_wait3A_157 = arith.constant 0 : i32
    %dma_wait3A_158 = arith.constant 0 : i32
    %dma_wait3A_159 = tpu.memref_slice %arg2[%dma_wait3A_157, %dma_wait3A_158] : memref<100352x32xbf16, #tpu.memory_space<hbm>> -> memref<128x32xbf16, #tpu.memory_space<hbm>>
    tpu.wait_dma2 semaphore(%arg9 : memref<!tpu.dma_semaphore, #tpu.memory_space<semaphore_mem>>) src(%dma_wait3A_159 : memref<128x32xbf16, #tpu.memory_space<hbm>>) dst(%dma_wait3A_156 : memref<128x32xbf16, #tpu.memory_space<vmem>>)
    %dma_wait3A_160 = arith.constant 512 : i32
    %dma_wait3A_161 = arith.constant 0 : i32
    %dma_wait3A_162 = tpu.memref_slice %arg7[%dma_wait3A_160, %dma_wait3A_161] : memref<1024x32xbf16, #tpu.memory_space<vmem>> -> memref<512x32xbf16, #tpu.memory_space<vmem>>
    %dma_wait3A_163 = arith.constant 0 : i32
    %dma_wait3A_164 = arith.constant 0 : i32
    %dma_wait3A_165 = tpu.memref_slice %arg2[%dma_wait3A_163, %dma_wait3A_164] : memref<100352x32xbf16, #tpu.memory_space<hbm>> -> memref<512x32xbf16, #tpu.memory_space<hbm>>
    %dma_wait3A_166 = arith.constant 512 : i32
    %dma_wait3A_167 = arith.constant 0 : i32
    %dma_wait3A_168 = tpu.memref_slice %arg7[%dma_wait3A_166, %dma_wait3A_167] : memref<1024x32xbf16, #tpu.memory_space<vmem>> -> memref<512x32xbf16, #tpu.memory_space<vmem>>
    %dma_wait3A_169 = arith.constant 0 : i32
    %dma_wait3A_170 = arith.constant 0 : i32
    %dma_wait3A_171 = tpu.memref_slice %arg2[%dma_wait3A_169, %dma_wait3A_170] : memref<100352x32xbf16, #tpu.memory_space<hbm>> -> memref<512x32xbf16, #tpu.memory_space<hbm>>
    tpu.wait_dma2 semaphore(%arg10 : memref<!tpu.dma_semaphore, #tpu.memory_space<semaphore_mem>>) src(%dma_wait3A_171 : memref<512x32xbf16, #tpu.memory_space<hbm>>) dst(%dma_wait3A_168 : memref<512x32xbf16, #tpu.memory_space<vmem>>)
    return
  }
}

#map = affine_map<(d0, d1) -> (0, 0)>
#map1 = affine_map<(d0, d1) -> (0)>
#map2 = affine_map<(d0, d1) -> (0, 0, 0)>
module attributes {stable_mosaic.version = 14 : i64} {
  func.func @body(%arg0: i32, %arg1: i32, %arg2: memref<100352x16xf32, #tpu.memory_space<hbm>>, %arg3: memref<1605632xi32, #tpu.memory_space<hbm>>, %arg4: memref<1605632xi32, #tpu.memory_space<hbm>>, %arg5: memref<2x100352x16xf32, #tpu.memory_space<hbm>>, %arg6: memref<2x2x512xi32, #tpu.memory_space<vmem>>, %arg7: memref<1024x16xf32, #tpu.memory_space<vmem>>, %arg8: memref<100352x16xf32, #tpu.memory_space<vmem_shared>>, %arg9: memref<!tpu.dma_semaphore, #tpu.memory_space<semaphore_mem>>, %arg10: memref<!tpu.dma_semaphore, #tpu.memory_space<semaphore_mem>>, %arg11: memref<!tpu.dma_semaphore, #tpu.memory_space<semaphore_mem>>, %arg12: memref<!tpu.dma_semaphore, #tpu.memory_space<semaphore_mem>>, %arg13: memref<!tpu.dma_semaphore, #tpu.memory_space<semaphore_mem>>, %arg14: memref<!tpu.dma_semaphore, #tpu.memory_space<semaphore_mem>>) attributes {dimension_semantics = [#tpu.dimension_semantics<core_parallel>, #tpu.dimension_semantics<subcore_parallel>], iteration_bounds = array<i64: 2, 16>, scalar_prefetch = 0 : i64, scratch_operands = 9 : i64, tpu.core_type = #tpu.core_type<sc_vector_subcore>, window_params = [{transform_indices = #map}, {transform_indices = #map1}, {transform_indices = #map1}, {transform_indices = #map2}]} {
    %mul3A = arith.constant 6272 : i32
    %mul3A_0 = arith.muli %arg1, %mul3A : i32
    %scan3A = arith.constant 0 : i32
    %scan3A_1 = arith.constant 0 : i32
    %scan3A_2 = arith.constant 32 : i32
    %scan3A_3 = arith.addi %scan3A_1, %scan3A_2 : i32
    %scan3A_4 = arith.constant 1 : i32
    %scan3A_5 = scf.for %scan3A_172 = %scan3A_1 to %scan3A_3 step %scan3A_4 iter_args(%scan3A_173 = %scan3A) -> (i32)  : i32 {
      %broadcast_in_dim3A = arith.constant 0.000000e+00 : f32
      %broadcast_in_dim3A_174 = vector.broadcast %broadcast_in_dim3A : f32 to vector<16x16xf32>
      %mul3A_175 = arith.constant 16 : i32
      %mul3A_176 = arith.muli %scan3A_172, %mul3A_175 : i32
      %swap3A = arith.index_cast %mul3A_176 : i32 to index
      %swap3A_177 = arith.constant 0 : index
      %swap3A_178 = tpu.vector_load %arg7[%swap3A, %swap3A_177] {strides = array<i32>} : memref<1024x16xf32, #tpu.memory_space<vmem>>, vector<16x16xf32>,
      %swap3A_179 = vector.shape_cast %swap3A_178 : vector<16x16xf32> to vector<16x16xf32>
      %swap3A_180 = vector.shape_cast %broadcast_in_dim3A_174 : vector<16x16xf32> to vector<16x16xf32>
      tpu.vector_store %arg7[%swap3A, %swap3A_177], %swap3A_180 {strides = array<i32>} : memref<1024x16xf32, #tpu.memory_space<vmem>>, vector<16x16xf32>,
      %scan3A_181 = arith.constant 0 : i32
      scf.yield %scan3A_181 : i32
    }
    %scan3A_6 = arith.constant 32 : i32
    %scan3A_7 = arith.constant 0 : i32
    %scan3A_8 = arith.constant 0 : i32
    %scan3A_9 = arith.constant 12 : i32
    %scan3A_10 = arith.addi %scan3A_8, %scan3A_9 : i32
    %scan3A_11 = arith.constant 1 : i32
    %scan3A_12 = scf.for %scan3A_172 = %scan3A_8 to %scan3A_10 step %scan3A_11 iter_args(%scan3A_173 = %scan3A_7) -> (i32)  : i32 {
      %mul3A_174 = arith.constant 512 : i32
      %mul3A_175 = arith.muli %scan3A_172, %mul3A_174 : i32
      %add3A_176 = arith.addi %mul3A_0, %mul3A_175 : i32
      "tpu.region"() ({
        %run_scoped3A = tpu.sem_alloc : memref<!tpu.dma_semaphore, #tpu.memory_space<semaphore_mem>>
        %dma_start3A_178 = arith.constant 0 : i32
        %dma_start3A_179 = arith.constant 0 : i32
        %dma_start3A_180 = tpu.memref_slice %arg7[%dma_start3A_178, %dma_start3A_179] : memref<1024x16xf32, #tpu.memory_space<vmem>> -> memref<512x16xf32, #tpu.memory_space<vmem>>
        %dma_start3A_181 = arith.constant 0 : i32
        %dma_start3A_182 = tpu.memref_slice %arg8[%add3A_176, %dma_start3A_181] : memref<100352x16xf32, #tpu.memory_space<vmem_shared>> -> memref<512x16xf32, #tpu.memory_space<vmem_shared>>
        %dma_start3A_183 = arith.constant 0 : i32
        %dma_start3A_184 = tpu.memref_slice %arg8[%add3A_176, %dma_start3A_183] : memref<100352x16xf32, #tpu.memory_space<vmem_shared>> -> memref<512x16xf32, #tpu.memory_space<vmem_shared>>
        %dma_start3A_185 = arith.constant 0 : i32
        %dma_start3A_186 = arith.constant 0 : i32
        %dma_start3A_187 = tpu.memref_slice %arg7[%dma_start3A_185, %dma_start3A_186] : memref<1024x16xf32, #tpu.memory_space<vmem>> -> memref<512x16xf32, #tpu.memory_space<vmem>>
        tpu.enqueue_dma source(%dma_start3A_187 : memref<512x16xf32, #tpu.memory_space<vmem>>) target(%dma_start3A_184 : memref<512x16xf32, #tpu.memory_space<vmem_shared>>) target_semaphore(%run_scoped3A : memref<!tpu.dma_semaphore, #tpu.memory_space<semaphore_mem>>)
        %dma_wait3A_188 = arith.constant 0 : i32
        %dma_wait3A_189 = arith.constant 0 : i32
        %dma_wait3A_190 = tpu.memref_slice %arg7[%dma_wait3A_188, %dma_wait3A_189] : memref<1024x16xf32, #tpu.memory_space<vmem>> -> memref<512x16xf32, #tpu.memory_space<vmem>>
        %dma_wait3A_191 = arith.constant 0 : i32
        %dma_wait3A_192 = tpu.memref_slice %arg8[%add3A_176, %dma_wait3A_191] : memref<100352x16xf32, #tpu.memory_space<vmem_shared>> -> memref<512x16xf32, #tpu.memory_space<vmem_shared>>
        %dma_wait3A_193 = arith.constant 0 : i32
        %dma_wait3A_194 = tpu.memref_slice %arg8[%add3A_176, %dma_wait3A_193] : memref<100352x16xf32, #tpu.memory_space<vmem_shared>> -> memref<512x16xf32, #tpu.memory_space<vmem_shared>>
        %dma_wait3A_195 = arith.constant 0 : i32
        %dma_wait3A_196 = arith.constant 0 : i32
        %dma_wait3A_197 = tpu.memref_slice %arg7[%dma_wait3A_195, %dma_wait3A_196] : memref<1024x16xf32, #tpu.memory_space<vmem>> -> memref<512x16xf32, #tpu.memory_space<vmem>>
        tpu.wait_dma2 semaphore(%run_scoped3A : memref<!tpu.dma_semaphore, #tpu.memory_space<semaphore_mem>>) src(%dma_wait3A_197 : memref<512x16xf32, #tpu.memory_space<vmem>>) dst(%dma_wait3A_194 : memref<512x16xf32, #tpu.memory_space<vmem_shared>>)
        tpu.yield
      }) : () -> ()
      %scan3A_177 = arith.constant 0 : i32
      scf.yield %scan3A_177 : i32
    }
    %scan3A_13 = arith.constant 12 : i32
    %add3A = arith.constant 6144 : i32
    %add3A_14 = arith.addi %mul3A_0, %add3A : i32
    "tpu.region"() ({
      %run_scoped3A = tpu.sem_alloc : memref<!tpu.dma_semaphore, #tpu.memory_space<semaphore_mem>>
      %dma_start3A_172 = arith.constant 0 : i32
      %dma_start3A_173 = arith.constant 0 : i32
      %dma_start3A_174 = tpu.memref_slice %arg7[%dma_start3A_172, %dma_start3A_173] : memref<1024x16xf32, #tpu.memory_space<vmem>> -> memref<128x16xf32, #tpu.memory_space<vmem>>
      %dma_start3A_175 = arith.constant 0 : i32
      %dma_start3A_176 = tpu.memref_slice %arg8[%add3A_14, %dma_start3A_175] : memref<100352x16xf32, #tpu.memory_space<vmem_shared>> -> memref<128x16xf32, #tpu.memory_space<vmem_shared>>
      %dma_start3A_177 = arith.constant 0 : i32
      %dma_start3A_178 = tpu.memref_slice %arg8[%add3A_14, %dma_start3A_177] : memref<100352x16xf32, #tpu.memory_space<vmem_shared>> -> memref<128x16xf32, #tpu.memory_space<vmem_shared>>
      %dma_start3A_179 = arith.constant 0 : i32
      %dma_start3A_180 = arith.constant 0 : i32
      %dma_start3A_181 = tpu.memref_slice %arg7[%dma_start3A_179, %dma_start3A_180] : memref<1024x16xf32, #tpu.memory_space<vmem>> -> memref<128x16xf32, #tpu.memory_space<vmem>>
      tpu.enqueue_dma source(%dma_start3A_181 : memref<128x16xf32, #tpu.memory_space<vmem>>) target(%dma_start3A_178 : memref<128x16xf32, #tpu.memory_space<vmem_shared>>) target_semaphore(%run_scoped3A : memref<!tpu.dma_semaphore, #tpu.memory_space<semaphore_mem>>)
      %dma_wait3A_182 = arith.constant 0 : i32
      %dma_wait3A_183 = arith.constant 0 : i32
      %dma_wait3A_184 = tpu.memref_slice %arg7[%dma_wait3A_182, %dma_wait3A_183] : memref<1024x16xf32, #tpu.memory_space<vmem>> -> memref<128x16xf32, #tpu.memory_space<vmem>>
      %dma_wait3A_185 = arith.constant 0 : i32
      %dma_wait3A_186 = tpu.memref_slice %arg8[%add3A_14, %dma_wait3A_185] : memref<100352x16xf32, #tpu.memory_space<vmem_shared>> -> memref<128x16xf32, #tpu.memory_space<vmem_shared>>
      %dma_wait3A_187 = arith.constant 0 : i32
      %dma_wait3A_188 = tpu.memref_slice %arg8[%add3A_14, %dma_wait3A_187] : memref<100352x16xf32, #tpu.memory_space<vmem_shared>> -> memref<128x16xf32, #tpu.memory_space<vmem_shared>>
      %dma_wait3A_189 = arith.constant 0 : i32
      %dma_wait3A_190 = arith.constant 0 : i32
      %dma_wait3A_191 = tpu.memref_slice %arg7[%dma_wait3A_189, %dma_wait3A_190] : memref<1024x16xf32, #tpu.memory_space<vmem>> -> memref<128x16xf32, #tpu.memory_space<vmem>>
      tpu.wait_dma2 semaphore(%run_scoped3A : memref<!tpu.dma_semaphore, #tpu.memory_space<semaphore_mem>>) src(%dma_wait3A_191 : memref<128x16xf32, #tpu.memory_space<vmem>>) dst(%dma_wait3A_188 : memref<128x16xf32, #tpu.memory_space<vmem_shared>>)
      tpu.yield
    }) : () -> ()
    %barrier3A = arith.constant 0 : index
    tpu.barrier barrier_id(%barrier3A)
    %mul3A_15 = arith.constant 2 : i32
    %mul3A_16 = arith.muli %arg1, %mul3A_15 : i32
    %add3A_17 = arith.addi %mul3A_16, %arg0 : i32
    %mul3A_18 = arith.constant 98 : i32
    %mul3A_19 = arith.muli %add3A_17, %mul3A_18 : i32
    %add3A_20 = arith.constant 0 : i32
    %add3A_21 = arith.addi %mul3A_19, %add3A_20 : i32
    %mul3A_22 = arith.constant 512 : i32
    %mul3A_23 = arith.muli %add3A_21, %mul3A_22 : i32
    %dma_start3A = arith.constant 0 : i32
    %dma_start3A_24 = arith.constant 0 : i32
    %dma_start3A_25 = arith.constant 0 : i32
    %dma_start3A_26 = tpu.memref_slice %arg6[%dma_start3A, %dma_start3A_24, %dma_start3A_25] : memref<2x2x512xi32, #tpu.memory_space<vmem>> -> memref<1x1x512xi32, #tpu.memory_space<vmem>>
    %dma_start3A_27 = tpu.memref_squeeze %dma_start3A_26 : memref<1x1x512xi32, #tpu.memory_space<vmem>> -> memref<512xi32, #tpu.memory_space<vmem>>
    %dma_start3A_28 = tpu.memref_slice %arg3[%mul3A_23] : memref<1605632xi32, #tpu.memory_space<hbm>> -> memref<512xi32, #tpu.memory_space<hbm>>
    %dma_start3A_29 = arith.constant 0 : i32
    %dma_start3A_30 = tpu.memref_slice %arg6[%dma_start3A, %dma_start3A_24, %dma_start3A_29] : memref<2x2x512xi32, #tpu.memory_space<vmem>> -> memref<1x1x512xi32, #tpu.memory_space<vmem>>
    %dma_start3A_31 = tpu.memref_squeeze %dma_start3A_30 : memref<1x1x512xi32, #tpu.memory_space<vmem>> -> memref<512xi32, #tpu.memory_space<vmem>>
    %dma_start3A_32 = tpu.memref_slice %arg3[%mul3A_23] : memref<1605632xi32, #tpu.memory_space<hbm>> -> memref<512xi32, #tpu.memory_space<hbm>>
    tpu.enqueue_dma source(%dma_start3A_32 : memref<512xi32, #tpu.memory_space<hbm>>) target(%dma_start3A_31 : memref<512xi32, #tpu.memory_space<vmem>>) target_semaphore(%arg13 : memref<!tpu.dma_semaphore, #tpu.memory_space<semaphore_mem>>)
    %dma_start3A_33 = arith.constant 0 : i32
    %dma_start3A_34 = arith.constant 1 : i32
    %dma_start3A_35 = arith.constant 0 : i32
    %dma_start3A_36 = tpu.memref_slice %arg6[%dma_start3A_33, %dma_start3A_34, %dma_start3A_35] : memref<2x2x512xi32, #tpu.memory_space<vmem>> -> memref<1x1x512xi32, #tpu.memory_space<vmem>>
    %dma_start3A_37 = tpu.memref_squeeze %dma_start3A_36 : memref<1x1x512xi32, #tpu.memory_space<vmem>> -> memref<512xi32, #tpu.memory_space<vmem>>
    %dma_start3A_38 = tpu.memref_slice %arg4[%mul3A_23] : memref<1605632xi32, #tpu.memory_space<hbm>> -> memref<512xi32, #tpu.memory_space<hbm>>
    %dma_start3A_39 = arith.constant 0 : i32
    %dma_start3A_40 = tpu.memref_slice %arg6[%dma_start3A_33, %dma_start3A_34, %dma_start3A_39] : memref<2x2x512xi32, #tpu.memory_space<vmem>> -> memref<1x1x512xi32, #tpu.memory_space<vmem>>
    %dma_start3A_41 = tpu.memref_squeeze %dma_start3A_40 : memref<1x1x512xi32, #tpu.memory_space<vmem>> -> memref<512xi32, #tpu.memory_space<vmem>>
    %dma_start3A_42 = tpu.memref_slice %arg4[%mul3A_23] : memref<1605632xi32, #tpu.memory_space<hbm>> -> memref<512xi32, #tpu.memory_space<hbm>>
    tpu.enqueue_dma source(%dma_start3A_42 : memref<512xi32, #tpu.memory_space<hbm>>) target(%dma_start3A_41 : memref<512xi32, #tpu.memory_space<vmem>>) target_semaphore(%arg13 : memref<!tpu.dma_semaphore, #tpu.memory_space<semaphore_mem>>)
    %dma_wait3A = arith.constant 0 : i32
    %dma_wait3A_43 = arith.constant 0 : i32
    %dma_wait3A_44 = arith.constant 0 : i32
    %dma_wait3A_45 = tpu.memref_slice %arg6[%dma_wait3A, %dma_wait3A_43, %dma_wait3A_44] : memref<2x2x512xi32, #tpu.memory_space<vmem>> -> memref<1x1x512xi32, #tpu.memory_space<vmem>>
    %dma_wait3A_46 = tpu.memref_squeeze %dma_wait3A_45 : memref<1x1x512xi32, #tpu.memory_space<vmem>> -> memref<512xi32, #tpu.memory_space<vmem>>
    %dma_wait3A_47 = arith.constant 0 : i32
    %dma_wait3A_48 = tpu.memref_slice %arg3[%dma_wait3A_47] : memref<1605632xi32, #tpu.memory_space<hbm>> -> memref<512xi32, #tpu.memory_space<hbm>>
    %dma_wait3A_49 = arith.constant 0 : i32
    %dma_wait3A_50 = tpu.memref_slice %arg6[%dma_wait3A, %dma_wait3A_43, %dma_wait3A_49] : memref<2x2x512xi32, #tpu.memory_space<vmem>> -> memref<1x1x512xi32, #tpu.memory_space<vmem>>
    %dma_wait3A_51 = tpu.memref_squeeze %dma_wait3A_50 : memref<1x1x512xi32, #tpu.memory_space<vmem>> -> memref<512xi32, #tpu.memory_space<vmem>>
    %dma_wait3A_52 = arith.constant 0 : i32
    %dma_wait3A_53 = tpu.memref_slice %arg3[%dma_wait3A_52] : memref<1605632xi32, #tpu.memory_space<hbm>> -> memref<512xi32, #tpu.memory_space<hbm>>
    tpu.wait_dma2 semaphore(%arg13 : memref<!tpu.dma_semaphore, #tpu.memory_space<semaphore_mem>>) src(%dma_wait3A_53 : memref<512xi32, #tpu.memory_space<hbm>>) dst(%dma_wait3A_51 : memref<512xi32, #tpu.memory_space<vmem>>)
    %dma_wait3A_54 = arith.constant 0 : i32
    %dma_wait3A_55 = arith.constant 1 : i32
    %dma_wait3A_56 = arith.constant 0 : i32
    %dma_wait3A_57 = tpu.memref_slice %arg6[%dma_wait3A_54, %dma_wait3A_55, %dma_wait3A_56] : memref<2x2x512xi32, #tpu.memory_space<vmem>> -> memref<1x1x512xi32, #tpu.memory_space<vmem>>
    %dma_wait3A_58 = tpu.memref_squeeze %dma_wait3A_57 : memref<1x1x512xi32, #tpu.memory_space<vmem>> -> memref<512xi32, #tpu.memory_space<vmem>>
    %dma_wait3A_59 = arith.constant 0 : i32
    %dma_wait3A_60 = tpu.memref_slice %arg3[%dma_wait3A_59] : memref<1605632xi32, #tpu.memory_space<hbm>> -> memref<512xi32, #tpu.memory_space<hbm>>
    %dma_wait3A_61 = arith.constant 0 : i32
    %dma_wait3A_62 = tpu.memref_slice %arg6[%dma_wait3A_54, %dma_wait3A_55, %dma_wait3A_61] : memref<2x2x512xi32, #tpu.memory_space<vmem>> -> memref<1x1x512xi32, #tpu.memory_space<vmem>>
    %dma_wait3A_63 = tpu.memref_squeeze %dma_wait3A_62 : memref<1x1x512xi32, #tpu.memory_space<vmem>> -> memref<512xi32, #tpu.memory_space<vmem>>
    %dma_wait3A_64 = arith.constant 0 : i32
    %dma_wait3A_65 = tpu.memref_slice %arg3[%dma_wait3A_64] : memref<1605632xi32, #tpu.memory_space<hbm>> -> memref<512xi32, #tpu.memory_space<hbm>>
    tpu.wait_dma2 semaphore(%arg13 : memref<!tpu.dma_semaphore, #tpu.memory_space<semaphore_mem>>) src(%dma_wait3A_65 : memref<512xi32, #tpu.memory_space<hbm>>) dst(%dma_wait3A_63 : memref<512xi32, #tpu.memory_space<vmem>>)
    %dma_start3A_66 = arith.constant 0 : i32
    %dma_start3A_67 = arith.constant 0 : i32
    %dma_start3A_68 = arith.constant 0 : i32
    %dma_start3A_69 = arith.constant 0 : i32
    %dma_start3A_70 = tpu.memref_slice %arg7[%dma_start3A_68, %dma_start3A_69] : memref<1024x16xf32, #tpu.memory_space<vmem>> -> memref<512x16xf32, #tpu.memory_space<vmem>>
    %dma_start3A_71 = arith.constant 0 : i32
    %dma_start3A_72 = tpu.memref_slice %arg6[%dma_start3A_66, %dma_start3A_67, %dma_start3A_71] : memref<2x2x512xi32, #tpu.memory_space<vmem>> -> memref<1x1x512xi32, #tpu.memory_space<vmem>>
    %dma_start3A_73 = tpu.memref_squeeze %dma_start3A_72 : memref<1x1x512xi32, #tpu.memory_space<vmem>> -> memref<512xi32, #tpu.memory_space<vmem>>
    %dma_start3A_74 = arith.constant 0 : i32
    %dma_start3A_75 = arith.constant 0 : i32
    %dma_start3A_76 = tpu.memref_slice %arg2[%dma_start3A_74, %dma_start3A_75] : memref<100352x16xf32, #tpu.memory_space<hbm>> -> memref<100352x16xf32, #tpu.memory_space<hbm>>
    tpu.enqueue_indirect_dma source(%dma_start3A_76 : memref<100352x16xf32, #tpu.memory_space<hbm>>) target(%dma_start3A_70 : memref<512x16xf32, #tpu.memory_space<vmem>>) offsets(%dma_start3A_73 : memref<512xi32, #tpu.memory_space<vmem>>) semaphore(%arg9 : memref<!tpu.dma_semaphore, #tpu.memory_space<semaphore_mem>>)
    %scan3A_77 = arith.constant 0 : i32
    %scan3A_78 = arith.constant 0 : i32
    %scan3A_79 = arith.constant 49 : i32
    %scan3A_80 = arith.addi %scan3A_78, %scan3A_79 : i32
    %scan3A_81 = arith.constant 1 : i32
    %scan3A_82 = scf.for %scan3A_172 = %scan3A_78 to %scan3A_80 step %scan3A_81 iter_args(%scan3A_173 = %scan3A_77) -> (i32)  : i32 {
      %mul3A_174 = arith.constant 2 : i32
      %mul3A_175 = arith.muli %mul3A_174, %scan3A_172 : i32
      %gt3A = arith.constant 0 : i32
      %gt3A_176 = arith.cmpi sgt, %scan3A_172, %gt3A : i32
      %convert_element_type3A = arith.extui %gt3A_176 : i1 to i32
      %cond3A = arith.constant 0 : i32
      %cond3A_177 = arith.cmpi ne, %convert_element_type3A, %cond3A : i32
      scf.if %cond3A_177 {
        %dma_wait3A_296 = arith.constant 512 : i32
        %dma_wait3A_297 = arith.constant 0 : i32
        %dma_wait3A_298 = tpu.memref_slice %arg7[%dma_wait3A_296, %dma_wait3A_297] : memref<1024x16xf32, #tpu.memory_space<vmem>> -> memref<512x16xf32, #tpu.memory_space<vmem>>
        %dma_wait3A_299 = arith.constant 0 : i32
        %dma_wait3A_300 = arith.constant 0 : i32
        %dma_wait3A_301 = tpu.memref_slice %arg2[%dma_wait3A_299, %dma_wait3A_300] : memref<100352x16xf32, #tpu.memory_space<hbm>> -> memref<512x16xf32, #tpu.memory_space<hbm>>
        %dma_wait3A_302 = arith.constant 512 : i32
        %dma_wait3A_303 = arith.constant 0 : i32
        %dma_wait3A_304 = tpu.memref_slice %arg7[%dma_wait3A_302, %dma_wait3A_303] : memref<1024x16xf32, #tpu.memory_space<vmem>> -> memref<512x16xf32, #tpu.memory_space<vmem>>
        %dma_wait3A_305 = arith.constant 0 : i32
        %dma_wait3A_306 = arith.constant 0 : i32
        %dma_wait3A_307 = tpu.memref_slice %arg2[%dma_wait3A_305, %dma_wait3A_306] : memref<100352x16xf32, #tpu.memory_space<hbm>> -> memref<512x16xf32, #tpu.memory_space<hbm>>
        tpu.wait_dma2 semaphore(%arg12 : memref<!tpu.dma_semaphore, #tpu.memory_space<semaphore_mem>>) src(%dma_wait3A_307 : memref<512x16xf32, #tpu.memory_space<hbm>>) dst(%dma_wait3A_304 : memref<512x16xf32, #tpu.memory_space<vmem>>)
      } else {
      }
      %add3A_178 = arith.constant 1 : i32
      %add3A_179 = arith.addi %mul3A_175, %add3A_178 : i32
      %mul3A_180 = arith.constant 2 : i32
      %mul3A_181 = arith.muli %arg1, %mul3A_180 : i32
      %add3A_182 = arith.addi %mul3A_181, %arg0 : i32
      %mul3A_183 = arith.constant 98 : i32
      %mul3A_184 = arith.muli %add3A_182, %mul3A_183 : i32
      %add3A_185 = arith.addi %mul3A_184, %add3A_179 : i32
      %mul3A_186 = arith.constant 512 : i32
      %mul3A_187 = arith.muli %add3A_185, %mul3A_186 : i32
      %dma_start3A_188 = arith.constant 1 : i32
      %dma_start3A_189 = arith.constant 0 : i32
      %dma_start3A_190 = arith.constant 0 : i32
      %dma_start3A_191 = tpu.memref_slice %arg6[%dma_start3A_188, %dma_start3A_189, %dma_start3A_190] : memref<2x2x512xi32, #tpu.memory_space<vmem>> -> memref<1x1x512xi32, #tpu.memory_space<vmem>>
      %dma_start3A_192 = tpu.memref_squeeze %dma_start3A_191 : memref<1x1x512xi32, #tpu.memory_space<vmem>> -> memref<512xi32, #tpu.memory_space<vmem>>
      %dma_start3A_193 = tpu.memref_slice %arg3[%mul3A_187] : memref<1605632xi32, #tpu.memory_space<hbm>> -> memref<512xi32, #tpu.memory_space<hbm>>
      %dma_start3A_194 = arith.constant 0 : i32
      %dma_start3A_195 = tpu.memref_slice %arg6[%dma_start3A_188, %dma_start3A_189, %dma_start3A_194] : memref<2x2x512xi32, #tpu.memory_space<vmem>> -> memref<1x1x512xi32, #tpu.memory_space<vmem>>
      %dma_start3A_196 = tpu.memref_squeeze %dma_start3A_195 : memref<1x1x512xi32, #tpu.memory_space<vmem>> -> memref<512xi32, #tpu.memory_space<vmem>>
      %dma_start3A_197 = tpu.memref_slice %arg3[%mul3A_187] : memref<1605632xi32, #tpu.memory_space<hbm>> -> memref<512xi32, #tpu.memory_space<hbm>>
      tpu.enqueue_dma source(%dma_start3A_197 : memref<512xi32, #tpu.memory_space<hbm>>) target(%dma_start3A_196 : memref<512xi32, #tpu.memory_space<vmem>>) target_semaphore(%arg14 : memref<!tpu.dma_semaphore, #tpu.memory_space<semaphore_mem>>)
      %dma_start3A_198 = arith.constant 1 : i32
      %dma_start3A_199 = arith.constant 1 : i32
      %dma_start3A_200 = arith.constant 0 : i32
      %dma_start3A_201 = tpu.memref_slice %arg6[%dma_start3A_198, %dma_start3A_199, %dma_start3A_200] : memref<2x2x512xi32, #tpu.memory_space<vmem>> -> memref<1x1x512xi32, #tpu.memory_space<vmem>>
      %dma_start3A_202 = tpu.memref_squeeze %dma_start3A_201 : memref<1x1x512xi32, #tpu.memory_space<vmem>> -> memref<512xi32, #tpu.memory_space<vmem>>
      %dma_start3A_203 = tpu.memref_slice %arg4[%mul3A_187] : memref<1605632xi32, #tpu.memory_space<hbm>> -> memref<512xi32, #tpu.memory_space<hbm>>
      %dma_start3A_204 = arith.constant 0 : i32
      %dma_start3A_205 = tpu.memref_slice %arg6[%dma_start3A_198, %dma_start3A_199, %dma_start3A_204] : memref<2x2x512xi32, #tpu.memory_space<vmem>> -> memref<1x1x512xi32, #tpu.memory_space<vmem>>
      %dma_start3A_206 = tpu.memref_squeeze %dma_start3A_205 : memref<1x1x512xi32, #tpu.memory_space<vmem>> -> memref<512xi32, #tpu.memory_space<vmem>>
      %dma_start3A_207 = tpu.memref_slice %arg4[%mul3A_187] : memref<1605632xi32, #tpu.memory_space<hbm>> -> memref<512xi32, #tpu.memory_space<hbm>>
      tpu.enqueue_dma source(%dma_start3A_207 : memref<512xi32, #tpu.memory_space<hbm>>) target(%dma_start3A_206 : memref<512xi32, #tpu.memory_space<vmem>>) target_semaphore(%arg14 : memref<!tpu.dma_semaphore, #tpu.memory_space<semaphore_mem>>)
      %dma_wait3A_208 = arith.constant 1 : i32
      %dma_wait3A_209 = arith.constant 0 : i32
      %dma_wait3A_210 = arith.constant 0 : i32
      %dma_wait3A_211 = tpu.memref_slice %arg6[%dma_wait3A_208, %dma_wait3A_209, %dma_wait3A_210] : memref<2x2x512xi32, #tpu.memory_space<vmem>> -> memref<1x1x512xi32, #tpu.memory_space<vmem>>
      %dma_wait3A_212 = tpu.memref_squeeze %dma_wait3A_211 : memref<1x1x512xi32, #tpu.memory_space<vmem>> -> memref<512xi32, #tpu.memory_space<vmem>>
      %dma_wait3A_213 = arith.constant 0 : i32
      %dma_wait3A_214 = tpu.memref_slice %arg3[%dma_wait3A_213] : memref<1605632xi32, #tpu.memory_space<hbm>> -> memref<512xi32, #tpu.memory_space<hbm>>
      %dma_wait3A_215 = arith.constant 0 : i32
      %dma_wait3A_216 = tpu.memref_slice %arg6[%dma_wait3A_208, %dma_wait3A_209, %dma_wait3A_215] : memref<2x2x512xi32, #tpu.memory_space<vmem>> -> memref<1x1x512xi32, #tpu.memory_space<vmem>>
      %dma_wait3A_217 = tpu.memref_squeeze %dma_wait3A_216 : memref<1x1x512xi32, #tpu.memory_space<vmem>> -> memref<512xi32, #tpu.memory_space<vmem>>
      %dma_wait3A_218 = arith.constant 0 : i32
      %dma_wait3A_219 = tpu.memref_slice %arg3[%dma_wait3A_218] : memref<1605632xi32, #tpu.memory_space<hbm>> -> memref<512xi32, #tpu.memory_space<hbm>>
      tpu.wait_dma2 semaphore(%arg14 : memref<!tpu.dma_semaphore, #tpu.memory_space<semaphore_mem>>) src(%dma_wait3A_219 : memref<512xi32, #tpu.memory_space<hbm>>) dst(%dma_wait3A_217 : memref<512xi32, #tpu.memory_space<vmem>>)
      %dma_wait3A_220 = arith.constant 1 : i32
      %dma_wait3A_221 = arith.constant 1 : i32
      %dma_wait3A_222 = arith.constant 0 : i32
      %dma_wait3A_223 = tpu.memref_slice %arg6[%dma_wait3A_220, %dma_wait3A_221, %dma_wait3A_222] : memref<2x2x512xi32, #tpu.memory_space<vmem>> -> memref<1x1x512xi32, #tpu.memory_space<vmem>>
      %dma_wait3A_224 = tpu.memref_squeeze %dma_wait3A_223 : memref<1x1x512xi32, #tpu.memory_space<vmem>> -> memref<512xi32, #tpu.memory_space<vmem>>
      %dma_wait3A_225 = arith.constant 0 : i32
      %dma_wait3A_226 = tpu.memref_slice %arg3[%dma_wait3A_225] : memref<1605632xi32, #tpu.memory_space<hbm>> -> memref<512xi32, #tpu.memory_space<hbm>>
      %dma_wait3A_227 = arith.constant 0 : i32
      %dma_wait3A_228 = tpu.memref_slice %arg6[%dma_wait3A_220, %dma_wait3A_221, %dma_wait3A_227] : memref<2x2x512xi32, #tpu.memory_space<vmem>> -> memref<1x1x512xi32, #tpu.memory_space<vmem>>
      %dma_wait3A_229 = tpu.memref_squeeze %dma_wait3A_228 : memref<1x1x512xi32, #tpu.memory_space<vmem>> -> memref<512xi32, #tpu.memory_space<vmem>>
      %dma_wait3A_230 = arith.constant 0 : i32
      %dma_wait3A_231 = tpu.memref_slice %arg3[%dma_wait3A_230] : memref<1605632xi32, #tpu.memory_space<hbm>> -> memref<512xi32, #tpu.memory_space<hbm>>
      tpu.wait_dma2 semaphore(%arg14 : memref<!tpu.dma_semaphore, #tpu.memory_space<semaphore_mem>>) src(%dma_wait3A_231 : memref<512xi32, #tpu.memory_space<hbm>>) dst(%dma_wait3A_229 : memref<512xi32, #tpu.memory_space<vmem>>)
      %dma_start3A_232 = arith.constant 1 : i32
      %dma_start3A_233 = arith.constant 0 : i32
      %dma_start3A_234 = arith.constant 512 : i32
      %dma_start3A_235 = arith.constant 0 : i32
      %dma_start3A_236 = tpu.memref_slice %arg7[%dma_start3A_234, %dma_start3A_235] : memref<1024x16xf32, #tpu.memory_space<vmem>> -> memref<512x16xf32, #tpu.memory_space<vmem>>
      %dma_start3A_237 = arith.constant 0 : i32
      %dma_start3A_238 = tpu.memref_slice %arg6[%dma_start3A_232, %dma_start3A_233, %dma_start3A_237] : memref<2x2x512xi32, #tpu.memory_space<vmem>> -> memref<1x1x512xi32, #tpu.memory_space<vmem>>
      %dma_start3A_239 = tpu.memref_squeeze %dma_start3A_238 : memref<1x1x512xi32, #tpu.memory_space<vmem>> -> memref<512xi32, #tpu.memory_space<vmem>>
      %dma_start3A_240 = arith.constant 0 : i32
      %dma_start3A_241 = arith.constant 0 : i32
      %dma_start3A_242 = tpu.memref_slice %arg2[%dma_start3A_240, %dma_start3A_241] : memref<100352x16xf32, #tpu.memory_space<hbm>> -> memref<100352x16xf32, #tpu.memory_space<hbm>>
      tpu.enqueue_indirect_dma source(%dma_start3A_242 : memref<100352x16xf32, #tpu.memory_space<hbm>>) target(%dma_start3A_236 : memref<512x16xf32, #tpu.memory_space<vmem>>) offsets(%dma_start3A_239 : memref<512xi32, #tpu.memory_space<vmem>>) semaphore(%arg10 : memref<!tpu.dma_semaphore, #tpu.memory_space<semaphore_mem>>)
      %dma_wait3A_243 = arith.constant 0 : i32
      %dma_wait3A_244 = arith.constant 0 : i32
      %dma_wait3A_245 = tpu.memref_slice %arg7[%dma_wait3A_243, %dma_wait3A_244] : memref<1024x16xf32, #tpu.memory_space<vmem>> -> memref<512x16xf32, #tpu.memory_space<vmem>>
      %dma_wait3A_246 = arith.constant 0 : i32
      %dma_wait3A_247 = arith.constant 0 : i32
      %dma_wait3A_248 = tpu.memref_slice %arg2[%dma_wait3A_246, %dma_wait3A_247] : memref<100352x16xf32, #tpu.memory_space<hbm>> -> memref<512x16xf32, #tpu.memory_space<hbm>>
      %dma_wait3A_249 = arith.constant 0 : i32
      %dma_wait3A_250 = arith.constant 0 : i32
      %dma_wait3A_251 = tpu.memref_slice %arg7[%dma_wait3A_249, %dma_wait3A_250] : memref<1024x16xf32, #tpu.memory_space<vmem>> -> memref<512x16xf32, #tpu.memory_space<vmem>>
      %dma_wait3A_252 = arith.constant 0 : i32
      %dma_wait3A_253 = arith.constant 0 : i32
      %dma_wait3A_254 = tpu.memref_slice %arg2[%dma_wait3A_252, %dma_wait3A_253] : memref<100352x16xf32, #tpu.memory_space<hbm>> -> memref<512x16xf32, #tpu.memory_space<hbm>>
      tpu.wait_dma2 semaphore(%arg9 : memref<!tpu.dma_semaphore, #tpu.memory_space<semaphore_mem>>) src(%dma_wait3A_254 : memref<512x16xf32, #tpu.memory_space<hbm>>) dst(%dma_wait3A_251 : memref<512x16xf32, #tpu.memory_space<vmem>>)
      %dma_start3A_255 = arith.constant 0 : i32
      %dma_start3A_256 = arith.constant 1 : i32
      %dma_start3A_257 = arith.constant 0 : i32
      %dma_start3A_258 = arith.constant 0 : i32
      %dma_start3A_259 = tpu.memref_slice %arg7[%dma_start3A_257, %dma_start3A_258] : memref<1024x16xf32, #tpu.memory_space<vmem>> -> memref<512x16xf32, #tpu.memory_space<vmem>>
      %dma_start3A_260 = arith.constant 0 : i32
      %dma_start3A_261 = tpu.memref_slice %arg6[%dma_start3A_255, %dma_start3A_256, %dma_start3A_260] : memref<2x2x512xi32, #tpu.memory_space<vmem>> -> memref<1x1x512xi32, #tpu.memory_space<vmem>>
      %dma_start3A_262 = tpu.memref_squeeze %dma_start3A_261 : memref<1x1x512xi32, #tpu.memory_space<vmem>> -> memref<512xi32, #tpu.memory_space<vmem>>
      %dma_start3A_263 = arith.constant 0 : i32
      %dma_start3A_264 = arith.constant 0 : i32
      %dma_start3A_265 = tpu.memref_slice %arg8[%dma_start3A_263, %dma_start3A_264] : memref<100352x16xf32, #tpu.memory_space<vmem_shared>> -> memref<100352x16xf32, #tpu.memory_space<vmem_shared>>
      tpu.enqueue_indirect_dma source(%dma_start3A_259 : memref<512x16xf32, #tpu.memory_space<vmem>>) target(%dma_start3A_265 : memref<100352x16xf32, #tpu.memory_space<vmem_shared>>) offsets(%dma_start3A_262 : memref<512xi32, #tpu.memory_space<vmem>>) semaphore(%arg11 : memref<!tpu.dma_semaphore, #tpu.memory_space<semaphore_mem>>) {add = true}
      %add3A_266 = arith.constant 1 : i32
      %add3A_267 = arith.addi %scan3A_172, %add3A_266 : i32
      %lt3A = arith.constant 49 : i32
      %lt3A_268 = arith.cmpi slt, %add3A_267, %lt3A : i32
      %convert_element_type3A_269 = arith.extui %lt3A_268 : i1 to i32
      %cond3A_270 = arith.constant 0 : i32
      %cond3A_271 = arith.cmpi ne, %convert_element_type3A_269, %cond3A_270 : i32
      scf.if %cond3A_271 {
        %dma_wait3A_296 = arith.constant 0 : i32
        %dma_wait3A_297 = arith.constant 0 : i32
        %dma_wait3A_298 = tpu.memref_slice %arg7[%dma_wait3A_296, %dma_wait3A_297] : memref<1024x16xf32, #tpu.memory_space<vmem>> -> memref<512x16xf32, #tpu.memory_space<vmem>>
        %dma_wait3A_299 = arith.constant 0 : i32
        %dma_wait3A_300 = arith.constant 0 : i32
        %dma_wait3A_301 = tpu.memref_slice %arg2[%dma_wait3A_299, %dma_wait3A_300] : memref<100352x16xf32, #tpu.memory_space<hbm>> -> memref<512x16xf32, #tpu.memory_space<hbm>>
        %dma_wait3A_302 = arith.constant 0 : i32
        %dma_wait3A_303 = arith.constant 0 : i32
        %dma_wait3A_304 = tpu.memref_slice %arg7[%dma_wait3A_302, %dma_wait3A_303] : memref<1024x16xf32, #tpu.memory_space<vmem>> -> memref<512x16xf32, #tpu.memory_space<vmem>>
        %dma_wait3A_305 = arith.constant 0 : i32
        %dma_wait3A_306 = arith.constant 0 : i32
        %dma_wait3A_307 = tpu.memref_slice %arg2[%dma_wait3A_305, %dma_wait3A_306] : memref<100352x16xf32, #tpu.memory_space<hbm>> -> memref<512x16xf32, #tpu.memory_space<hbm>>
        tpu.wait_dma2 semaphore(%arg11 : memref<!tpu.dma_semaphore, #tpu.memory_space<semaphore_mem>>) src(%dma_wait3A_307 : memref<512x16xf32, #tpu.memory_space<hbm>>) dst(%dma_wait3A_304 : memref<512x16xf32, #tpu.memory_space<vmem>>)
        %add3A_308 = arith.constant 2 : i32
        %add3A_309 = arith.addi %mul3A_175, %add3A_308 : i32
        %mul3A_310 = arith.constant 2 : i32
        %mul3A_311 = arith.muli %arg1, %mul3A_310 : i32
        %add3A_312 = arith.addi %mul3A_311, %arg0 : i32
        %mul3A_313 = arith.constant 98 : i32
        %mul3A_314 = arith.muli %add3A_312, %mul3A_313 : i32
        %add3A_315 = arith.addi %mul3A_314, %add3A_309 : i32
        %mul3A_316 = arith.constant 512 : i32
        %mul3A_317 = arith.muli %add3A_315, %mul3A_316 : i32
        %dma_start3A_318 = arith.constant 0 : i32
        %dma_start3A_319 = arith.constant 0 : i32
        %dma_start3A_320 = arith.constant 0 : i32
        %dma_start3A_321 = tpu.memref_slice %arg6[%dma_start3A_318, %dma_start3A_319, %dma_start3A_320] : memref<2x2x512xi32, #tpu.memory_space<vmem>> -> memref<1x1x512xi32, #tpu.memory_space<vmem>>
        %dma_start3A_322 = tpu.memref_squeeze %dma_start3A_321 : memref<1x1x512xi32, #tpu.memory_space<vmem>> -> memref<512xi32, #tpu.memory_space<vmem>>
        %dma_start3A_323 = tpu.memref_slice %arg3[%mul3A_317] : memref<1605632xi32, #tpu.memory_space<hbm>> -> memref<512xi32, #tpu.memory_space<hbm>>
        %dma_start3A_324 = arith.constant 0 : i32
        %dma_start3A_325 = tpu.memref_slice %arg6[%dma_start3A_318, %dma_start3A_319, %dma_start3A_324] : memref<2x2x512xi32, #tpu.memory_space<vmem>> -> memref<1x1x512xi32, #tpu.memory_space<vmem>>
        %dma_start3A_326 = tpu.memref_squeeze %dma_start3A_325 : memref<1x1x512xi32, #tpu.memory_space<vmem>> -> memref<512xi32, #tpu.memory_space<vmem>>
        %dma_start3A_327 = tpu.memref_slice %arg3[%mul3A_317] : memref<1605632xi32, #tpu.memory_space<hbm>> -> memref<512xi32, #tpu.memory_space<hbm>>
        tpu.enqueue_dma source(%dma_start3A_327 : memref<512xi32, #tpu.memory_space<hbm>>) target(%dma_start3A_326 : memref<512xi32, #tpu.memory_space<vmem>>) target_semaphore(%arg13 : memref<!tpu.dma_semaphore, #tpu.memory_space<semaphore_mem>>)
        %dma_start3A_328 = arith.constant 0 : i32
        %dma_start3A_329 = arith.constant 1 : i32
        %dma_start3A_330 = arith.constant 0 : i32
        %dma_start3A_331 = tpu.memref_slice %arg6[%dma_start3A_328, %dma_start3A_329, %dma_start3A_330] : memref<2x2x512xi32, #tpu.memory_space<vmem>> -> memref<1x1x512xi32, #tpu.memory_space<vmem>>
        %dma_start3A_332 = tpu.memref_squeeze %dma_start3A_331 : memref<1x1x512xi32, #tpu.memory_space<vmem>> -> memref<512xi32, #tpu.memory_space<vmem>>
        %dma_start3A_333 = tpu.memref_slice %arg4[%mul3A_317] : memref<1605632xi32, #tpu.memory_space<hbm>> -> memref<512xi32, #tpu.memory_space<hbm>>
        %dma_start3A_334 = arith.constant 0 : i32
        %dma_start3A_335 = tpu.memref_slice %arg6[%dma_start3A_328, %dma_start3A_329, %dma_start3A_334] : memref<2x2x512xi32, #tpu.memory_space<vmem>> -> memref<1x1x512xi32, #tpu.memory_space<vmem>>
        %dma_start3A_336 = tpu.memref_squeeze %dma_start3A_335 : memref<1x1x512xi32, #tpu.memory_space<vmem>> -> memref<512xi32, #tpu.memory_space<vmem>>
        %dma_start3A_337 = tpu.memref_slice %arg4[%mul3A_317] : memref<1605632xi32, #tpu.memory_space<hbm>> -> memref<512xi32, #tpu.memory_space<hbm>>
        tpu.enqueue_dma source(%dma_start3A_337 : memref<512xi32, #tpu.memory_space<hbm>>) target(%dma_start3A_336 : memref<512xi32, #tpu.memory_space<vmem>>) target_semaphore(%arg13 : memref<!tpu.dma_semaphore, #tpu.memory_space<semaphore_mem>>)
        %dma_wait3A_338 = arith.constant 0 : i32
        %dma_wait3A_339 = arith.constant 0 : i32
        %dma_wait3A_340 = arith.constant 0 : i32
        %dma_wait3A_341 = tpu.memref_slice %arg6[%dma_wait3A_338, %dma_wait3A_339, %dma_wait3A_340] : memref<2x2x512xi32, #tpu.memory_space<vmem>> -> memref<1x1x512xi32, #tpu.memory_space<vmem>>
        %dma_wait3A_342 = tpu.memref_squeeze %dma_wait3A_341 : memref<1x1x512xi32, #tpu.memory_space<vmem>> -> memref<512xi32, #tpu.memory_space<vmem>>
        %dma_wait3A_343 = arith.constant 0 : i32
        %dma_wait3A_344 = tpu.memref_slice %arg3[%dma_wait3A_343] : memref<1605632xi32, #tpu.memory_space<hbm>> -> memref<512xi32, #tpu.memory_space<hbm>>
        %dma_wait3A_345 = arith.constant 0 : i32
        %dma_wait3A_346 = tpu.memref_slice %arg6[%dma_wait3A_338, %dma_wait3A_339, %dma_wait3A_345] : memref<2x2x512xi32, #tpu.memory_space<vmem>> -> memref<1x1x512xi32, #tpu.memory_space<vmem>>
        %dma_wait3A_347 = tpu.memref_squeeze %dma_wait3A_346 : memref<1x1x512xi32, #tpu.memory_space<vmem>> -> memref<512xi32, #tpu.memory_space<vmem>>
        %dma_wait3A_348 = arith.constant 0 : i32
        %dma_wait3A_349 = tpu.memref_slice %arg3[%dma_wait3A_348] : memref<1605632xi32, #tpu.memory_space<hbm>> -> memref<512xi32, #tpu.memory_space<hbm>>
        tpu.wait_dma2 semaphore(%arg13 : memref<!tpu.dma_semaphore, #tpu.memory_space<semaphore_mem>>) src(%dma_wait3A_349 : memref<512xi32, #tpu.memory_space<hbm>>) dst(%dma_wait3A_347 : memref<512xi32, #tpu.memory_space<vmem>>)
        %dma_wait3A_350 = arith.constant 0 : i32
        %dma_wait3A_351 = arith.constant 1 : i32
        %dma_wait3A_352 = arith.constant 0 : i32
        %dma_wait3A_353 = tpu.memref_slice %arg6[%dma_wait3A_350, %dma_wait3A_351, %dma_wait3A_352] : memref<2x2x512xi32, #tpu.memory_space<vmem>> -> memref<1x1x512xi32, #tpu.memory_space<vmem>>
        %dma_wait3A_354 = tpu.memref_squeeze %dma_wait3A_353 : memref<1x1x512xi32, #tpu.memory_space<vmem>> -> memref<512xi32, #tpu.memory_space<vmem>>
        %dma_wait3A_355 = arith.constant 0 : i32
        %dma_wait3A_356 = tpu.memref_slice %arg3[%dma_wait3A_355] : memref<1605632xi32, #tpu.memory_space<hbm>> -> memref<512xi32, #tpu.memory_space<hbm>>
        %dma_wait3A_357 = arith.constant 0 : i32
        %dma_wait3A_358 = tpu.memref_slice %arg6[%dma_wait3A_350, %dma_wait3A_351, %dma_wait3A_357] : memref<2x2x512xi32, #tpu.memory_space<vmem>> -> memref<1x1x512xi32, #tpu.memory_space<vmem>>
        %dma_wait3A_359 = tpu.memref_squeeze %dma_wait3A_358 : memref<1x1x512xi32, #tpu.memory_space<vmem>> -> memref<512xi32, #tpu.memory_space<vmem>>
        %dma_wait3A_360 = arith.constant 0 : i32
        %dma_wait3A_361 = tpu.memref_slice %arg3[%dma_wait3A_360] : memref<1605632xi32, #tpu.memory_space<hbm>> -> memref<512xi32, #tpu.memory_space<hbm>>
        tpu.wait_dma2 semaphore(%arg13 : memref<!tpu.dma_semaphore, #tpu.memory_space<semaphore_mem>>) src(%dma_wait3A_361 : memref<512xi32, #tpu.memory_space<hbm>>) dst(%dma_wait3A_359 : memref<512xi32, #tpu.memory_space<vmem>>)
        %dma_start3A_362 = arith.constant 0 : i32
        %dma_start3A_363 = arith.constant 0 : i32
        %dma_start3A_364 = arith.constant 0 : i32
        %dma_start3A_365 = arith.constant 0 : i32
        %dma_start3A_366 = tpu.memref_slice %arg7[%dma_start3A_364, %dma_start3A_365] : memref<1024x16xf32, #tpu.memory_space<vmem>> -> memref<512x16xf32, #tpu.memory_space<vmem>>
        %dma_start3A_367 = arith.constant 0 : i32
        %dma_start3A_368 = tpu.memref_slice %arg6[%dma_start3A_362, %dma_start3A_363, %dma_start3A_367] : memref<2x2x512xi32, #tpu.memory_space<vmem>> -> memref<1x1x512xi32, #tpu.memory_space<vmem>>
        %dma_start3A_369 = tpu.memref_squeeze %dma_start3A_368 : memref<1x1x512xi32, #tpu.memory_space<vmem>> -> memref<512xi32, #tpu.memory_space<vmem>>
        %dma_start3A_370 = arith.constant 0 : i32
        %dma_start3A_371 = arith.constant 0 : i32
        %dma_start3A_372 = tpu.memref_slice %arg2[%dma_start3A_370, %dma_start3A_371] : memref<100352x16xf32, #tpu.memory_space<hbm>> -> memref<100352x16xf32, #tpu.memory_space<hbm>>
        tpu.enqueue_indirect_dma source(%dma_start3A_372 : memref<100352x16xf32, #tpu.memory_space<hbm>>) target(%dma_start3A_366 : memref<512x16xf32, #tpu.memory_space<vmem>>) offsets(%dma_start3A_369 : memref<512xi32, #tpu.memory_space<vmem>>) semaphore(%arg9 : memref<!tpu.dma_semaphore, #tpu.memory_space<semaphore_mem>>)
      } else {
      }
      %dma_wait3A_272 = arith.constant 512 : i32
      %dma_wait3A_273 = arith.constant 0 : i32
      %dma_wait3A_274 = tpu.memref_slice %arg7[%dma_wait3A_272, %dma_wait3A_273] : memref<1024x16xf32, #tpu.memory_space<vmem>> -> memref<512x16xf32, #tpu.memory_space<vmem>>
      %dma_wait3A_275 = arith.constant 0 : i32
      %dma_wait3A_276 = arith.constant 0 : i32
      %dma_wait3A_277 = tpu.memref_slice %arg2[%dma_wait3A_275, %dma_wait3A_276] : memref<100352x16xf32, #tpu.memory_space<hbm>> -> memref<512x16xf32, #tpu.memory_space<hbm>>
      %dma_wait3A_278 = arith.constant 512 : i32
      %dma_wait3A_279 = arith.constant 0 : i32
      %dma_wait3A_280 = tpu.memref_slice %arg7[%dma_wait3A_278, %dma_wait3A_279] : memref<1024x16xf32, #tpu.memory_space<vmem>> -> memref<512x16xf32, #tpu.memory_space<vmem>>
      %dma_wait3A_281 = arith.constant 0 : i32
      %dma_wait3A_282 = arith.constant 0 : i32
      %dma_wait3A_283 = tpu.memref_slice %arg2[%dma_wait3A_281, %dma_wait3A_282] : memref<100352x16xf32, #tpu.memory_space<hbm>> -> memref<512x16xf32, #tpu.memory_space<hbm>>
      tpu.wait_dma2 semaphore(%arg10 : memref<!tpu.dma_semaphore, #tpu.memory_space<semaphore_mem>>) src(%dma_wait3A_283 : memref<512x16xf32, #tpu.memory_space<hbm>>) dst(%dma_wait3A_280 : memref<512x16xf32, #tpu.memory_space<vmem>>)
      %dma_start3A_284 = arith.constant 1 : i32
      %dma_start3A_285 = arith.constant 1 : i32
      %dma_start3A_286 = arith.constant 512 : i32
      %dma_start3A_287 = arith.constant 0 : i32
      %dma_start3A_288 = tpu.memref_slice %arg7[%dma_start3A_286, %dma_start3A_287] : memref<1024x16xf32, #tpu.memory_space<vmem>> -> memref<512x16xf32, #tpu.memory_space<vmem>>
      %dma_start3A_289 = arith.constant 0 : i32
      %dma_start3A_290 = tpu.memref_slice %arg6[%dma_start3A_284, %dma_start3A_285, %dma_start3A_289] : memref<2x2x512xi32, #tpu.memory_space<vmem>> -> memref<1x1x512xi32, #tpu.memory_space<vmem>>
      %dma_start3A_291 = tpu.memref_squeeze %dma_start3A_290 : memref<1x1x512xi32, #tpu.memory_space<vmem>> -> memref<512xi32, #tpu.memory_space<vmem>>
      %dma_start3A_292 = arith.constant 0 : i32
      %dma_start3A_293 = arith.constant 0 : i32
      %dma_start3A_294 = tpu.memref_slice %arg8[%dma_start3A_292, %dma_start3A_293] : memref<100352x16xf32, #tpu.memory_space<vmem_shared>> -> memref<100352x16xf32, #tpu.memory_space<vmem_shared>>
      tpu.enqueue_indirect_dma source(%dma_start3A_288 : memref<512x16xf32, #tpu.memory_space<vmem>>) target(%dma_start3A_294 : memref<100352x16xf32, #tpu.memory_space<vmem_shared>>) offsets(%dma_start3A_291 : memref<512xi32, #tpu.memory_space<vmem>>) semaphore(%arg12 : memref<!tpu.dma_semaphore, #tpu.memory_space<semaphore_mem>>) {add = true}
      %scan3A_295 = arith.constant 0 : i32
      scf.yield %scan3A_295 : i32
    }
    %scan3A_83 = arith.constant 49 : i32
    %dma_wait3A_84 = arith.constant 0 : i32
    %dma_wait3A_85 = arith.constant 0 : i32
    %dma_wait3A_86 = tpu.memref_slice %arg7[%dma_wait3A_84, %dma_wait3A_85] : memref<1024x16xf32, #tpu.memory_space<vmem>> -> memref<512x16xf32, #tpu.memory_space<vmem>>
    %dma_wait3A_87 = arith.constant 0 : i32
    %dma_wait3A_88 = arith.constant 0 : i32
    %dma_wait3A_89 = tpu.memref_slice %arg2[%dma_wait3A_87, %dma_wait3A_88] : memref<100352x16xf32, #tpu.memory_space<hbm>> -> memref<512x16xf32, #tpu.memory_space<hbm>>
    %dma_wait3A_90 = arith.constant 0 : i32
    %dma_wait3A_91 = arith.constant 0 : i32
    %dma_wait3A_92 = tpu.memref_slice %arg7[%dma_wait3A_90, %dma_wait3A_91] : memref<1024x16xf32, #tpu.memory_space<vmem>> -> memref<512x16xf32, #tpu.memory_space<vmem>>
    %dma_wait3A_93 = arith.constant 0 : i32
    %dma_wait3A_94 = arith.constant 0 : i32
    %dma_wait3A_95 = tpu.memref_slice %arg2[%dma_wait3A_93, %dma_wait3A_94] : memref<100352x16xf32, #tpu.memory_space<hbm>> -> memref<512x16xf32, #tpu.memory_space<hbm>>
    tpu.wait_dma2 semaphore(%arg11 : memref<!tpu.dma_semaphore, #tpu.memory_space<semaphore_mem>>) src(%dma_wait3A_95 : memref<512x16xf32, #tpu.memory_space<hbm>>) dst(%dma_wait3A_92 : memref<512x16xf32, #tpu.memory_space<vmem>>)
    %dma_wait3A_96 = arith.constant 512 : i32
    %dma_wait3A_97 = arith.constant 0 : i32
    %dma_wait3A_98 = tpu.memref_slice %arg7[%dma_wait3A_96, %dma_wait3A_97] : memref<1024x16xf32, #tpu.memory_space<vmem>> -> memref<512x16xf32, #tpu.memory_space<vmem>>
    %dma_wait3A_99 = arith.constant 0 : i32
    %dma_wait3A_100 = arith.constant 0 : i32
    %dma_wait3A_101 = tpu.memref_slice %arg2[%dma_wait3A_99, %dma_wait3A_100] : memref<100352x16xf32, #tpu.memory_space<hbm>> -> memref<512x16xf32, #tpu.memory_space<hbm>>
    %dma_wait3A_102 = arith.constant 512 : i32
    %dma_wait3A_103 = arith.constant 0 : i32
    %dma_wait3A_104 = tpu.memref_slice %arg7[%dma_wait3A_102, %dma_wait3A_103] : memref<1024x16xf32, #tpu.memory_space<vmem>> -> memref<512x16xf32, #tpu.memory_space<vmem>>
    %dma_wait3A_105 = arith.constant 0 : i32
    %dma_wait3A_106 = arith.constant 0 : i32
    %dma_wait3A_107 = tpu.memref_slice %arg2[%dma_wait3A_105, %dma_wait3A_106] : memref<100352x16xf32, #tpu.memory_space<hbm>> -> memref<512x16xf32, #tpu.memory_space<hbm>>
    tpu.wait_dma2 semaphore(%arg12 : memref<!tpu.dma_semaphore, #tpu.memory_space<semaphore_mem>>) src(%dma_wait3A_107 : memref<512x16xf32, #tpu.memory_space<hbm>>) dst(%dma_wait3A_104 : memref<512x16xf32, #tpu.memory_space<vmem>>)
    %barrier3A_108 = arith.constant 0 : index
    tpu.barrier barrier_id(%barrier3A_108)
    %scan3A_109 = arith.constant 0 : i32
    %scan3A_110 = arith.constant 0 : i32
    %scan3A_111 = arith.constant 6 : i32
    %scan3A_112 = arith.addi %scan3A_110, %scan3A_111 : i32
    %scan3A_113 = arith.constant 1 : i32
    %scan3A_114 = scf.for %scan3A_172 = %scan3A_110 to %scan3A_112 step %scan3A_113 iter_args(%scan3A_173 = %scan3A_109) -> (i32)  : i32 {
      %mul3A_174 = arith.constant 2 : i32
      %mul3A_175 = arith.muli %mul3A_174, %scan3A_172 : i32
      %add3A_176 = arith.constant 0 : i32
      %add3A_177 = arith.addi %mul3A_175, %add3A_176 : i32
      %mul3A_178 = arith.constant 512 : i32
      %mul3A_179 = arith.muli %add3A_177, %mul3A_178 : i32
      %add3A_180 = arith.addi %mul3A_0, %mul3A_179 : i32
      %gt3A = arith.constant 0 : i32
      %gt3A_181 = arith.cmpi sgt, %scan3A_172, %gt3A : i32
      %convert_element_type3A = arith.extui %gt3A_181 : i1 to i32
      %cond3A = arith.constant 0 : i32
      %cond3A_182 = arith.cmpi ne, %convert_element_type3A, %cond3A : i32
      scf.if %cond3A_182 {
        %dma_wait3A_232 = arith.constant 0 : i32
        %dma_wait3A_233 = arith.constant 0 : i32
        %dma_wait3A_234 = tpu.memref_slice %arg7[%dma_wait3A_232, %dma_wait3A_233] : memref<1024x16xf32, #tpu.memory_space<vmem>> -> memref<512x16xf32, #tpu.memory_space<vmem>>
        %dma_wait3A_235 = arith.constant 0 : i32
        %dma_wait3A_236 = arith.constant 0 : i32
        %dma_wait3A_237 = tpu.memref_slice %arg2[%dma_wait3A_235, %dma_wait3A_236] : memref<100352x16xf32, #tpu.memory_space<hbm>> -> memref<512x16xf32, #tpu.memory_space<hbm>>
        %dma_wait3A_238 = arith.constant 0 : i32
        %dma_wait3A_239 = arith.constant 0 : i32
        %dma_wait3A_240 = tpu.memref_slice %arg7[%dma_wait3A_238, %dma_wait3A_239] : memref<1024x16xf32, #tpu.memory_space<vmem>> -> memref<512x16xf32, #tpu.memory_space<vmem>>
        %dma_wait3A_241 = arith.constant 0 : i32
        %dma_wait3A_242 = arith.constant 0 : i32
        %dma_wait3A_243 = tpu.memref_slice %arg2[%dma_wait3A_241, %dma_wait3A_242] : memref<100352x16xf32, #tpu.memory_space<hbm>> -> memref<512x16xf32, #tpu.memory_space<hbm>>
        tpu.wait_dma2 semaphore(%arg9 : memref<!tpu.dma_semaphore, #tpu.memory_space<semaphore_mem>>) src(%dma_wait3A_243 : memref<512x16xf32, #tpu.memory_space<hbm>>) dst(%dma_wait3A_240 : memref<512x16xf32, #tpu.memory_space<vmem>>)
      } else {
      }
      "tpu.region"() ({
        %run_scoped3A = tpu.sem_alloc : memref<!tpu.dma_semaphore, #tpu.memory_space<semaphore_mem>>
        %dma_start3A_232 = arith.constant 0 : i32
        %dma_start3A_233 = arith.constant 0 : i32
        %dma_start3A_234 = tpu.memref_slice %arg7[%dma_start3A_232, %dma_start3A_233] : memref<1024x16xf32, #tpu.memory_space<vmem>> -> memref<512x16xf32, #tpu.memory_space<vmem>>
        %dma_start3A_235 = arith.constant 0 : i32
        %dma_start3A_236 = tpu.memref_slice %arg8[%add3A_180, %dma_start3A_235] : memref<100352x16xf32, #tpu.memory_space<vmem_shared>> -> memref<512x16xf32, #tpu.memory_space<vmem_shared>>
        %dma_start3A_237 = arith.constant 0 : i32
        %dma_start3A_238 = arith.constant 0 : i32
        %dma_start3A_239 = tpu.memref_slice %arg7[%dma_start3A_237, %dma_start3A_238] : memref<1024x16xf32, #tpu.memory_space<vmem>> -> memref<512x16xf32, #tpu.memory_space<vmem>>
        %dma_start3A_240 = arith.constant 0 : i32
        %dma_start3A_241 = tpu.memref_slice %arg8[%add3A_180, %dma_start3A_240] : memref<100352x16xf32, #tpu.memory_space<vmem_shared>> -> memref<512x16xf32, #tpu.memory_space<vmem_shared>>
        tpu.enqueue_dma source(%dma_start3A_241 : memref<512x16xf32, #tpu.memory_space<vmem_shared>>) target(%dma_start3A_239 : memref<512x16xf32, #tpu.memory_space<vmem>>) target_semaphore(%run_scoped3A : memref<!tpu.dma_semaphore, #tpu.memory_space<semaphore_mem>>)
        %dma_wait3A_242 = arith.constant 0 : i32
        %dma_wait3A_243 = arith.constant 0 : i32
        %dma_wait3A_244 = tpu.memref_slice %arg7[%dma_wait3A_242, %dma_wait3A_243] : memref<1024x16xf32, #tpu.memory_space<vmem>> -> memref<512x16xf32, #tpu.memory_space<vmem>>
        %dma_wait3A_245 = arith.constant 0 : i32
        %dma_wait3A_246 = tpu.memref_slice %arg8[%add3A_180, %dma_wait3A_245] : memref<100352x16xf32, #tpu.memory_space<vmem_shared>> -> memref<512x16xf32, #tpu.memory_space<vmem_shared>>
        %dma_wait3A_247 = arith.constant 0 : i32
        %dma_wait3A_248 = arith.constant 0 : i32
        %dma_wait3A_249 = tpu.memref_slice %arg7[%dma_wait3A_247, %dma_wait3A_248] : memref<1024x16xf32, #tpu.memory_space<vmem>> -> memref<512x16xf32, #tpu.memory_space<vmem>>
        %dma_wait3A_250 = arith.constant 0 : i32
        %dma_wait3A_251 = tpu.memref_slice %arg8[%add3A_180, %dma_wait3A_250] : memref<100352x16xf32, #tpu.memory_space<vmem_shared>> -> memref<512x16xf32, #tpu.memory_space<vmem_shared>>
        tpu.wait_dma2 semaphore(%run_scoped3A : memref<!tpu.dma_semaphore, #tpu.memory_space<semaphore_mem>>) src(%dma_wait3A_251 : memref<512x16xf32, #tpu.memory_space<vmem_shared>>) dst(%dma_wait3A_249 : memref<512x16xf32, #tpu.memory_space<vmem>>)
        tpu.yield
      }) : () -> ()
      %dma_start3A_183 = arith.constant 0 : i32
      %dma_start3A_184 = arith.constant 0 : i32
      %dma_start3A_185 = tpu.memref_slice %arg7[%dma_start3A_183, %dma_start3A_184] : memref<1024x16xf32, #tpu.memory_space<vmem>> -> memref<512x16xf32, #tpu.memory_space<vmem>>
      %dma_start3A_186 = arith.constant 0 : i32
      %dma_start3A_187 = arith.constant 0 : i32
      %dma_start3A_188 = tpu.memref_slice %arg5[%arg0, %dma_start3A_186, %dma_start3A_187] : memref<2x100352x16xf32, #tpu.memory_space<hbm>> -> memref<1x100352x16xf32, #tpu.memory_space<hbm>>
      %dma_start3A_189 = tpu.memref_squeeze %dma_start3A_188 : memref<1x100352x16xf32, #tpu.memory_space<hbm>> -> memref<100352x16xf32, #tpu.memory_space<hbm>>
      %dma_start3A_190 = arith.constant 0 : i32
      %dma_start3A_191 = tpu.memref_slice %dma_start3A_189[%add3A_180, %dma_start3A_190] : memref<100352x16xf32, #tpu.memory_space<hbm>> -> memref<512x16xf32, #tpu.memory_space<hbm>>
      %dma_start3A_192 = arith.constant 0 : i32
      %dma_start3A_193 = arith.constant 0 : i32
      %dma_start3A_194 = tpu.memref_slice %arg5[%arg0, %dma_start3A_192, %dma_start3A_193] : memref<2x100352x16xf32, #tpu.memory_space<hbm>> -> memref<1x100352x16xf32, #tpu.memory_space<hbm>>
      %dma_start3A_195 = tpu.memref_squeeze %dma_start3A_194 : memref<1x100352x16xf32, #tpu.memory_space<hbm>> -> memref<100352x16xf32, #tpu.memory_space<hbm>>
      %dma_start3A_196 = arith.constant 0 : i32
      %dma_start3A_197 = tpu.memref_slice %dma_start3A_195[%add3A_180, %dma_start3A_196] : memref<100352x16xf32, #tpu.memory_space<hbm>> -> memref<512x16xf32, #tpu.memory_space<hbm>>
      %dma_start3A_198 = arith.constant 0 : i32
      %dma_start3A_199 = arith.constant 0 : i32
      %dma_start3A_200 = tpu.memref_slice %arg7[%dma_start3A_198, %dma_start3A_199] : memref<1024x16xf32, #tpu.memory_space<vmem>> -> memref<512x16xf32, #tpu.memory_space<vmem>>
      tpu.enqueue_dma source(%dma_start3A_200 : memref<512x16xf32, #tpu.memory_space<vmem>>) target(%dma_start3A_197 : memref<512x16xf32, #tpu.memory_space<hbm>>) target_semaphore(%arg9 : memref<!tpu.dma_semaphore, #tpu.memory_space<semaphore_mem>>)
      %mul3A_201 = arith.constant 2 : i32
      %mul3A_202 = arith.muli %mul3A_201, %scan3A_172 : i32
      %add3A_203 = arith.constant 1 : i32
      %add3A_204 = arith.addi %mul3A_202, %add3A_203 : i32
      %mul3A_205 = arith.constant 512 : i32
      %mul3A_206 = arith.muli %add3A_204, %mul3A_205 : i32
      %add3A_207 = arith.addi %mul3A_0, %mul3A_206 : i32
      %gt3A_208 = arith.constant 0 : i32
      %gt3A_209 = arith.cmpi sgt, %scan3A_172, %gt3A_208 : i32
      %convert_element_type3A_210 = arith.extui %gt3A_209 : i1 to i32
      %cond3A_211 = arith.constant 0 : i32
      %cond3A_212 = arith.cmpi ne, %convert_element_type3A_210, %cond3A_211 : i32
      scf.if %cond3A_212 {
        %dma_wait3A_232 = arith.constant 512 : i32
        %dma_wait3A_233 = arith.constant 0 : i32
        %dma_wait3A_234 = tpu.memref_slice %arg7[%dma_wait3A_232, %dma_wait3A_233] : memref<1024x16xf32, #tpu.memory_space<vmem>> -> memref<512x16xf32, #tpu.memory_space<vmem>>
        %dma_wait3A_235 = arith.constant 0 : i32
        %dma_wait3A_236 = arith.constant 0 : i32
        %dma_wait3A_237 = tpu.memref_slice %arg2[%dma_wait3A_235, %dma_wait3A_236] : memref<100352x16xf32, #tpu.memory_space<hbm>> -> memref<512x16xf32, #tpu.memory_space<hbm>>
        %dma_wait3A_238 = arith.constant 512 : i32
        %dma_wait3A_239 = arith.constant 0 : i32
        %dma_wait3A_240 = tpu.memref_slice %arg7[%dma_wait3A_238, %dma_wait3A_239] : memref<1024x16xf32, #tpu.memory_space<vmem>> -> memref<512x16xf32, #tpu.memory_space<vmem>>
        %dma_wait3A_241 = arith.constant 0 : i32
        %dma_wait3A_242 = arith.constant 0 : i32
        %dma_wait3A_243 = tpu.memref_slice %arg2[%dma_wait3A_241, %dma_wait3A_242] : memref<100352x16xf32, #tpu.memory_space<hbm>> -> memref<512x16xf32, #tpu.memory_space<hbm>>
        tpu.wait_dma2 semaphore(%arg10 : memref<!tpu.dma_semaphore, #tpu.memory_space<semaphore_mem>>) src(%dma_wait3A_243 : memref<512x16xf32, #tpu.memory_space<hbm>>) dst(%dma_wait3A_240 : memref<512x16xf32, #tpu.memory_space<vmem>>)
      } else {
      }
      "tpu.region"() ({
        %run_scoped3A = tpu.sem_alloc : memref<!tpu.dma_semaphore, #tpu.memory_space<semaphore_mem>>
        %dma_start3A_232 = arith.constant 512 : i32
        %dma_start3A_233 = arith.constant 0 : i32
        %dma_start3A_234 = tpu.memref_slice %arg7[%dma_start3A_232, %dma_start3A_233] : memref<1024x16xf32, #tpu.memory_space<vmem>> -> memref<512x16xf32, #tpu.memory_space<vmem>>
        %dma_start3A_235 = arith.constant 0 : i32
        %dma_start3A_236 = tpu.memref_slice %arg8[%add3A_207, %dma_start3A_235] : memref<100352x16xf32, #tpu.memory_space<vmem_shared>> -> memref<512x16xf32, #tpu.memory_space<vmem_shared>>
        %dma_start3A_237 = arith.constant 512 : i32
        %dma_start3A_238 = arith.constant 0 : i32
        %dma_start3A_239 = tpu.memref_slice %arg7[%dma_start3A_237, %dma_start3A_238] : memref<1024x16xf32, #tpu.memory_space<vmem>> -> memref<512x16xf32, #tpu.memory_space<vmem>>
        %dma_start3A_240 = arith.constant 0 : i32
        %dma_start3A_241 = tpu.memref_slice %arg8[%add3A_207, %dma_start3A_240] : memref<100352x16xf32, #tpu.memory_space<vmem_shared>> -> memref<512x16xf32, #tpu.memory_space<vmem_shared>>
        tpu.enqueue_dma source(%dma_start3A_241 : memref<512x16xf32, #tpu.memory_space<vmem_shared>>) target(%dma_start3A_239 : memref<512x16xf32, #tpu.memory_space<vmem>>) target_semaphore(%run_scoped3A : memref<!tpu.dma_semaphore, #tpu.memory_space<semaphore_mem>>)
        %dma_wait3A_242 = arith.constant 512 : i32
        %dma_wait3A_243 = arith.constant 0 : i32
        %dma_wait3A_244 = tpu.memref_slice %arg7[%dma_wait3A_242, %dma_wait3A_243] : memref<1024x16xf32, #tpu.memory_space<vmem>> -> memref<512x16xf32, #tpu.memory_space<vmem>>
        %dma_wait3A_245 = arith.constant 0 : i32
        %dma_wait3A_246 = tpu.memref_slice %arg8[%add3A_207, %dma_wait3A_245] : memref<100352x16xf32, #tpu.memory_space<vmem_shared>> -> memref<512x16xf32, #tpu.memory_space<vmem_shared>>
        %dma_wait3A_247 = arith.constant 512 : i32
        %dma_wait3A_248 = arith.constant 0 : i32
        %dma_wait3A_249 = tpu.memref_slice %arg7[%dma_wait3A_247, %dma_wait3A_248] : memref<1024x16xf32, #tpu.memory_space<vmem>> -> memref<512x16xf32, #tpu.memory_space<vmem>>
        %dma_wait3A_250 = arith.constant 0 : i32
        %dma_wait3A_251 = tpu.memref_slice %arg8[%add3A_207, %dma_wait3A_250] : memref<100352x16xf32, #tpu.memory_space<vmem_shared>> -> memref<512x16xf32, #tpu.memory_space<vmem_shared>>
        tpu.wait_dma2 semaphore(%run_scoped3A : memref<!tpu.dma_semaphore, #tpu.memory_space<semaphore_mem>>) src(%dma_wait3A_251 : memref<512x16xf32, #tpu.memory_space<vmem_shared>>) dst(%dma_wait3A_249 : memref<512x16xf32, #tpu.memory_space<vmem>>)
        tpu.yield
      }) : () -> ()
      %dma_start3A_213 = arith.constant 512 : i32
      %dma_start3A_214 = arith.constant 0 : i32
      %dma_start3A_215 = tpu.memref_slice %arg7[%dma_start3A_213, %dma_start3A_214] : memref<1024x16xf32, #tpu.memory_space<vmem>> -> memref<512x16xf32, #tpu.memory_space<vmem>>
      %dma_start3A_216 = arith.constant 0 : i32
      %dma_start3A_217 = arith.constant 0 : i32
      %dma_start3A_218 = tpu.memref_slice %arg5[%arg0, %dma_start3A_216, %dma_start3A_217] : memref<2x100352x16xf32, #tpu.memory_space<hbm>> -> memref<1x100352x16xf32, #tpu.memory_space<hbm>>
      %dma_start3A_219 = tpu.memref_squeeze %dma_start3A_218 : memref<1x100352x16xf32, #tpu.memory_space<hbm>> -> memref<100352x16xf32, #tpu.memory_space<hbm>>
      %dma_start3A_220 = arith.constant 0 : i32
      %dma_start3A_221 = tpu.memref_slice %dma_start3A_219[%add3A_207, %dma_start3A_220] : memref<100352x16xf32, #tpu.memory_space<hbm>> -> memref<512x16xf32, #tpu.memory_space<hbm>>
      %dma_start3A_222 = arith.constant 0 : i32
      %dma_start3A_223 = arith.constant 0 : i32
      %dma_start3A_224 = tpu.memref_slice %arg5[%arg0, %dma_start3A_222, %dma_start3A_223] : memref<2x100352x16xf32, #tpu.memory_space<hbm>> -> memref<1x100352x16xf32, #tpu.memory_space<hbm>>
      %dma_start3A_225 = tpu.memref_squeeze %dma_start3A_224 : memref<1x100352x16xf32, #tpu.memory_space<hbm>> -> memref<100352x16xf32, #tpu.memory_space<hbm>>
      %dma_start3A_226 = arith.constant 0 : i32
      %dma_start3A_227 = tpu.memref_slice %dma_start3A_225[%add3A_207, %dma_start3A_226] : memref<100352x16xf32, #tpu.memory_space<hbm>> -> memref<512x16xf32, #tpu.memory_space<hbm>>
      %dma_start3A_228 = arith.constant 512 : i32
      %dma_start3A_229 = arith.constant 0 : i32
      %dma_start3A_230 = tpu.memref_slice %arg7[%dma_start3A_228, %dma_start3A_229] : memref<1024x16xf32, #tpu.memory_space<vmem>> -> memref<512x16xf32, #tpu.memory_space<vmem>>
      tpu.enqueue_dma source(%dma_start3A_230 : memref<512x16xf32, #tpu.memory_space<vmem>>) target(%dma_start3A_227 : memref<512x16xf32, #tpu.memory_space<hbm>>) target_semaphore(%arg10 : memref<!tpu.dma_semaphore, #tpu.memory_space<semaphore_mem>>)
      %scan3A_231 = arith.constant 0 : i32
      scf.yield %scan3A_231 : i32
    }
    %scan3A_115 = arith.constant 6 : i32
    %add3A_116 = arith.constant 6144 : i32
    %add3A_117 = arith.addi %mul3A_0, %add3A_116 : i32
    %dma_wait3A_118 = arith.constant 0 : i32
    %dma_wait3A_119 = arith.constant 0 : i32
    %dma_wait3A_120 = tpu.memref_slice %arg7[%dma_wait3A_118, %dma_wait3A_119] : memref<1024x16xf32, #tpu.memory_space<vmem>> -> memref<512x16xf32, #tpu.memory_space<vmem>>
    %dma_wait3A_121 = arith.constant 0 : i32
    %dma_wait3A_122 = arith.constant 0 : i32
    %dma_wait3A_123 = tpu.memref_slice %arg2[%dma_wait3A_121, %dma_wait3A_122] : memref<100352x16xf32, #tpu.memory_space<hbm>> -> memref<512x16xf32, #tpu.memory_space<hbm>>
    %dma_wait3A_124 = arith.constant 0 : i32
    %dma_wait3A_125 = arith.constant 0 : i32
    %dma_wait3A_126 = tpu.memref_slice %arg7[%dma_wait3A_124, %dma_wait3A_125] : memref<1024x16xf32, #tpu.memory_space<vmem>> -> memref<512x16xf32, #tpu.memory_space<vmem>>
    %dma_wait3A_127 = arith.constant 0 : i32
    %dma_wait3A_128 = arith.constant 0 : i32
    %dma_wait3A_129 = tpu.memref_slice %arg2[%dma_wait3A_127, %dma_wait3A_128] : memref<100352x16xf32, #tpu.memory_space<hbm>> -> memref<512x16xf32, #tpu.memory_space<hbm>>
    tpu.wait_dma2 semaphore(%arg9 : memref<!tpu.dma_semaphore, #tpu.memory_space<semaphore_mem>>) src(%dma_wait3A_129 : memref<512x16xf32, #tpu.memory_space<hbm>>) dst(%dma_wait3A_126 : memref<512x16xf32, #tpu.memory_space<vmem>>)
    "tpu.region"() ({
      %run_scoped3A = tpu.sem_alloc : memref<!tpu.dma_semaphore, #tpu.memory_space<semaphore_mem>>
      %dma_start3A_172 = arith.constant 0 : i32
      %dma_start3A_173 = arith.constant 0 : i32
      %dma_start3A_174 = tpu.memref_slice %arg7[%dma_start3A_172, %dma_start3A_173] : memref<1024x16xf32, #tpu.memory_space<vmem>> -> memref<128x16xf32, #tpu.memory_space<vmem>>
      %dma_start3A_175 = arith.constant 0 : i32
      %dma_start3A_176 = tpu.memref_slice %arg8[%add3A_117, %dma_start3A_175] : memref<100352x16xf32, #tpu.memory_space<vmem_shared>> -> memref<128x16xf32, #tpu.memory_space<vmem_shared>>
      %dma_start3A_177 = arith.constant 0 : i32
      %dma_start3A_178 = arith.constant 0 : i32
      %dma_start3A_179 = tpu.memref_slice %arg7[%dma_start3A_177, %dma_start3A_178] : memref<1024x16xf32, #tpu.memory_space<vmem>> -> memref<128x16xf32, #tpu.memory_space<vmem>>
      %dma_start3A_180 = arith.constant 0 : i32
      %dma_start3A_181 = tpu.memref_slice %arg8[%add3A_117, %dma_start3A_180] : memref<100352x16xf32, #tpu.memory_space<vmem_shared>> -> memref<128x16xf32, #tpu.memory_space<vmem_shared>>
      tpu.enqueue_dma source(%dma_start3A_181 : memref<128x16xf32, #tpu.memory_space<vmem_shared>>) target(%dma_start3A_179 : memref<128x16xf32, #tpu.memory_space<vmem>>) target_semaphore(%run_scoped3A : memref<!tpu.dma_semaphore, #tpu.memory_space<semaphore_mem>>)
      %dma_wait3A_182 = arith.constant 0 : i32
      %dma_wait3A_183 = arith.constant 0 : i32
      %dma_wait3A_184 = tpu.memref_slice %arg7[%dma_wait3A_182, %dma_wait3A_183] : memref<1024x16xf32, #tpu.memory_space<vmem>> -> memref<128x16xf32, #tpu.memory_space<vmem>>
      %dma_wait3A_185 = arith.constant 0 : i32
      %dma_wait3A_186 = tpu.memref_slice %arg8[%add3A_117, %dma_wait3A_185] : memref<100352x16xf32, #tpu.memory_space<vmem_shared>> -> memref<128x16xf32, #tpu.memory_space<vmem_shared>>
      %dma_wait3A_187 = arith.constant 0 : i32
      %dma_wait3A_188 = arith.constant 0 : i32
      %dma_wait3A_189 = tpu.memref_slice %arg7[%dma_wait3A_187, %dma_wait3A_188] : memref<1024x16xf32, #tpu.memory_space<vmem>> -> memref<128x16xf32, #tpu.memory_space<vmem>>
      %dma_wait3A_190 = arith.constant 0 : i32
      %dma_wait3A_191 = tpu.memref_slice %arg8[%add3A_117, %dma_wait3A_190] : memref<100352x16xf32, #tpu.memory_space<vmem_shared>> -> memref<128x16xf32, #tpu.memory_space<vmem_shared>>
      tpu.wait_dma2 semaphore(%run_scoped3A : memref<!tpu.dma_semaphore, #tpu.memory_space<semaphore_mem>>) src(%dma_wait3A_191 : memref<128x16xf32, #tpu.memory_space<vmem_shared>>) dst(%dma_wait3A_189 : memref<128x16xf32, #tpu.memory_space<vmem>>)
      tpu.yield
    }) : () -> ()
    %dma_start3A_130 = arith.constant 0 : i32
    %dma_start3A_131 = arith.constant 0 : i32
    %dma_start3A_132 = tpu.memref_slice %arg7[%dma_start3A_130, %dma_start3A_131] : memref<1024x16xf32, #tpu.memory_space<vmem>> -> memref<128x16xf32, #tpu.memory_space<vmem>>
    %dma_start3A_133 = arith.constant 0 : i32
    %dma_start3A_134 = arith.constant 0 : i32
    %dma_start3A_135 = tpu.memref_slice %arg5[%arg0, %dma_start3A_133, %dma_start3A_134] : memref<2x100352x16xf32, #tpu.memory_space<hbm>> -> memref<1x100352x16xf32, #tpu.memory_space<hbm>>
    %dma_start3A_136 = tpu.memref_squeeze %dma_start3A_135 : memref<1x100352x16xf32, #tpu.memory_space<hbm>> -> memref<100352x16xf32, #tpu.memory_space<hbm>>
    %dma_start3A_137 = arith.constant 0 : i32
    %dma_start3A_138 = tpu.memref_slice %dma_start3A_136[%add3A_117, %dma_start3A_137] : memref<100352x16xf32, #tpu.memory_space<hbm>> -> memref<128x16xf32, #tpu.memory_space<hbm>>
    %dma_start3A_139 = arith.constant 0 : i32
    %dma_start3A_140 = arith.constant 0 : i32
    %dma_start3A_141 = tpu.memref_slice %arg5[%arg0, %dma_start3A_139, %dma_start3A_140] : memref<2x100352x16xf32, #tpu.memory_space<hbm>> -> memref<1x100352x16xf32, #tpu.memory_space<hbm>>
    %dma_start3A_142 = tpu.memref_squeeze %dma_start3A_141 : memref<1x100352x16xf32, #tpu.memory_space<hbm>> -> memref<100352x16xf32, #tpu.memory_space<hbm>>
    %dma_start3A_143 = arith.constant 0 : i32
    %dma_start3A_144 = tpu.memref_slice %dma_start3A_142[%add3A_117, %dma_start3A_143] : memref<100352x16xf32, #tpu.memory_space<hbm>> -> memref<128x16xf32, #tpu.memory_space<hbm>>
    %dma_start3A_145 = arith.constant 0 : i32
    %dma_start3A_146 = arith.constant 0 : i32
    %dma_start3A_147 = tpu.memref_slice %arg7[%dma_start3A_145, %dma_start3A_146] : memref<1024x16xf32, #tpu.memory_space<vmem>> -> memref<128x16xf32, #tpu.memory_space<vmem>>
    tpu.enqueue_dma source(%dma_start3A_147 : memref<128x16xf32, #tpu.memory_space<vmem>>) target(%dma_start3A_144 : memref<128x16xf32, #tpu.memory_space<hbm>>) target_semaphore(%arg9 : memref<!tpu.dma_semaphore, #tpu.memory_space<semaphore_mem>>)
    %dma_wait3A_148 = arith.constant 0 : i32
    %dma_wait3A_149 = arith.constant 0 : i32
    %dma_wait3A_150 = tpu.memref_slice %arg7[%dma_wait3A_148, %dma_wait3A_149] : memref<1024x16xf32, #tpu.memory_space<vmem>> -> memref<128x16xf32, #tpu.memory_space<vmem>>
    %dma_wait3A_151 = arith.constant 0 : i32
    %dma_wait3A_152 = arith.constant 0 : i32
    %dma_wait3A_153 = tpu.memref_slice %arg2[%dma_wait3A_151, %dma_wait3A_152] : memref<100352x16xf32, #tpu.memory_space<hbm>> -> memref<128x16xf32, #tpu.memory_space<hbm>>
    %dma_wait3A_154 = arith.constant 0 : i32
    %dma_wait3A_155 = arith.constant 0 : i32
    %dma_wait3A_156 = tpu.memref_slice %arg7[%dma_wait3A_154, %dma_wait3A_155] : memref<1024x16xf32, #tpu.memory_space<vmem>> -> memref<128x16xf32, #tpu.memory_space<vmem>>
    %dma_wait3A_157 = arith.constant 0 : i32
    %dma_wait3A_158 = arith.constant 0 : i32
    %dma_wait3A_159 = tpu.memref_slice %arg2[%dma_wait3A_157, %dma_wait3A_158] : memref<100352x16xf32, #tpu.memory_space<hbm>> -> memref<128x16xf32, #tpu.memory_space<hbm>>
    tpu.wait_dma2 semaphore(%arg9 : memref<!tpu.dma_semaphore, #tpu.memory_space<semaphore_mem>>) src(%dma_wait3A_159 : memref<128x16xf32, #tpu.memory_space<hbm>>) dst(%dma_wait3A_156 : memref<128x16xf32, #tpu.memory_space<vmem>>)
    %dma_wait3A_160 = arith.constant 512 : i32
    %dma_wait3A_161 = arith.constant 0 : i32
    %dma_wait3A_162 = tpu.memref_slice %arg7[%dma_wait3A_160, %dma_wait3A_161] : memref<1024x16xf32, #tpu.memory_space<vmem>> -> memref<512x16xf32, #tpu.memory_space<vmem>>
    %dma_wait3A_163 = arith.constant 0 : i32
    %dma_wait3A_164 = arith.constant 0 : i32
    %dma_wait3A_165 = tpu.memref_slice %arg2[%dma_wait3A_163, %dma_wait3A_164] : memref<100352x16xf32, #tpu.memory_space<hbm>> -> memref<512x16xf32, #tpu.memory_space<hbm>>
    %dma_wait3A_166 = arith.constant 512 : i32
    %dma_wait3A_167 = arith.constant 0 : i32
    %dma_wait3A_168 = tpu.memref_slice %arg7[%dma_wait3A_166, %dma_wait3A_167] : memref<1024x16xf32, #tpu.memory_space<vmem>> -> memref<512x16xf32, #tpu.memory_space<vmem>>
    %dma_wait3A_169 = arith.constant 0 : i32
    %dma_wait3A_170 = arith.constant 0 : i32
    %dma_wait3A_171 = tpu.memref_slice %arg2[%dma_wait3A_169, %dma_wait3A_170] : memref<100352x16xf32, #tpu.memory_space<hbm>> -> memref<512x16xf32, #tpu.memory_space<hbm>>
    tpu.wait_dma2 semaphore(%arg10 : memref<!tpu.dma_semaphore, #tpu.memory_space<semaphore_mem>>) src(%dma_wait3A_171 : memref<512x16xf32, #tpu.memory_space<hbm>>) dst(%dma_wait3A_168 : memref<512x16xf32, #tpu.memory_space<vmem>>)
    return
  }
}

module attributes {stable_mosaic.version = 14 : i64} {
  func.func @_layer1_block(%arg0: i32, %arg1: memref<2x128x128xf32, #tpu.memory_space<vmem>>, %arg2: memref<128x128xf32, #tpu.memory_space<vmem>>, %arg3: memref<2x128x128xf32, #tpu.memory_space<vmem>>, %arg4: memref<2x128x128xf32, #tpu.memory_space<vmem>>, %arg5: memref<128x128xf32, #tpu.memory_space<vmem>>, %arg6: memref<1x128xf32, #tpu.memory_space<vmem>>, %arg7: memref<1x128xf32, #tpu.memory_space<vmem>>, %arg8: memref<1x128xf32, #tpu.memory_space<vmem>>, %arg9: memref<256x128xbf16, #tpu.memory_space<vmem>>) attributes {dimension_semantics = [#tpu.dimension_semantics<arbitrary>], iteration_bounds = array<i64: 98>, scalar_prefetch = 0 : i64, scratch_operands = 0 : i64, tpu.core_type = #tpu.core_type<tc>, window_params = [{transform_indices = @transform_0, window_bounds = array<i64: 2, 128, 128>}, {transform_indices = @transform_1, window_bounds = array<i64: 128, 128>}, {pipeline_mode = #tpu.pipeline_mode<synchronous>, transform_indices = @transform_2, window_bounds = array<i64: 2, 128, 128>}, {pipeline_mode = #tpu.pipeline_mode<synchronous>, transform_indices = @transform_3, window_bounds = array<i64: 2, 128, 128>}, {pipeline_mode = #tpu.pipeline_mode<synchronous>, transform_indices = @transform_4, window_bounds = array<i64: 128, 128>}, {pipeline_mode = #tpu.pipeline_mode<synchronous>, transform_indices = @transform_5, window_bounds = array<i64: 1, 128>}, {pipeline_mode = #tpu.pipeline_mode<synchronous>, transform_indices = @transform_6, window_bounds = array<i64: 1, 128>}, {pipeline_mode = #tpu.pipeline_mode<synchronous>, transform_indices = @transform_7, window_bounds = array<i64: 1, 128>}, {transform_indices = @transform_8, window_bounds = array<i64: 256, 128>}]} {
    %get3A = arith.constant 0 : index
    %get3A_0 = arith.constant 0 : index
    %get3A_1 = arith.constant 0 : index
    %get3A_2 = vector.load %arg1[%get3A, %get3A_0, %get3A_1] : memref<2x128x128xf32, #tpu.memory_space<vmem>>, vector<1x128x128xf32>
    %get3A_3 = vector.shape_cast %get3A_2 : vector<1x128x128xf32> to vector<128x128xf32>
    %get3A_4 = arith.constant 1 : index
    %get3A_5 = arith.constant 0 : index
    %get3A_6 = arith.constant 0 : index
    %get3A_7 = vector.load %arg1[%get3A_4, %get3A_5, %get3A_6] : memref<2x128x128xf32, #tpu.memory_space<vmem>>, vector<1x128x128xf32>
    %get3A_8 = vector.shape_cast %get3A_7 : vector<1x128x128xf32> to vector<128x128xf32>
    %add3A = arith.addf %get3A_3, %get3A_8 : vector<128x128xf32>
    %get3A_9 = arith.constant 0 : index
    %get3A_10 = arith.constant 0 : index
    %get3A_11 = vector.load %arg2[%get3A_9, %get3A_10] : memref<128x128xf32, #tpu.memory_space<vmem>>, vector<128x128xf32>
    %get3A_12 = arith.constant 0 : index
    %get3A_13 = arith.constant 0 : index
    %get3A_14 = vector.load %arg5[%get3A_12, %get3A_13] : memref<128x128xf32, #tpu.memory_space<vmem>>, vector<128x128xf32>
    %get3A_15 = arith.constant 0 : index
    %get3A_16 = arith.constant 0 : index
    %get3A_17 = arith.constant 0 : index
    %get3A_18 = vector.load %arg3[%get3A_15, %get3A_16, %get3A_17] : memref<2x128x128xf32, #tpu.memory_space<vmem>>, vector<1x128x128xf32>
    %get3A_19 = vector.shape_cast %get3A_18 : vector<1x128x128xf32> to vector<128x128xf32>
    %dot_general3A = arith.constant dense<0.000000e+00> : vector<128x128xf32>
    %dot_general3A_20 = tpu.matmul %add3A, %get3A_19, %dot_general3A {dimension_numbers = #tpu.dot_dimension_numbers<[1], [0], [0], [1], [0, 0, 1, 1], [], []>, transpose_lhs_hint = false} : vector<128x128xf32>, vector<128x128xf32>, vector<128x128xf32> -> vector<128x128xf32>
    %get3A_21 = arith.constant 0 : index
    %get3A_22 = arith.constant 0 : index
    %get3A_23 = arith.constant 0 : index
    %get3A_24 = vector.load %arg4[%get3A_21, %get3A_22, %get3A_23] : memref<2x128x128xf32, #tpu.memory_space<vmem>>, vector<1x128x128xf32>
    %get3A_25 = vector.shape_cast %get3A_24 : vector<1x128x128xf32> to vector<128x128xf32>
    %dot_general3A_26 = arith.constant dense<0.000000e+00> : vector<128x128xf32>
    %dot_general3A_27 = tpu.matmul %get3A_11, %get3A_25, %dot_general3A_26 {dimension_numbers = #tpu.dot_dimension_numbers<[1], [0], [0], [1], [0, 0, 1, 1], [], []>, transpose_lhs_hint = false} : vector<128x128xf32>, vector<128x128xf32>, vector<128x128xf32> -> vector<128x128xf32>
    %add3A_28 = arith.addf %dot_general3A_20, %dot_general3A_27 : vector<128x128xf32>
    %get3A_29 = arith.constant 0 : index
    %get3A_30 = arith.constant 0 : index
    %get3A_31 = vector.load %arg6[%get3A_29, %get3A_30] : memref<1x128xf32, #tpu.memory_space<vmem>>, vector<1x128xf32>
    %add3A_32 = vector.broadcast %get3A_31 : vector<1x128xf32> to vector<128x128xf32>
    %add3A_33 = arith.addf %add3A_28, %add3A_32 : vector<128x128xf32>
    %dot_general3A_34 = arith.constant dense<0.000000e+00> : vector<128x128xf32>
    %dot_general3A_35 = tpu.matmul %add3A_33, %get3A_14, %dot_general3A_34 {dimension_numbers = #tpu.dot_dimension_numbers<[1], [0], [0], [1], [0, 0, 1, 1], [], []>, transpose_lhs_hint = false} : vector<128x128xf32>, vector<128x128xf32>, vector<128x128xf32> -> vector<128x128xf32>
    %mul3A = arith.mulf %add3A_33, %add3A_33 : vector<128x128xf32>
    %dot_general3A_36 = arith.constant dense<0.000000e+00> : vector<128x128xf32>
    %dot_general3A_37 = tpu.matmul %mul3A, %get3A_14, %dot_general3A_36 {dimension_numbers = #tpu.dot_dimension_numbers<[1], [0], [0], [1], [0, 0, 1, 1], [], []>, transpose_lhs_hint = false} : vector<128x128xf32>, vector<128x128xf32>, vector<128x128xf32> -> vector<128x128xf32>
    %mul3A_38 = arith.mulf %dot_general3A_35, %dot_general3A_35 : vector<128x128xf32>
    %sub3A = arith.subf %dot_general3A_37, %mul3A_38 : vector<128x128xf32>
    %sub3A_39 = arith.subf %add3A_33, %dot_general3A_35 : vector<128x128xf32>
    %add3A_40 = arith.constant 9.99999974E-6 : f32
    %add3A_41 = vector.broadcast %add3A_40 : f32 to vector<128x128xf32>
    %add3A_42 = arith.addf %sub3A, %add3A_41 : vector<128x128xf32>
    %rsqrt3A = math.rsqrt %add3A_42 : vector<128x128xf32>
    %mul3A_43 = arith.mulf %sub3A_39, %rsqrt3A : vector<128x128xf32>
    %get3A_44 = arith.constant 0 : index
    %get3A_45 = arith.constant 0 : index
    %get3A_46 = vector.load %arg7[%get3A_44, %get3A_45] : memref<1x128xf32, #tpu.memory_space<vmem>>, vector<1x128xf32>
    %mul3A_47 = vector.broadcast %get3A_46 : vector<1x128xf32> to vector<128x128xf32>
    %mul3A_48 = arith.mulf %mul3A_43, %mul3A_47 : vector<128x128xf32>
    %get3A_49 = arith.constant 0 : index
    %get3A_50 = arith.constant 0 : index
    %get3A_51 = vector.load %arg8[%get3A_49, %get3A_50] : memref<1x128xf32, #tpu.memory_space<vmem>>, vector<1x128xf32>
    %add3A_52 = vector.broadcast %get3A_51 : vector<1x128xf32> to vector<128x128xf32>
    %add3A_53 = arith.addf %mul3A_48, %add3A_52 : vector<128x128xf32>
    %max3A = arith.constant 0.000000e+00 : f32
    %max3A_54 = vector.broadcast %max3A : f32 to vector<128x128xf32>
    %max3A_55 = arith.maximumf %add3A_53, %max3A_54 : vector<128x128xf32>
    %iota3A = tpu.iota {dimensions = array<i32: 0>} : vector<128x128xi32>
    %iota3A_56 = tpu.iota {dimensions = array<i32: 1>} : vector<128x128xi32>
    %mul3A_57 = arith.constant 1024 : i32
    %mul3A_58 = arith.muli %arg0, %mul3A_57 : i32
    %mul3A_59 = arith.constant 8 : i32
    %mul3A_60 = vector.broadcast %mul3A_59 : i32 to vector<128x128xi32>
    %mul3A_61 = arith.muli %mul3A_60, %iota3A : vector<128x128xi32>
    %add3A_62 = vector.broadcast %mul3A_58 : i32 to vector<128x128xi32>
    %add3A_63 = arith.addi %add3A_62, %mul3A_61 : vector<128x128xi32>
    %add3A_64 = arith.constant 0 : i32
    %add3A_65 = vector.broadcast %add3A_64 : i32 to vector<128x128xi32>
    %add3A_66 = arith.addi %add3A_63, %add3A_65 : vector<128x128xi32>
    %jit3A = arith.constant 32 : i32
    %div3A = vector.broadcast %jit3A : i32 to vector<128x128xi32>
    %div3A_67 = arith.divsi %iota3A_56, %div3A : vector<128x128xi32>
    %sign3A = arith.constant 0 : i32
    %sign3A_68 = vector.broadcast %sign3A : i32 to vector<128x128xi32>
    %sign3A_69 = arith.cmpi sgt, %iota3A_56, %sign3A_68 : vector<128x128xi32>
    %sign3A_70 = arith.extui %sign3A_69 : vector<128x128xi1> to vector<128x128xi32>
    %sign3A_71 = arith.constant 0 : i32
    %sign3A_72 = vector.broadcast %sign3A_71 : i32 to vector<128x128xi32>
    %sign3A_73 = arith.cmpi slt, %iota3A_56, %sign3A_72 : vector<128x128xi32>
    %sign3A_74 = arith.extui %sign3A_73 : vector<128x128xi1> to vector<128x128xi32>
    %sign3A_75 = arith.subi %sign3A_70, %sign3A_74 : vector<128x128xi32>
    %sign3A_76 = arith.constant 0 : i32
    %sign3A_77 = arith.cmpi sgt, %jit3A, %sign3A_76 : i32
    %sign3A_78 = arith.extui %sign3A_77 : i1 to i32
    %sign3A_79 = arith.constant 0 : i32
    %sign3A_80 = arith.cmpi slt, %jit3A, %sign3A_79 : i32
    %sign3A_81 = arith.extui %sign3A_80 : i1 to i32
    %sign3A_82 = arith.subi %sign3A_78, %sign3A_81 : i32
    %ne3A = vector.broadcast %sign3A_82 : i32 to vector<128x128xi32>
    %ne3A_83 = arith.cmpi ne, %sign3A_75, %ne3A : vector<128x128xi32>
    %rem3A = vector.broadcast %jit3A : i32 to vector<128x128xi32>
    %rem3A_84 = arith.remsi %iota3A_56, %rem3A : vector<128x128xi32>
    %ne3A_85 = arith.constant 0 : i32
    %ne3A_86 = vector.broadcast %ne3A_85 : i32 to vector<128x128xi32>
    %ne3A_87 = arith.cmpi ne, %rem3A_84, %ne3A_86 : vector<128x128xi32>
    %and3A = arith.andi %ne3A_83, %ne3A_87 : vector<128x128xi1>
    %sub3A_88 = arith.constant 1 : i32
    %sub3A_89 = vector.broadcast %sub3A_88 : i32 to vector<128x128xi32>
    %sub3A_90 = arith.subi %div3A_67, %sub3A_89 : vector<128x128xi32>
    %select_n3A = arith.select %and3A, %sub3A_90, %div3A_67 : vector<128x128xi1>, vector<128x128xi32>
    %add3A_91 = arith.addi %add3A_66, %select_n3A : vector<128x128xi32>
    %lt3A = arith.constant 100000 : i32
    %lt3A_92 = vector.broadcast %lt3A : i32 to vector<128x128xi32>
    %lt3A_93 = arith.cmpi slt, %add3A_91, %lt3A_92 : vector<128x128xi32>
    %jit3A_94 = arith.constant 0.000000e+00 : f32
    %broadcast_in_dim3A = vector.broadcast %jit3A_94 : f32 to vector<128x128xf32>
    %select_n3A_95 = arith.select %lt3A_93, %max3A_55, %broadcast_in_dim3A : vector<128x128xi1>, vector<128x128xf32>
    %convert_element_type3A = arith.truncf %select_n3A_95 : vector<128x128xf32> to vector<128x128xbf16>
    %get3A_96 = arith.constant 1 : index
    %get3A_97 = arith.constant 0 : index
    %get3A_98 = arith.constant 0 : index
    %get3A_99 = vector.load %arg3[%get3A_96, %get3A_97, %get3A_98] : memref<2x128x128xf32, #tpu.memory_space<vmem>>, vector<1x128x128xf32>
    %get3A_100 = vector.shape_cast %get3A_99 : vector<1x128x128xf32> to vector<128x128xf32>
    %dot_general3A_101 = arith.constant dense<0.000000e+00> : vector<128x128xf32>
    %dot_general3A_102 = tpu.matmul %add3A, %get3A_100, %dot_general3A_101 {dimension_numbers = #tpu.dot_dimension_numbers<[1], [0], [0], [1], [0, 0, 1, 1], [], []>, transpose_lhs_hint = false} : vector<128x128xf32>, vector<128x128xf32>, vector<128x128xf32> -> vector<128x128xf32>
    %get3A_103 = arith.constant 1 : index
    %get3A_104 = arith.constant 0 : index
    %get3A_105 = arith.constant 0 : index
    %get3A_106 = vector.load %arg4[%get3A_103, %get3A_104, %get3A_105] : memref<2x128x128xf32, #tpu.memory_space<vmem>>, vector<1x128x128xf32>
    %get3A_107 = vector.shape_cast %get3A_106 : vector<1x128x128xf32> to vector<128x128xf32>
    %dot_general3A_108 = arith.constant dense<0.000000e+00> : vector<128x128xf32>
    %dot_general3A_109 = tpu.matmul %get3A_11, %get3A_107, %dot_general3A_108 {dimension_numbers = #tpu.dot_dimension_numbers<[1], [0], [0], [1], [0, 0, 1, 1], [], []>, transpose_lhs_hint = false} : vector<128x128xf32>, vector<128x128xf32>, vector<128x128xf32> -> vector<128x128xf32>
    %add3A_110 = arith.addf %dot_general3A_102, %dot_general3A_109 : vector<128x128xf32>
    %get3A_111 = arith.constant 0 : index
    %get3A_112 = arith.constant 0 : index
    %get3A_113 = vector.load %arg6[%get3A_111, %get3A_112] : memref<1x128xf32, #tpu.memory_space<vmem>>, vector<1x128xf32>
    %add3A_114 = vector.broadcast %get3A_113 : vector<1x128xf32> to vector<128x128xf32>
    %add3A_115 = arith.addf %add3A_110, %add3A_114 : vector<128x128xf32>
    %dot_general3A_116 = arith.constant dense<0.000000e+00> : vector<128x128xf32>
    %dot_general3A_117 = tpu.matmul %add3A_115, %get3A_14, %dot_general3A_116 {dimension_numbers = #tpu.dot_dimension_numbers<[1], [0], [0], [1], [0, 0, 1, 1], [], []>, transpose_lhs_hint = false} : vector<128x128xf32>, vector<128x128xf32>, vector<128x128xf32> -> vector<128x128xf32>
    %mul3A_118 = arith.mulf %add3A_115, %add3A_115 : vector<128x128xf32>
    %dot_general3A_119 = arith.constant dense<0.000000e+00> : vector<128x128xf32>
    %dot_general3A_120 = tpu.matmul %mul3A_118, %get3A_14, %dot_general3A_119 {dimension_numbers = #tpu.dot_dimension_numbers<[1], [0], [0], [1], [0, 0, 1, 1], [], []>, transpose_lhs_hint = false} : vector<128x128xf32>, vector<128x128xf32>, vector<128x128xf32> -> vector<128x128xf32>
    %mul3A_121 = arith.mulf %dot_general3A_117, %dot_general3A_117 : vector<128x128xf32>
    %sub3A_122 = arith.subf %dot_general3A_120, %mul3A_121 : vector<128x128xf32>
    %sub3A_123 = arith.subf %add3A_115, %dot_general3A_117 : vector<128x128xf32>
    %add3A_124 = arith.constant 9.99999974E-6 : f32
    %add3A_125 = vector.broadcast %add3A_124 : f32 to vector<128x128xf32>
    %add3A_126 = arith.addf %sub3A_122, %add3A_125 : vector<128x128xf32>
    %rsqrt3A_127 = math.rsqrt %add3A_126 : vector<128x128xf32>
    %mul3A_128 = arith.mulf %sub3A_123, %rsqrt3A_127 : vector<128x128xf32>
    %get3A_129 = arith.constant 0 : index
    %get3A_130 = arith.constant 0 : index
    %get3A_131 = vector.load %arg7[%get3A_129, %get3A_130] : memref<1x128xf32, #tpu.memory_space<vmem>>, vector<1x128xf32>
    %mul3A_132 = vector.broadcast %get3A_131 : vector<1x128xf32> to vector<128x128xf32>
    %mul3A_133 = arith.mulf %mul3A_128, %mul3A_132 : vector<128x128xf32>
    %get3A_134 = arith.constant 0 : index
    %get3A_135 = arith.constant 0 : index
    %get3A_136 = vector.load %arg8[%get3A_134, %get3A_135] : memref<1x128xf32, #tpu.memory_space<vmem>>, vector<1x128xf32>
    %add3A_137 = vector.broadcast %get3A_136 : vector<1x128xf32> to vector<128x128xf32>
    %add3A_138 = arith.addf %mul3A_133, %add3A_137 : vector<128x128xf32>
    %max3A_139 = arith.constant 0.000000e+00 : f32
    %max3A_140 = vector.broadcast %max3A_139 : f32 to vector<128x128xf32>
    %max3A_141 = arith.maximumf %add3A_138, %max3A_140 : vector<128x128xf32>
    %iota3A_142 = tpu.iota {dimensions = array<i32: 0>} : vector<128x128xi32>
    %iota3A_143 = tpu.iota {dimensions = array<i32: 1>} : vector<128x128xi32>
    %mul3A_144 = arith.constant 1024 : i32
    %mul3A_145 = arith.muli %arg0, %mul3A_144 : i32
    %mul3A_146 = arith.constant 8 : i32
    %mul3A_147 = vector.broadcast %mul3A_146 : i32 to vector<128x128xi32>
    %mul3A_148 = arith.muli %mul3A_147, %iota3A_142 : vector<128x128xi32>
    %add3A_149 = vector.broadcast %mul3A_145 : i32 to vector<128x128xi32>
    %add3A_150 = arith.addi %add3A_149, %mul3A_148 : vector<128x128xi32>
    %add3A_151 = arith.constant 4 : i32
    %add3A_152 = vector.broadcast %add3A_151 : i32 to vector<128x128xi32>
    %add3A_153 = arith.addi %add3A_150, %add3A_152 : vector<128x128xi32>
    %jit3A_154 = arith.constant 32 : i32
    %div3A_155 = vector.broadcast %jit3A_154 : i32 to vector<128x128xi32>
    %div3A_156 = arith.divsi %iota3A_143, %div3A_155 : vector<128x128xi32>
    %sign3A_157 = arith.constant 0 : i32
    %sign3A_158 = vector.broadcast %sign3A_157 : i32 to vector<128x128xi32>
    %sign3A_159 = arith.cmpi sgt, %iota3A_143, %sign3A_158 : vector<128x128xi32>
    %sign3A_160 = arith.extui %sign3A_159 : vector<128x128xi1> to vector<128x128xi32>
    %sign3A_161 = arith.constant 0 : i32
    %sign3A_162 = vector.broadcast %sign3A_161 : i32 to vector<128x128xi32>
    %sign3A_163 = arith.cmpi slt, %iota3A_143, %sign3A_162 : vector<128x128xi32>
    %sign3A_164 = arith.extui %sign3A_163 : vector<128x128xi1> to vector<128x128xi32>
    %sign3A_165 = arith.subi %sign3A_160, %sign3A_164 : vector<128x128xi32>
    %sign3A_166 = arith.constant 0 : i32
    %sign3A_167 = arith.cmpi sgt, %jit3A_154, %sign3A_166 : i32
    %sign3A_168 = arith.extui %sign3A_167 : i1 to i32
    %sign3A_169 = arith.constant 0 : i32
    %sign3A_170 = arith.cmpi slt, %jit3A_154, %sign3A_169 : i32
    %sign3A_171 = arith.extui %sign3A_170 : i1 to i32
    %sign3A_172 = arith.subi %sign3A_168, %sign3A_171 : i32
    %ne3A_173 = vector.broadcast %sign3A_172 : i32 to vector<128x128xi32>
    %ne3A_174 = arith.cmpi ne, %sign3A_165, %ne3A_173 : vector<128x128xi32>
    %rem3A_175 = vector.broadcast %jit3A_154 : i32 to vector<128x128xi32>
    %rem3A_176 = arith.remsi %iota3A_143, %rem3A_175 : vector<128x128xi32>
    %ne3A_177 = arith.constant 0 : i32
    %ne3A_178 = vector.broadcast %ne3A_177 : i32 to vector<128x128xi32>
    %ne3A_179 = arith.cmpi ne, %rem3A_176, %ne3A_178 : vector<128x128xi32>
    %and3A_180 = arith.andi %ne3A_174, %ne3A_179 : vector<128x128xi1>
    %sub3A_181 = arith.constant 1 : i32
    %sub3A_182 = vector.broadcast %sub3A_181 : i32 to vector<128x128xi32>
    %sub3A_183 = arith.subi %div3A_156, %sub3A_182 : vector<128x128xi32>
    %select_n3A_184 = arith.select %and3A_180, %sub3A_183, %div3A_156 : vector<128x128xi1>, vector<128x128xi32>
    %add3A_185 = arith.addi %add3A_153, %select_n3A_184 : vector<128x128xi32>
    %lt3A_186 = arith.constant 100000 : i32
    %lt3A_187 = vector.broadcast %lt3A_186 : i32 to vector<128x128xi32>
    %lt3A_188 = arith.cmpi slt, %add3A_185, %lt3A_187 : vector<128x128xi32>
    %jit3A_189 = arith.constant 0.000000e+00 : f32
    %broadcast_in_dim3A_190 = vector.broadcast %jit3A_189 : f32 to vector<128x128xf32>
    %select_n3A_191 = arith.select %lt3A_188, %max3A_141, %broadcast_in_dim3A_190 : vector<128x128xi1>, vector<128x128xf32>
    %convert_element_type3A_192 = arith.truncf %select_n3A_191 : vector<128x128xf32> to vector<128x128xbf16>
    %broadcast_in_dim3A_193 = vector.shape_cast %convert_element_type3A : vector<128x128xbf16> to vector<128x1x128xbf16>
    %broadcast_in_dim3A_194 = vector.shape_cast %convert_element_type3A_192 : vector<128x128xbf16> to vector<128x1x128xbf16>
    %concatenate3A = tpu.concatenate %broadcast_in_dim3A_193, %broadcast_in_dim3A_194 in 1 : vector<128x1x128xbf16>, vector<128x1x128xbf16> -> vector<128x2x128xbf16>
    %reshape3A = vector.shape_cast %concatenate3A : vector<128x2x128xbf16> to vector<256x128xbf16>
    %swap3A = arith.constant 0 : index
    %swap3A_195 = arith.constant 0 : index
    %swap3A_196 = vector.load %arg9[%swap3A, %swap3A_195] : memref<256x128xbf16, #tpu.memory_space<vmem>>, vector<256x128xbf16>
    tpu.vector_store %arg9[%swap3A, %swap3A_195], %reshape3A {strides = array<i32>} : memref<256x128xbf16, #tpu.memory_space<vmem>>, vector<256x128xbf16>,
    return
  }
  func.func @transform_0(%arg0: i32) -> (i32, i32, i32) {
    %c0_i32 = arith.constant 0 : i32
    %c0_i32_0 = arith.constant 0 : i32
    %c0_i32_1 = arith.constant 0 : i32
    return %c0_i32, %arg0, %c0_i32_0 : i32, i32, i32
  }
  func.func @transform_1(%arg0: i32) -> (i32, i32) {
    %c0_i32 = arith.constant 0 : i32
    %c0_i32_0 = arith.constant 0 : i32
    return %arg0, %c0_i32 : i32, i32
  }
  func.func @transform_2(%arg0: i32) -> (i32, i32, i32) {
    %c0_i32 = arith.constant 0 : i32
    %c0_i32_0 = arith.constant 0 : i32
    %c0_i32_1 = arith.constant 0 : i32
    %c0_i32_2 = arith.constant 0 : i32
    return %c0_i32, %c0_i32_0, %c0_i32_1 : i32, i32, i32
  }
  func.func @transform_3(%arg0: i32) -> (i32, i32, i32) {
    %c0_i32 = arith.constant 0 : i32
    %c0_i32_0 = arith.constant 0 : i32
    %c0_i32_1 = arith.constant 0 : i32
    %c0_i32_2 = arith.constant 0 : i32
    return %c0_i32, %c0_i32_0, %c0_i32_1 : i32, i32, i32
  }
  func.func @transform_4(%arg0: i32) -> (i32, i32) {
    %c0_i32 = arith.constant 0 : i32
    %c0_i32_0 = arith.constant 0 : i32
    %c0_i32_1 = arith.constant 0 : i32
    return %c0_i32, %c0_i32_0 : i32, i32
  }
  func.func @transform_5(%arg0: i32) -> (i32, i32) {
    %c0_i32 = arith.constant 0 : i32
    %c0_i32_0 = arith.constant 0 : i32
    %c0_i32_1 = arith.constant 0 : i32
    return %c0_i32, %c0_i32_0 : i32, i32
  }
  func.func @transform_6(%arg0: i32) -> (i32, i32) {
    %c0_i32 = arith.constant 0 : i32
    %c0_i32_0 = arith.constant 0 : i32
    %c0_i32_1 = arith.constant 0 : i32
    return %c0_i32, %c0_i32_0 : i32, i32
  }
  func.func @transform_7(%arg0: i32) -> (i32, i32) {
    %c0_i32 = arith.constant 0 : i32
    %c0_i32_0 = arith.constant 0 : i32
    %c0_i32_1 = arith.constant 0 : i32
    return %c0_i32, %c0_i32_0 : i32, i32
  }
  func.func @transform_8(%arg0: i32) -> (i32, i32) {
    %c0_i32 = arith.constant 0 : i32
    %c0_i32_0 = arith.constant 0 : i32
    return %arg0, %c0_i32 : i32, i32
  }
}

module attributes {stable_mosaic.version = 14 : i64} {
  func.func @_layer2_block(%arg0: i32, %arg1: memref<2x256x128xbf16, #tpu.memory_space<vmem>>, %arg2: memref<256x128xbf16, #tpu.memory_space<vmem>>, %arg3: memref<1x8x256xi32, #tpu.memory_space<vmem>>, %arg4: memref<2x128x128xf32, #tpu.memory_space<vmem>>, %arg5: memref<2x128x128xf32, #tpu.memory_space<vmem>>, %arg6: memref<128x128xf32, #tpu.memory_space<vmem>>, %arg7: memref<1x128xf32, #tpu.memory_space<vmem>>, %arg8: memref<1x128xf32, #tpu.memory_space<vmem>>, %arg9: memref<1x128xf32, #tpu.memory_space<vmem>>, %arg10: memref<64x64xf32, #tpu.memory_space<vmem>>, %arg11: memref<64x128xf32, #tpu.memory_space<vmem>>) attributes {dimension_semantics = [#tpu.dimension_semantics<arbitrary>], iteration_bounds = array<i64: 98>, scalar_prefetch = 0 : i64, scratch_operands = 1 : i64, tpu.core_type = #tpu.core_type<tc>, window_params = [{transform_indices = @transform_0, window_bounds = array<i64: 2, 256, 128>}, {transform_indices = @transform_1, window_bounds = array<i64: 256, 128>}, {transform_indices = @transform_2, window_bounds = array<i64: 1, 8, 256>}, {pipeline_mode = #tpu.pipeline_mode<synchronous>, transform_indices = @transform_3, window_bounds = array<i64: 2, 128, 128>}, {pipeline_mode = #tpu.pipeline_mode<synchronous>, transform_indices = @transform_4, window_bounds = array<i64: 2, 128, 128>}, {pipeline_mode = #tpu.pipeline_mode<synchronous>, transform_indices = @transform_5, window_bounds = array<i64: 128, 128>}, {pipeline_mode = #tpu.pipeline_mode<synchronous>, transform_indices = @transform_6, window_bounds = array<i64: 1, 128>}, {pipeline_mode = #tpu.pipeline_mode<synchronous>, transform_indices = @transform_7, window_bounds = array<i64: 1, 128>}, {pipeline_mode = #tpu.pipeline_mode<synchronous>, transform_indices = @transform_8, window_bounds = array<i64: 1, 128>}, {pipeline_mode = #tpu.pipeline_mode<synchronous>, transform_indices = @transform_9, window_bounds = array<i64: 64, 64>}]} {
    %get3A = arith.constant 0 : index
    %get3A_0 = arith.constant 0 : index
    %get3A_1 = arith.constant 0 : index
    %get3A_2 = vector.load %arg1[%get3A, %get3A_0, %get3A_1] : memref<2x256x128xbf16, #tpu.memory_space<vmem>>, vector<1x256x128xbf16>
    %get3A_3 = vector.shape_cast %get3A_2 : vector<1x256x128xbf16> to vector<256x128xbf16>
    %convert_element_type3A = arith.extf %get3A_3 : vector<256x128xbf16> to vector<256x128xf32>
    %get3A_4 = arith.constant 1 : index
    %get3A_5 = arith.constant 0 : index
    %get3A_6 = arith.constant 0 : index
    %get3A_7 = vector.load %arg1[%get3A_4, %get3A_5, %get3A_6] : memref<2x256x128xbf16, #tpu.memory_space<vmem>>, vector<1x256x128xbf16>
    %get3A_8 = vector.shape_cast %get3A_7 : vector<1x256x128xbf16> to vector<256x128xbf16>
    %convert_element_type3A_9 = arith.extf %get3A_8 : vector<256x128xbf16> to vector<256x128xf32>
    %add3A = arith.addf %convert_element_type3A, %convert_element_type3A_9 : vector<256x128xf32>
    %get3A_10 = arith.constant 0 : index
    %get3A_11 = arith.constant 0 : index
    %get3A_12 = vector.load %arg2[%get3A_10, %get3A_11] : memref<256x128xbf16, #tpu.memory_space<vmem>>, vector<256x128xbf16>
    %convert_element_type3A_13 = arith.extf %get3A_12 : vector<256x128xbf16> to vector<256x128xf32>
    %get3A_14 = arith.constant 0 : index
    %get3A_15 = arith.constant 0 : index
    %get3A_16 = vector.load %arg6[%get3A_14, %get3A_15] : memref<128x128xf32, #tpu.memory_space<vmem>>, vector<128x128xf32>
    %eq3A = arith.constant 0 : i32
    %eq3A_17 = arith.cmpi eq, %arg0, %eq3A : i32
    %convert_element_type3A_18 = arith.extui %eq3A_17 : i1 to i32
    %cond3A = arith.constant 0 : i32
    %cond3A_19 = arith.cmpi ne, %convert_element_type3A_18, %cond3A : i32
    scf.if %cond3A_19 {
      %broadcast_in_dim3A_203 = arith.constant 0.000000e+00 : f32
      %broadcast_in_dim3A_204 = vector.broadcast %broadcast_in_dim3A_203 : f32 to vector<64x128xf32>
      %swap3A_205 = arith.constant 0 : index
      %swap3A_206 = arith.constant 0 : index
      %swap3A_207 = vector.load %arg11[%swap3A_205, %swap3A_206] : memref<64x128xf32, #tpu.memory_space<vmem>>, vector<64x128xf32>
      tpu.vector_store %arg11[%swap3A_205, %swap3A_206], %broadcast_in_dim3A_204 {strides = array<i32>} : memref<64x128xf32, #tpu.memory_space<vmem>>, vector<64x128xf32>,
    } else {
    }
    %get3A_20 = arith.constant 0 : index
    %get3A_21 = arith.constant 0 : index
    %get3A_22 = arith.constant 0 : index
    %get3A_23 = vector.load %arg4[%get3A_20, %get3A_21, %get3A_22] : memref<2x128x128xf32, #tpu.memory_space<vmem>>, vector<1x128x128xf32>
    %get3A_24 = vector.shape_cast %get3A_23 : vector<1x128x128xf32> to vector<128x128xf32>
    %dot_general3A = arith.constant dense<0.000000e+00> : vector<256x128xf32>
    %dot_general3A_25 = tpu.matmul %add3A, %get3A_24, %dot_general3A {dimension_numbers = #tpu.dot_dimension_numbers<[1], [0], [0], [1], [0, 0, 1, 1], [], []>, transpose_lhs_hint = false} : vector<256x128xf32>, vector<128x128xf32>, vector<256x128xf32> -> vector<256x128xf32>
    %get3A_26 = arith.constant 0 : index
    %get3A_27 = arith.constant 0 : index
    %get3A_28 = arith.constant 0 : index
    %get3A_29 = vector.load %arg5[%get3A_26, %get3A_27, %get3A_28] : memref<2x128x128xf32, #tpu.memory_space<vmem>>, vector<1x128x128xf32>
    %get3A_30 = vector.shape_cast %get3A_29 : vector<1x128x128xf32> to vector<128x128xf32>
    %dot_general3A_31 = arith.constant dense<0.000000e+00> : vector<256x128xf32>
    %dot_general3A_32 = tpu.matmul %convert_element_type3A_13, %get3A_30, %dot_general3A_31 {dimension_numbers = #tpu.dot_dimension_numbers<[1], [0], [0], [1], [0, 0, 1, 1], [], []>, transpose_lhs_hint = false} : vector<256x128xf32>, vector<128x128xf32>, vector<256x128xf32> -> vector<256x128xf32>
    %add3A_33 = arith.addf %dot_general3A_25, %dot_general3A_32 : vector<256x128xf32>
    %get3A_34 = arith.constant 0 : index
    %get3A_35 = arith.constant 0 : index
    %get3A_36 = vector.load %arg7[%get3A_34, %get3A_35] : memref<1x128xf32, #tpu.memory_space<vmem>>, vector<1x128xf32>
    %add3A_37 = vector.broadcast %get3A_36 : vector<1x128xf32> to vector<256x128xf32>
    %add3A_38 = arith.addf %add3A_33, %add3A_37 : vector<256x128xf32>
    %dot_general3A_39 = arith.constant dense<0.000000e+00> : vector<256x128xf32>
    %dot_general3A_40 = tpu.matmul %add3A_38, %get3A_16, %dot_general3A_39 {dimension_numbers = #tpu.dot_dimension_numbers<[1], [0], [0], [1], [0, 0, 1, 1], [], []>, transpose_lhs_hint = false} : vector<256x128xf32>, vector<128x128xf32>, vector<256x128xf32> -> vector<256x128xf32>
    %mul3A = arith.mulf %add3A_38, %add3A_38 : vector<256x128xf32>
    %dot_general3A_41 = arith.constant dense<0.000000e+00> : vector<256x128xf32>
    %dot_general3A_42 = tpu.matmul %mul3A, %get3A_16, %dot_general3A_41 {dimension_numbers = #tpu.dot_dimension_numbers<[1], [0], [0], [1], [0, 0, 1, 1], [], []>, transpose_lhs_hint = false} : vector<256x128xf32>, vector<128x128xf32>, vector<256x128xf32> -> vector<256x128xf32>
    %mul3A_43 = arith.mulf %dot_general3A_40, %dot_general3A_40 : vector<256x128xf32>
    %sub3A = arith.subf %dot_general3A_42, %mul3A_43 : vector<256x128xf32>
    %sub3A_44 = arith.subf %add3A_38, %dot_general3A_40 : vector<256x128xf32>
    %add3A_45 = arith.constant 9.99999974E-6 : f32
    %add3A_46 = vector.broadcast %add3A_45 : f32 to vector<256x128xf32>
    %add3A_47 = arith.addf %sub3A, %add3A_46 : vector<256x128xf32>
    %rsqrt3A = math.rsqrt %add3A_47 : vector<256x128xf32>
    %mul3A_48 = arith.mulf %sub3A_44, %rsqrt3A : vector<256x128xf32>
    %get3A_49 = arith.constant 0 : index
    %get3A_50 = arith.constant 0 : index
    %get3A_51 = vector.load %arg8[%get3A_49, %get3A_50] : memref<1x128xf32, #tpu.memory_space<vmem>>, vector<1x128xf32>
    %mul3A_52 = vector.broadcast %get3A_51 : vector<1x128xf32> to vector<256x128xf32>
    %mul3A_53 = arith.mulf %mul3A_48, %mul3A_52 : vector<256x128xf32>
    %get3A_54 = arith.constant 0 : index
    %get3A_55 = arith.constant 0 : index
    %get3A_56 = vector.load %arg9[%get3A_54, %get3A_55] : memref<1x128xf32, #tpu.memory_space<vmem>>, vector<1x128xf32>
    %add3A_57 = vector.broadcast %get3A_56 : vector<1x128xf32> to vector<256x128xf32>
    %add3A_58 = arith.addf %mul3A_53, %add3A_57 : vector<256x128xf32>
    %max3A = arith.constant 0.000000e+00 : f32
    %max3A_59 = vector.broadcast %max3A : f32 to vector<256x128xf32>
    %max3A_60 = arith.maximumf %add3A_58, %max3A_59 : vector<256x128xf32>
    %slice3A = vector.extract_strided_slice %max3A_60 {offsets = [0, 0], sizes = [256, 64], strides = [1, 1]} : vector<256x128xf32> to vector<256x64xf32>
    %get3A_61 = arith.constant 0 : index
    %get3A_62 = arith.constant 0 : index
    %get3A_63 = arith.constant 0 : index
    %get3A_64 = vector.load %arg3[%get3A_61, %get3A_62, %get3A_63] : memref<1x8x256xi32, #tpu.memory_space<vmem>>, vector<1x1x256xi32>
    %get3A_65 = vector.shape_cast %get3A_64 : vector<1x1x256xi32> to vector<256xi32>
    %broadcast_in_dim3A = vector.shape_cast %get3A_65 : vector<256xi32> to vector<256x1xi32>
    %iota3A = tpu.iota {dimensions = array<i32: 1>} : vector<256x64xi32>
    %eq3A_66 = vector.broadcast %broadcast_in_dim3A : vector<256x1xi32> to vector<256x64xi32>
    %eq3A_67 = arith.cmpi eq, %eq3A_66, %iota3A : vector<256x64xi32>
    %convert_element_type3A_68 = arith.extui %eq3A_67 : vector<256x64xi1> to vector<256x64xi32>
    %convert_element_type3A_69 = arith.sitofp %convert_element_type3A_68 : vector<256x64xi32> to vector<256x64xf32>
    %broadcast_in_dim3A_70 = arith.constant 1.000000e+00 : f32
    %broadcast_in_dim3A_71 = vector.broadcast %broadcast_in_dim3A_70 : f32 to vector<256x64xf32>
    %concatenate3A = tpu.concatenate %slice3A, %broadcast_in_dim3A_71 in 1 : vector<256x64xf32>, vector<256x64xf32> -> vector<256x128xf32>
    %get3A_72 = arith.constant 0 : index
    %get3A_73 = arith.constant 0 : index
    %get3A_74 = vector.load %arg11[%get3A_72, %get3A_73] : memref<64x128xf32, #tpu.memory_space<vmem>>, vector<64x128xf32>
    %dot_general3A_75 = arith.constant dense<0.000000e+00> : vector<64x128xf32>
    %dot_general3A_76 = tpu.matmul %convert_element_type3A_69, %concatenate3A, %dot_general3A_75 {dimension_numbers = #tpu.dot_dimension_numbers<[0], [0], [1], [1], [0, 1, 1, 1], [], []>, transpose_lhs_hint = false} : vector<256x64xf32>, vector<256x128xf32>, vector<64x128xf32> -> vector<64x128xf32>
    %add3A_77 = arith.addf %get3A_74, %dot_general3A_76 : vector<64x128xf32>
    %swap3A = arith.constant 0 : index
    %swap3A_78 = arith.constant 0 : index
    %swap3A_79 = vector.load %arg11[%swap3A, %swap3A_78] : memref<64x128xf32, #tpu.memory_space<vmem>>, vector<64x128xf32>
    tpu.vector_store %arg11[%swap3A, %swap3A_78], %add3A_77 {strides = array<i32>} : memref<64x128xf32, #tpu.memory_space<vmem>>, vector<64x128xf32>,
    %slice3A_80 = vector.extract_strided_slice %max3A_60 {offsets = [0, 64], sizes = [256, 64], strides = [1, 1]} : vector<256x128xf32> to vector<256x64xf32>
    %get3A_81 = arith.constant 0 : index
    %get3A_82 = arith.constant 1 : index
    %get3A_83 = arith.constant 0 : index
    %get3A_84 = vector.load %arg3[%get3A_81, %get3A_82, %get3A_83] : memref<1x8x256xi32, #tpu.memory_space<vmem>>, vector<1x1x256xi32>
    %get3A_85 = vector.shape_cast %get3A_84 : vector<1x1x256xi32> to vector<256xi32>
    %broadcast_in_dim3A_86 = vector.shape_cast %get3A_85 : vector<256xi32> to vector<256x1xi32>
    %iota3A_87 = tpu.iota {dimensions = array<i32: 1>} : vector<256x64xi32>
    %eq3A_88 = vector.broadcast %broadcast_in_dim3A_86 : vector<256x1xi32> to vector<256x64xi32>
    %eq3A_89 = arith.cmpi eq, %eq3A_88, %iota3A_87 : vector<256x64xi32>
    %convert_element_type3A_90 = arith.extui %eq3A_89 : vector<256x64xi1> to vector<256x64xi32>
    %convert_element_type3A_91 = arith.sitofp %convert_element_type3A_90 : vector<256x64xi32> to vector<256x64xf32>
    %broadcast_in_dim3A_92 = arith.constant 1.000000e+00 : f32
    %broadcast_in_dim3A_93 = vector.broadcast %broadcast_in_dim3A_92 : f32 to vector<256x64xf32>
    %concatenate3A_94 = tpu.concatenate %slice3A_80, %broadcast_in_dim3A_93 in 1 : vector<256x64xf32>, vector<256x64xf32> -> vector<256x128xf32>
    %get3A_95 = arith.constant 0 : index
    %get3A_96 = arith.constant 0 : index
    %get3A_97 = vector.load %arg11[%get3A_95, %get3A_96] : memref<64x128xf32, #tpu.memory_space<vmem>>, vector<64x128xf32>
    %dot_general3A_98 = arith.constant dense<0.000000e+00> : vector<64x128xf32>
    %dot_general3A_99 = tpu.matmul %convert_element_type3A_91, %concatenate3A_94, %dot_general3A_98 {dimension_numbers = #tpu.dot_dimension_numbers<[0], [0], [1], [1], [0, 1, 1, 1], [], []>, transpose_lhs_hint = false} : vector<256x64xf32>, vector<256x128xf32>, vector<64x128xf32> -> vector<64x128xf32>
    %add3A_100 = arith.addf %get3A_97, %dot_general3A_99 : vector<64x128xf32>
    %swap3A_101 = arith.constant 0 : index
    %swap3A_102 = arith.constant 0 : index
    %swap3A_103 = vector.load %arg11[%swap3A_101, %swap3A_102] : memref<64x128xf32, #tpu.memory_space<vmem>>, vector<64x128xf32>
    tpu.vector_store %arg11[%swap3A_101, %swap3A_102], %add3A_100 {strides = array<i32>} : memref<64x128xf32, #tpu.memory_space<vmem>>, vector<64x128xf32>,
    %get3A_104 = arith.constant 1 : index
    %get3A_105 = arith.constant 0 : index
    %get3A_106 = arith.constant 0 : index
    %get3A_107 = vector.load %arg4[%get3A_104, %get3A_105, %get3A_106] : memref<2x128x128xf32, #tpu.memory_space<vmem>>, vector<1x128x128xf32>
    %get3A_108 = vector.shape_cast %get3A_107 : vector<1x128x128xf32> to vector<128x128xf32>
    %dot_general3A_109 = arith.constant dense<0.000000e+00> : vector<256x128xf32>
    %dot_general3A_110 = tpu.matmul %add3A, %get3A_108, %dot_general3A_109 {dimension_numbers = #tpu.dot_dimension_numbers<[1], [0], [0], [1], [0, 0, 1, 1], [], []>, transpose_lhs_hint = false} : vector<256x128xf32>, vector<128x128xf32>, vector<256x128xf32> -> vector<256x128xf32>
    %get3A_111 = arith.constant 1 : index
    %get3A_112 = arith.constant 0 : index
    %get3A_113 = arith.constant 0 : index
    %get3A_114 = vector.load %arg5[%get3A_111, %get3A_112, %get3A_113] : memref<2x128x128xf32, #tpu.memory_space<vmem>>, vector<1x128x128xf32>
    %get3A_115 = vector.shape_cast %get3A_114 : vector<1x128x128xf32> to vector<128x128xf32>
    %dot_general3A_116 = arith.constant dense<0.000000e+00> : vector<256x128xf32>
    %dot_general3A_117 = tpu.matmul %convert_element_type3A_13, %get3A_115, %dot_general3A_116 {dimension_numbers = #tpu.dot_dimension_numbers<[1], [0], [0], [1], [0, 0, 1, 1], [], []>, transpose_lhs_hint = false} : vector<256x128xf32>, vector<128x128xf32>, vector<256x128xf32> -> vector<256x128xf32>
    %add3A_118 = arith.addf %dot_general3A_110, %dot_general3A_117 : vector<256x128xf32>
    %get3A_119 = arith.constant 0 : index
    %get3A_120 = arith.constant 0 : index
    %get3A_121 = vector.load %arg7[%get3A_119, %get3A_120] : memref<1x128xf32, #tpu.memory_space<vmem>>, vector<1x128xf32>
    %add3A_122 = vector.broadcast %get3A_121 : vector<1x128xf32> to vector<256x128xf32>
    %add3A_123 = arith.addf %add3A_118, %add3A_122 : vector<256x128xf32>
    %dot_general3A_124 = arith.constant dense<0.000000e+00> : vector<256x128xf32>
    %dot_general3A_125 = tpu.matmul %add3A_123, %get3A_16, %dot_general3A_124 {dimension_numbers = #tpu.dot_dimension_numbers<[1], [0], [0], [1], [0, 0, 1, 1], [], []>, transpose_lhs_hint = false} : vector<256x128xf32>, vector<128x128xf32>, vector<256x128xf32> -> vector<256x128xf32>
    %mul3A_126 = arith.mulf %add3A_123, %add3A_123 : vector<256x128xf32>
    %dot_general3A_127 = arith.constant dense<0.000000e+00> : vector<256x128xf32>
    %dot_general3A_128 = tpu.matmul %mul3A_126, %get3A_16, %dot_general3A_127 {dimension_numbers = #tpu.dot_dimension_numbers<[1], [0], [0], [1], [0, 0, 1, 1], [], []>, transpose_lhs_hint = false} : vector<256x128xf32>, vector<128x128xf32>, vector<256x128xf32> -> vector<256x128xf32>
    %mul3A_129 = arith.mulf %dot_general3A_125, %dot_general3A_125 : vector<256x128xf32>
    %sub3A_130 = arith.subf %dot_general3A_128, %mul3A_129 : vector<256x128xf32>
    %sub3A_131 = arith.subf %add3A_123, %dot_general3A_125 : vector<256x128xf32>
    %add3A_132 = arith.constant 9.99999974E-6 : f32
    %add3A_133 = vector.broadcast %add3A_132 : f32 to vector<256x128xf32>
    %add3A_134 = arith.addf %sub3A_130, %add3A_133 : vector<256x128xf32>
    %rsqrt3A_135 = math.rsqrt %add3A_134 : vector<256x128xf32>
    %mul3A_136 = arith.mulf %sub3A_131, %rsqrt3A_135 : vector<256x128xf32>
    %get3A_137 = arith.constant 0 : index
    %get3A_138 = arith.constant 0 : index
    %get3A_139 = vector.load %arg8[%get3A_137, %get3A_138] : memref<1x128xf32, #tpu.memory_space<vmem>>, vector<1x128xf32>
    %mul3A_140 = vector.broadcast %get3A_139 : vector<1x128xf32> to vector<256x128xf32>
    %mul3A_141 = arith.mulf %mul3A_136, %mul3A_140 : vector<256x128xf32>
    %get3A_142 = arith.constant 0 : index
    %get3A_143 = arith.constant 0 : index
    %get3A_144 = vector.load %arg9[%get3A_142, %get3A_143] : memref<1x128xf32, #tpu.memory_space<vmem>>, vector<1x128xf32>
    %add3A_145 = vector.broadcast %get3A_144 : vector<1x128xf32> to vector<256x128xf32>
    %add3A_146 = arith.addf %mul3A_141, %add3A_145 : vector<256x128xf32>
    %max3A_147 = arith.constant 0.000000e+00 : f32
    %max3A_148 = vector.broadcast %max3A_147 : f32 to vector<256x128xf32>
    %max3A_149 = arith.maximumf %add3A_146, %max3A_148 : vector<256x128xf32>
    %slice3A_150 = vector.extract_strided_slice %max3A_149 {offsets = [0, 0], sizes = [256, 64], strides = [1, 1]} : vector<256x128xf32> to vector<256x64xf32>
    %get3A_151 = arith.constant 0 : index
    %get3A_152 = arith.constant 2 : index
    %get3A_153 = arith.constant 0 : index
    %get3A_154 = vector.load %arg3[%get3A_151, %get3A_152, %get3A_153] : memref<1x8x256xi32, #tpu.memory_space<vmem>>, vector<1x1x256xi32>
    %get3A_155 = vector.shape_cast %get3A_154 : vector<1x1x256xi32> to vector<256xi32>
    %broadcast_in_dim3A_156 = vector.shape_cast %get3A_155 : vector<256xi32> to vector<256x1xi32>
    %iota3A_157 = tpu.iota {dimensions = array<i32: 1>} : vector<256x64xi32>
    %eq3A_158 = vector.broadcast %broadcast_in_dim3A_156 : vector<256x1xi32> to vector<256x64xi32>
    %eq3A_159 = arith.cmpi eq, %eq3A_158, %iota3A_157 : vector<256x64xi32>
    %convert_element_type3A_160 = arith.extui %eq3A_159 : vector<256x64xi1> to vector<256x64xi32>
    %convert_element_type3A_161 = arith.sitofp %convert_element_type3A_160 : vector<256x64xi32> to vector<256x64xf32>
    %broadcast_in_dim3A_162 = arith.constant 1.000000e+00 : f32
    %broadcast_in_dim3A_163 = vector.broadcast %broadcast_in_dim3A_162 : f32 to vector<256x64xf32>
    %concatenate3A_164 = tpu.concatenate %slice3A_150, %broadcast_in_dim3A_163 in 1 : vector<256x64xf32>, vector<256x64xf32> -> vector<256x128xf32>
    %get3A_165 = arith.constant 0 : index
    %get3A_166 = arith.constant 0 : index
    %get3A_167 = vector.load %arg11[%get3A_165, %get3A_166] : memref<64x128xf32, #tpu.memory_space<vmem>>, vector<64x128xf32>
    %dot_general3A_168 = arith.constant dense<0.000000e+00> : vector<64x128xf32>
    %dot_general3A_169 = tpu.matmul %convert_element_type3A_161, %concatenate3A_164, %dot_general3A_168 {dimension_numbers = #tpu.dot_dimension_numbers<[0], [0], [1], [1], [0, 1, 1, 1], [], []>, transpose_lhs_hint = false} : vector<256x64xf32>, vector<256x128xf32>, vector<64x128xf32> -> vector<64x128xf32>
    %add3A_170 = arith.addf %get3A_167, %dot_general3A_169 : vector<64x128xf32>
    %swap3A_171 = arith.constant 0 : index
    %swap3A_172 = arith.constant 0 : index
    %swap3A_173 = vector.load %arg11[%swap3A_171, %swap3A_172] : memref<64x128xf32, #tpu.memory_space<vmem>>, vector<64x128xf32>
    tpu.vector_store %arg11[%swap3A_171, %swap3A_172], %add3A_170 {strides = array<i32>} : memref<64x128xf32, #tpu.memory_space<vmem>>, vector<64x128xf32>,
    %slice3A_174 = vector.extract_strided_slice %max3A_149 {offsets = [0, 64], sizes = [256, 64], strides = [1, 1]} : vector<256x128xf32> to vector<256x64xf32>
    %get3A_175 = arith.constant 0 : index
    %get3A_176 = arith.constant 3 : index
    %get3A_177 = arith.constant 0 : index
    %get3A_178 = vector.load %arg3[%get3A_175, %get3A_176, %get3A_177] : memref<1x8x256xi32, #tpu.memory_space<vmem>>, vector<1x1x256xi32>
    %get3A_179 = vector.shape_cast %get3A_178 : vector<1x1x256xi32> to vector<256xi32>
    %broadcast_in_dim3A_180 = vector.shape_cast %get3A_179 : vector<256xi32> to vector<256x1xi32>
    %iota3A_181 = tpu.iota {dimensions = array<i32: 1>} : vector<256x64xi32>
    %eq3A_182 = vector.broadcast %broadcast_in_dim3A_180 : vector<256x1xi32> to vector<256x64xi32>
    %eq3A_183 = arith.cmpi eq, %eq3A_182, %iota3A_181 : vector<256x64xi32>
    %convert_element_type3A_184 = arith.extui %eq3A_183 : vector<256x64xi1> to vector<256x64xi32>
    %convert_element_type3A_185 = arith.sitofp %convert_element_type3A_184 : vector<256x64xi32> to vector<256x64xf32>
    %broadcast_in_dim3A_186 = arith.constant 1.000000e+00 : f32
    %broadcast_in_dim3A_187 = vector.broadcast %broadcast_in_dim3A_186 : f32 to vector<256x64xf32>
    %concatenate3A_188 = tpu.concatenate %slice3A_174, %broadcast_in_dim3A_187 in 1 : vector<256x64xf32>, vector<256x64xf32> -> vector<256x128xf32>
    %get3A_189 = arith.constant 0 : index
    %get3A_190 = arith.constant 0 : index
    %get3A_191 = vector.load %arg11[%get3A_189, %get3A_190] : memref<64x128xf32, #tpu.memory_space<vmem>>, vector<64x128xf32>
    %dot_general3A_192 = arith.constant dense<0.000000e+00> : vector<64x128xf32>
    %dot_general3A_193 = tpu.matmul %convert_element_type3A_185, %concatenate3A_188, %dot_general3A_192 {dimension_numbers = #tpu.dot_dimension_numbers<[0], [0], [1], [1], [0, 1, 1, 1], [], []>, transpose_lhs_hint = false} : vector<256x64xf32>, vector<256x128xf32>, vector<64x128xf32> -> vector<64x128xf32>
    %add3A_194 = arith.addf %get3A_191, %dot_general3A_193 : vector<64x128xf32>
    %swap3A_195 = arith.constant 0 : index
    %swap3A_196 = arith.constant 0 : index
    %swap3A_197 = vector.load %arg11[%swap3A_195, %swap3A_196] : memref<64x128xf32, #tpu.memory_space<vmem>>, vector<64x128xf32>
    tpu.vector_store %arg11[%swap3A_195, %swap3A_196], %add3A_194 {strides = array<i32>} : memref<64x128xf32, #tpu.memory_space<vmem>>, vector<64x128xf32>,
    %eq3A_198 = arith.constant 97 : i32
    %eq3A_199 = arith.cmpi eq, %arg0, %eq3A_198 : i32
    %convert_element_type3A_200 = arith.extui %eq3A_199 : i1 to i32
    %cond3A_201 = arith.constant 0 : i32
    %cond3A_202 = arith.cmpi ne, %convert_element_type3A_200, %cond3A_201 : i32
    scf.if %cond3A_202 {
      %get3A_203 = arith.constant 0 : index
      %get3A_204 = arith.constant 0 : index
      %get3A_205 = vector.load %arg11[%get3A_203, %get3A_204] : memref<64x128xf32, #tpu.memory_space<vmem>>, vector<64x128xf32>
      %slice3A_206 = vector.extract_strided_slice %get3A_205 {offsets = [0, 0], sizes = [64, 64], strides = [1, 1]} : vector<64x128xf32> to vector<64x64xf32>
      %slice3A_207 = vector.extract_strided_slice %get3A_205 {offsets = [0, 64], sizes = [64, 64], strides = [1, 1]} : vector<64x128xf32> to vector<64x64xf32>
      %max3A_208 = arith.constant 1.000000e+00 : f32
      %max3A_209 = vector.broadcast %max3A_208 : f32 to vector<64x64xf32>
      %max3A_210 = arith.maximumf %slice3A_207, %max3A_209 : vector<64x64xf32>
      %div3A = arith.divf %slice3A_206, %max3A_210 : vector<64x64xf32>
      %swap3A_211 = arith.constant 0 : index
      %swap3A_212 = arith.constant 0 : index
      %swap3A_213 = vector.load %arg10[%swap3A_211, %swap3A_212] : memref<64x64xf32, #tpu.memory_space<vmem>>, vector<64x64xf32>
      tpu.vector_store %arg10[%swap3A_211, %swap3A_212], %div3A {strides = array<i32>} : memref<64x64xf32, #tpu.memory_space<vmem>>, vector<64x64xf32>,
    } else {
    }
    return
  }
  func.func @transform_0(%arg0: i32) -> (i32, i32, i32) {
    %c0_i32 = arith.constant 0 : i32
    %c0_i32_0 = arith.constant 0 : i32
    %c0_i32_1 = arith.constant 0 : i32
    return %c0_i32, %arg0, %c0_i32_0 : i32, i32, i32
  }
  func.func @transform_1(%arg0: i32) -> (i32, i32) {
    %c0_i32 = arith.constant 0 : i32
    %c0_i32_0 = arith.constant 0 : i32
    return %arg0, %c0_i32 : i32, i32
  }
  func.func @transform_2(%arg0: i32) -> (i32, i32, i32) {
    %c0_i32 = arith.constant 0 : i32
    %c0_i32_0 = arith.constant 0 : i32
    %c0_i32_1 = arith.constant 0 : i32
    return %arg0, %c0_i32, %c0_i32_0 : i32, i32, i32
  }
  func.func @transform_3(%arg0: i32) -> (i32, i32, i32) {
    %c0_i32 = arith.constant 0 : i32
    %c0_i32_0 = arith.constant 0 : i32
    %c0_i32_1 = arith.constant 0 : i32
    %c0_i32_2 = arith.constant 0 : i32
    return %c0_i32, %c0_i32_0, %c0_i32_1 : i32, i32, i32
  }
  func.func @transform_4(%arg0: i32) -> (i32, i32, i32) {
    %c0_i32 = arith.constant 0 : i32
    %c0_i32_0 = arith.constant 0 : i32
    %c0_i32_1 = arith.constant 0 : i32
    %c0_i32_2 = arith.constant 0 : i32
    return %c0_i32, %c0_i32_0, %c0_i32_1 : i32, i32, i32
  }
  func.func @transform_5(%arg0: i32) -> (i32, i32) {
    %c0_i32 = arith.constant 0 : i32
    %c0_i32_0 = arith.constant 0 : i32
    %c0_i32_1 = arith.constant 0 : i32
    return %c0_i32, %c0_i32_0 : i32, i32
  }
  func.func @transform_6(%arg0: i32) -> (i32, i32) {
    %c0_i32 = arith.constant 0 : i32
    %c0_i32_0 = arith.constant 0 : i32
    %c0_i32_1 = arith.constant 0 : i32
    return %c0_i32, %c0_i32_0 : i32, i32
  }
  func.func @transform_7(%arg0: i32) -> (i32, i32) {
    %c0_i32 = arith.constant 0 : i32
    %c0_i32_0 = arith.constant 0 : i32
    %c0_i32_1 = arith.constant 0 : i32
    return %c0_i32, %c0_i32_0 : i32, i32
  }
  func.func @transform_8(%arg0: i32) -> (i32, i32) {
    %c0_i32 = arith.constant 0 : i32
    %c0_i32_0 = arith.constant 0 : i32
    %c0_i32_1 = arith.constant 0 : i32
    return %c0_i32, %c0_i32_0 : i32, i32
  }
  func.func @transform_9(%arg0: i32) -> (i32, i32) {
    %c0_i32 = arith.constant 0 : i32
    %c0_i32_0 = arith.constant 0 : i32
    %c0_i32_1 = arith.constant 0 : i32
    return %c0_i32, %c0_i32_0 : i32, i32
  }
}

</mosaic_0001>

<sc_bundles>
// kernel: kernel.6.cloned.1.call-start
scs
__scs_entry_jumppad:
0x0: {  	(pc) =	sbr.rel $0x88, $3  }
0x1: {  	(tag) =	ssettag $0x0;
	lr =	simm.s32 $0x1  }
0x2: {  	[smem:$0x3F94] =	sst lr;
	_ =	strace $0xD0000000  }
0x3: {  	_ = 	snop  }
0x4: {  	_ = 	snop  }
0x5: {  	_ = 	snop  }
0x6: {  	_ = 	snop  }
0x7: {  	_ = 	snop  }
__scs_overlays_trampoline_lowered:
0x8: {  	[smem:$0x3FA3] =	sst s0  }
0x9: {  	[smem:$0x3FA4] =	sst s1  }
0xa: {  	[smem:$0x3FA5] =	sst s2  }
0xb: {  	[smem:$0x3FA6] =	sst s3  }
0xc: {  	[smem:$0x3FA7] =	sst s4  }
0xd: {  	[smem:$0x3FA8] =	sst s5  }
0xe: {  	[smem:$0x3FA9] =	sst s6  }
0xf: {  	[smem:$0x3FAA] =	sst s7  }
0x10: {  	[smem:$0x3FAB] =	sst s8  }
0x11: {  	[smem:$0x3FAC] =	sst s9;
	s0 =	simm.s32 @!p0 $0x0  }
0x12: {  	s1 =	sld [smem:$0x3F92];
	s0 =	simm.s32 @p0 $0x1  }
0x13: {  	[smem:$0x3FAD] =	sst s0;
	s0 =	simm.s32 @!p1 $0x0  }
0x14: {  	s2 =	sld [smem:$0x3F91];
	s0 =	simm.s32 @p1 $0x1  }
0x15: {  	[smem:$0x3FAE] =	sst s0;
	s0 =	simm.s32 @!p2 $0x0  }
0x16: {  	s3 =	sld [smem:$0x3FDB];
	s0 =	simm.s32 @p2 $0x1  }
0x17: {  	s4 =	simm.s32 $0x1BF5;
	[smem:$0x3FB0] =	sst s0  }
0x18: {  	s0 =	sld [smem:$0x3F93];
	_ =	swait.ge [sflag:s4], $0x0  }
0x19: {  	s7 =	sld [smem:$0x3F94]  }
0x1a: {  	s8 =	sadd.s32 $0xFFFFE003, lr  }
0x1b: {  	s9 =	sadd.s32 $0xFFFFFEF7, lr;
	s5 =	simm.s32 $0xFFFFFFFF;
	p2 =	slt.u32 s8, $0xFFFFF086  }
0x1c: {  	p1 =	slt.u32 s9, $0xF7A;
	s5 =	simm.s32 @!p2 $0x0  }
0x1d: {  	s5 =	simm.s32 @p1 $0x1;
	p0 =	seq.s32 s7, s2  }
0x1e: {  	s7 =	smul.u32 @!p0 $0xF7A, s2;
	p2 =	seq.s32 @!p0 s5, $0x0  }
0x1f: {  	s9 =	smul.u32 $0xF7A, s1;
	s8 =	simm.s32 @!p0 $0x1BF5;
	p2 =	por !p2, p0  }
0x20: {  	[sflag:s8] =	ssyncset.s32 @!p0 $0xFFFFF086;
	s6 =	sadd.s32 @!p0 s3, s7;
	s7 =	simm.s32 @!p0 $0x108  }
0x21: {  	s3 =	sadd.s32 s3, s9;
	s6 =	sadd.s32 @!p0 $0x88, s6;
	s7 =	simm.s32 @p2 $0x1082  }
0x22: {  	[simem:s7], [sflag:s8] =	dma.local @!p0 [hbm:s6], $0xF7A  }
0x23: {  	s9 =	sor.u32 $0xD0000000, s2;
	s6 =	simm.s32 $0x108;
	_ =	swait.ge @!p0 [sflag:s8], $0x0  }
0x24: {  	s3 =	sadd.s32 $0x88, s3;
	s6 =	simm.s32 @!p1 $0x1082;
	[sflag:s4] =	ssyncset.s32 $0xFFFFF086  }
0x25: {  	[simem:s6], [sflag:s4] =	dma.local [hbm:s3], $0xF7A  }
0x26: {  	[smem:$0x3F94] =	sst s1;
	(tag) =	ssettag s2;
	_ =	strace s9  }
0x27: {  	s1 =	sld [smem:$0x3FA4]  }
0x28: {  	s2 =	sld [smem:$0x3FA5]  }
0x29: {  	s4 =	sld [smem:$0x3FA7]  }
0x2a: {  	p0 =	seq.s32 s5, $0x0;
	s5 =	sld [smem:$0x3FA8]  }
0x2b: {  	s6 =	sld [smem:$0x3FA9]  }
0x2c: {  	s7 =	sld [smem:$0x3FAA]  }
0x2d: {  	s3 =	simm.s32 $0x108;
	s8 =	sld [smem:$0x3FAB]  }
0x2e: {  	s3 =	simm.s32 @!p0 $0x1082;
	s9 =	sld [smem:$0x3FAC]  }
0x2f: {  	lr =	sadd.s32 s0, s3;
	s0 =	sld [smem:$0x3FA3]  }
0x30: {  	s3 =	sld [smem:$0x3FA6]  }
0x31: {  	[smem:$0x3FAF] =	sst s10  }
0x32: {  	s10 =	sld [smem:$0x3FAD];
	_ =	sdelay $0x3  }
0x33: {  	p0 =	seq.s32 s10, $0x1;
	s10 =	sld [smem:$0x3FAF];
	_ =	sdelay $0x3  }
0x34: {  	[smem:$0x3FAF] =	sst s10  }
0x35: {  	s10 =	sld [smem:$0x3FAE];
	_ =	sdelay $0x3  }
0x36: {  	p1 =	seq.s32 s10, $0x1;
	s10 =	sld [smem:$0x3FAF];
	_ =	sdelay $0x3  }
0x37: {  	[smem:$0x3FAF] =	sst s10  }
0x38: {  	s10 =	sld [smem:$0x3FB0]  }
0x39: {  	_ = 	snop;
	(pc) =	sbr.ind lr, $3  }
0x3a: {  	_ = 	snop  }
0x3b: {  	_ = 	snop  }
0x3c: {  	p2 =	seq.s32 s10, $0x1;
	s10 =	sld [smem:$0x3FAF]  }
0x3d: {  	_ =	shalt  }
0x3e: {  	_ =	shalt  }
0x3f: {  	_ =	shalt  }
0x40: {  	_ =	shalt  }
0x41: {  	_ =	shalt  }
0x42: {  	_ =	shalt  }
0x43: {  	_ =	shalt  }
0x44: {  	_ =	shalt  }
0x45: {  	_ =	shalt  }
0x46: {  	_ =	shalt  }
0x47: {  	_ =	shalt  }
0x48: {  	_ =	shalt  }
0x49: {  	_ =	shalt  }
0x4a: {  	_ =	shalt  }
0x4b: {  	_ =	shalt  }
0x4c: {  	_ =	shalt  }
0x4d: {  	_ =	shalt  }
0x4e: {  	_ =	shalt  }
0x4f: {  	_ =	shalt  }
0x50: {  	_ =	shalt  }
0x51: {  	_ =	shalt  }
0x52: {  	_ =	shalt  }
0x53: {  	_ =	shalt  }
0x54: {  	_ =	shalt  }
0x55: {  	_ =	shalt  }
0x56: {  	_ =	shalt  }
0x57: {  	_ =	shalt  }
0x58: {  	_ =	shalt  }
0x59: {  	_ =	shalt  }
0x5a: {  	_ =	shalt  }
0x5b: {  	_ =	shalt  }
0x5c: {  	_ =	shalt  }
0x5d: {  	_ =	shalt  }
0x5e: {  	_ =	shalt  }
0x5f: {  	_ =	shalt  }
0x60: {  	_ =	shalt  }
0x61: {  	_ =	shalt  }
0x62: {  	_ =	shalt  }
0x63: {  	_ =	shalt  }
0x64: {  	_ =	shalt  }
0x65: {  	_ =	shalt  }
0x66: {  	_ =	shalt  }
0x67: {  	_ =	shalt  }
0x68: {  	_ =	shalt  }
0x69: {  	_ =	shalt  }
0x6a: {  	_ =	shalt  }
0x6b: {  	_ =	shalt  }
0x6c: {  	_ =	shalt  }
0x6d: {  	_ =	shalt  }
0x6e: {  	_ =	shalt  }
0x6f: {  	_ =	shalt  }
0x70: {  	_ =	shalt  }
0x71: {  	_ =	shalt  }
0x72: {  	_ =	shalt  }
0x73: {  	_ =	shalt  }
0x74: {  	_ =	shalt  }
0x75: {  	_ =	shalt  }
0x76: {  	_ =	shalt  }
0x77: {  	_ =	shalt  }
0x78: {  	_ =	shalt  }
0x79: {  	_ =	shalt  }
0x7a: {  	_ =	shalt  }
0x7b: {  	_ =	shalt  }
0x7c: {  	_ =	shalt  }
0x7d: {  	_ =	shalt  }
0x7e: {  	_ =	shalt  }
0x7f: {  	_ =	shalt  }
0x80: {  	_ =	shalt  }
0x81: {  	_ =	shalt  }
0x82: {  	_ =	shalt  }
0x83: {  	_ =	shalt  }
0x84: {  	_ =	shalt  }
0x85: {  	_ =	shalt  }
0x86: {  	_ =	shalt  }
0x87: {  	_ =	shalt  }
.Lfunc_end0:
.L_simem_size_0:
called_computation_lowered:
.L_overlay_start_0:
0x88: {  	s2 =	sld [smem:$0x3FD9]  }
0x89: {  	s3 =	sld [smem:$0x3FFE];
	_ =	sdelay $0x1  }
0x8a: {  	s1 =	srdreg.scid  }
0x8b: {  	s0 =	sand.u32 $0x1, s1  }
0x8c: {  	s16 =	sshll.u32 s0, $0xA;
	s2 =	sadd.s32 s3, s2  }
0x8d: {  	s2 =	sadd.s32 s2, s16  }
0x8e: {  	[smem:$0x3FBB] =	sst s2  }
0x8f: {  	_ = 	snop  }
0x90: {  	(tm) =	ssettm $0x1  }
0x91: {  	s17 =	sld [smem:$0x3FFB];
	_ =	sdelay $0x3  }
0x92: {  	_ =	strace s17  }
0x93: {  	s2 =	sld [smem:$0x3FFC];
	_ =	sdelay $0x3  }
0x94: {  	_ =	strace s2  }
0x95: {  	s2 =	sld [smem:$0x3FFD];
	_ =	sdelay $0x3  }
0x96: {  	_ =	strace s2  }
0x97: {  	_ =	strace $0x8FFFFFFF  }
0x98: {  	s18 =	sld [smem:$0x3FDB];
	_ =	sdelay $0x1  }
0x99: {  	s19 =	simm.s32 $_scs_section_size  }
0x9a: {  	s4 =	simm.s32 $_size__tile_overlayer_lowered;
	s5 =	simm.s32 $_tile_overlayer_lowered  }
0x9b: {  	s22 =	simm.s32 $0x1BFF;
	s21 =	sshll.u32 s5, $0x1;
	s2 =	sadd.s32 s19, s18  }
0x9c: {  	s6 =	simm.s32 $0x0;
	s20 =	sshll.u32 s4, $0x1;
	s4 =	sadd.s32 s21, s2  }
0x9d: {  	[timem:s6], [sflag:s22] =	dma.local [hbm:s4], s20  }
0x9e: {  	_ =	swait.ge [sflag:s22], s20  }
0x9f: {  	s3 =	ssub.s32 $0x0, s20;
	[sflag:s22] =	ssyncset.done $0x0  }
0xa0: {  	[sflag:s22] =	ssyncadd.s32 s3;
	_ =	sdelay $0x1  }
0xa1: {  	s23 =	simm.s32 $0x1B8B  }
0xa2: {  	_ =	swait.ge [sflag:s23], $0x1  }
0xa3: {  	[sflag:s23] =	ssyncset.done $0x0  }
0xa4: {  	s25 =	simm.s32 $0x1B8E;
	s24 =	sld [smem:$0x3FFE];
	[sflag:s23] =	ssyncadd.s32 $0xFFFFFFFF  }
0xa5: {  	s26 =	simm.s32 $execute0_lowered;
	[smem:$0x3FD2] =	sst s25  }
0xa6: {  	s4 =	sshll.u32 s26, $0x1;
	_ =	strace $0x80000046;
	[dreg:$0x1] =	wrdreg $0xFFFFFFFF  }
0xa7: {  	s28 =	simm.s32 $_size_execute0_lowered;
	s2 =	sadd.s32 s2, s4;
	[dreg:$0x0] =	wrdreg $0x0  }
0xa8: {  	s4 =	sshll.u32 s28, $0x1;
	[dreg:$0x2] =	wrdreg s2  }
0xa9: {  	[dreg:$0x3] =	wrdreg s4  }
0xaa: {  	[dreg:$0x4] =	wrdreg $0xC0  }
0xab: {  	_ =	task [dreg:s6], $0x5FFFF  }
0xac: {  	[dreg:$0x1] =	wrdreg $0xFFFFFFFF  }
0xad: {  	[dreg:$0x0] =	wrdreg $0x60  }
0xae: {  	[dreg:$0x2] =	wrdreg s24  }
0xaf: {  	[dreg:$0x3] =	wrdreg $0x48000  }
0xb0: {  	[dreg:$0x4] =	wrdreg $0x9  }
0xb1: {  	_ =	task.clear_ibuf [dreg:s6], $0x5FFFF;
	_ =	strace $0x90000046  }
0xb2: {  	s29 =	simm.s32 $0x9;
	_ =	strace $0x80000048  }
0xb3: {  	_ =	swait.ge [sflag:s29], $0x1  }
0xb4: {  	[sflag:s29] =	ssyncadd.s32 $0xFFFFFFFF  }
0xb5: {  	_ =	strace $0x90000048  }
0xb6: {  	_ =	sfence  }
0xb7: {  	s30 =	sld [smem:$0x0];
	_ =	sdelay $0x2  }
0xb8: {  	s31 =	sshll.u32 s1, $0xD;
	s1 =	sshrl.u32 s1, $0x2  }
0xb9: {  	s3 =	sand.u32 $0x4000, s31;
	s1 =	sadd.s32 s1, s30  }
0xba: {  	s0 =	sor.u32 s3, s0;
	s1 =	sshll.u32 s1, $0x11  }
0xbb: {  	s0 =	sor.u32 s1, s0  }
0xbc: {  	s0 =	sadd.s32 $0x8F2B, s0  }
0xbd: {  	[sflag:s0] =	ssyncadd.remote.s32 $0x1  }
0xbe: {  	_ =	sfence.sel $0xFFFF  }
0xbf: {  	[dreg:$0x0] =	wrdreg $0xFFFFFFFF;
	(pc) =	sbr.abs _section_cstart, $3  }
0xc0: {  	[dreg:$0x1] =	wrdreg $0xFFFFFFFF  }
0xc1: {  	_ =	task.clear_ibuf [dreg:s6], $0x2FFFF;
	_ =	strace $0x9FFFFFFF  }
0xc2: {  	(tm) =	ssettm $0x7FFFFFFF  }
0xc3: {  	_ =	shalt  }
tec
execute0_lowered:
.L_overlay_start_1:
0x0: {  	(tag) =	ssettag $0x1  }
0x1: {  	s0 =	rddreg [dreg:$0x0]  }
0x2: {  	s1 =	simm.s32 $0x0;
	s2 =	srdreg.scid;
	s22 =	stileid.u32  }
0x3: {  	[smem:$0x7FF] =	sst s1;
	s5 =	sadd.s32 $0x34600, s0;
	s26 =	smul.u32 $0x1880, s22  }
0x4: {  	s6 =	sand.u32 $0x1, s2;
	s25 =	sshll.u32 s22, $0x1;
	s13 =	smul.u32 $0xC4, s22  }
0x5: {  	s7 =	sadd.s32 $0x65600, s0;
	s28 =	sadd.s32 $0x3600, s0;
	s3 =	smul.u32 $0x31000, s6  }
0x6: {  	s4 =	ssub.s32 $0x2, s6;
	s2 =	sor.u32 s6, s25;
	s6 =	smul.u32 $0x62, s6  }
0x7: {  	s8 =	sshrl.u32 s4, $0x1;
	s9 =	smul.u32 $0x1880, s2;
	s10 =	sadd.s32 s3, s0  }
0x8: {  	s2 =	ssub.s32 s4, s8;
	s3 =	smul.u32 $0x18800, s22;
	s4 =	sadd.s32 $0x200, s26  }
0x9: {  	s6 =	sadd.s32 s6, s13;
	s13 =	sadd.s32 $0xA00, s26;
	s8 =	sadd.s32 $0x1600, s26  }
0xa: {  	s14 =	sadd.s32 s5, s9;
	s15 =	sadd.s32 s7, s9;
	s12 =	sadd.s32 $0x96600, s10  }
0xb: {  	s16 =	sor.u32 $0x40, s9;
	s17 =	sadd.s32 $0x80, s9;
	[dreg:$0x3] =	wrdreg s14  }
0xc: {  	s9 =	sadd.s32 $0x1840, s9;
	[dreg:$0x4] =	wrdreg s15;
	s11 =	sadd.s32 s5, s16  }
0xd: {  	s6 =	sshll.u32 s6, $0x6;
	s10 =	sadd.s32 s7, s16;
	[dreg:$0x5] =	wrdreg s11  }
0xe: {  	s18 =	sadd.s32 s5, s17;
	s19 =	sadd.s32 s7, s17;
	[dreg:$0x6] =	wrdreg s10  }
0xf: {  	s14 =	sshrl.u32 s3, $0x3;
	s15 =	sshll.u32 s4, $0x1;
	[dreg:$0x7] =	wrdreg s18  }
0x10: {  	s20 =	sadd.s32 s5, s9;
	s9 =	sadd.s32 s7, s9;
	[dreg:$0x8] =	wrdreg s19  }
0x11: {  	s16 =	sadd.s32 $0xE00, s26;
	s21 =	sadd.s32 $0x100, s6;
	[dreg:$0x9] =	wrdreg s20  }
0x12: {  	s6 =	sadd.s32 $0x80, s6;
	[dreg:$0xa] =	wrdreg s9;
	s9 =	sadd.s32 $0x600, s26  }
0x13: {  	s10 =	sadd.s32 s21, s5;
	s11 =	sadd.s32 s21, s7;
	s5 =	sadd.s32 s6, s5  }
0x14: {  	s6 =	sadd.s32 s6, s7;
	s7 =	sadd.s32 $0x1200, s26;
	s14 =	sadd.s32 s14, s12  }
0x15: {  	s15 =	sadd.s32 s15, s12;
	s18 =	sshll.u32 s13, $0x1;
	s19 =	sadd.s32 $0xC000, s3  }
0x16: {  	s20 =	sshll.u32 s16, $0x1;
	[dreg:$0xb] =	wrdreg s14;
	s14 =	sadd.s32 $0x4000, s3  }
0x17: {  	s16 =	sshll.u32 s16, $0x4;
	[dreg:$0xc] =	wrdreg s15;
	s23 =	sshrl.u32 s14, $0x3  }
0x18: {  	s17 =	sshll.u32 s9, $0x1;
	s26 =	sadd.s32 s18, s12;
	s15 =	sadd.s32 s23, s12  }
0x19: {  	s18 =	sshrl.u32 s19, $0x3;
	[dreg:$0xd] =	wrdreg s15;
	s15 =	sadd.s32 $0x8000, s3  }
0x1a: {  	s24 =	sadd.s32 s17, s12;
	[dreg:$0x10] =	wrdreg s26;
	s25 =	sshrl.u32 s15, $0x3  }
0x1b: {  	s26 =	sshll.u32 s8, $0x1;
	[dreg:$0xe] =	wrdreg s24;
	s17 =	sadd.s32 s25, s12  }
0x1c: {  	s25 =	smul.u32 $0x62000, s22;
	s22 =	sadd.s32 s26, s12;
	[dreg:$0xf] =	wrdreg s17  }
0x1d: {  	s9 =	sshll.u32 s9, $0x4;
	s17 =	sadd.s32 s18, s12;
	[dreg:$0x16] =	wrdreg s22  }
0x1e: {  	s23 =	sshll.u32 s7, $0x1;
	s18 =	sadd.s32 $0x10000, s3;
	[dreg:$0x11] =	wrdreg s17  }
0x1f: {  	s17 =	sadd.s32 s20, s12;
	s21 =	sshrl.u32 s18, $0x3;
	s20 =	sadd.s32 $0x14000, s3  }
0x20: {  	[dreg:$0x12] =	wrdreg s17;
	s17 =	sadd.s32 s21, s12;
	s21 =	sshrl.u32 s20, $0x3  }
0x21: {  	s26 =	smax.u32 s2, $0x1;
	[dreg:$0x13] =	wrdreg s17;
	s24 =	sadd.s32 s21, s12  }
0x22: {  	s25 =	sshrl.u32 s25, $0x2;
	s21 =	sadd.s32 $0x18000, s3;
	[dreg:$0x15] =	wrdreg s24  }
0x23: {  	s17 =	sadd.s32 s23, s12;
	s24 =	rddreg [dreg:$0x1];
	s23 =	sshrl.u32 s21, $0x3  }
0x24: {  	[dreg:$0x14] =	wrdreg s17;
	s12 =	sadd.s32 s23, s12;
	s29 =	sadd.s32 s25, s24  }
0x25: {  	s30 =	sadd.s32 s21, s24;
	s2 =	sadd.s32 s3, s24;
	[dreg:$0x17] =	wrdreg s12  }
0x26: {  	s3 =	sshll.u32 s4, $0x4;
	_ =	strace $0x80000047;
	[dreg:$0x18] =	wrdreg s26  }
0x27: {  	s4 =	sadd.s32 s14, s24;
	s0 =	sadd.s32 s3, s24;
	[dreg:$0x19] =	wrdreg s2  }
0x28: {  	s14 =	sshll.u32 s13, $0x4;
	s17 =	sadd.s32 s18, s24;
	[dreg:$0x1a] =	wrdreg s0  }
0x29: {  	s18 =	sshll.u32 s7, $0x4;
	s12 =	sadd.s32 s15, s24;
	[dreg:$0x1b] =	wrdreg s4  }
0x2a: {  	s7 =	simm.s32 $0x6;
	s15 =	sadd.s32 s19, s24;
	[dreg:$0x1d] =	wrdreg s12  }
0x2b: {  	s13 =	simm.s32 $0x2;
	s19 =	sadd.s32 s20, s24;
	[dreg:$0x1f] =	wrdreg s15  }
0x2c: {  	s20 =	sshll.u32 s8, $0x4;
	s21 =	sadd.s32 $0x2000, s29;
	[smem:$0x7F5] =	sst s17  }
0x2d: {  	s22 =	sadd.s32 $0x4000, s29;
	s23 =	sadd.s32 $0x6000, s29;
	[smem:$0x7F7] =	sst s19  }
0x2e: {  	s25 =	sadd.s32 $0x8000, s29;
	s31 =	sadd.s32 $0x14000, s29;
	[smem:$0x7F9] =	sst s21  }
0x2f: {  	s3 =	simm.s32 $0x200;
	s8 =	simm.s32 $0x2800;
	[smem:$0x7FA] =	sst s22  }
0x30: {  	s0 =	sadd.s32 s9, s24;
	s15 =	sadd.s32 $0x40, s6;
	[smem:$0x7FB] =	sst s23  }
0x31: {  	[smem:$0x7FC] =	sst s25;
	s26 =	sadd.s32 $0xA000, s29;
	s21 =	sadd.s32 $0xC000, s29  }
0x32: {  	s23 =	sadd.s32 $0xE000, s29;
	s25 =	sadd.s32 $0x10000, s29;
	s22 =	sadd.s32 $0x16000, s29  }
0x33: {  	s2 =	simm.s32 $0x7;
	s4 =	simm.s32 $0x5;
	s6 =	simm.s32 $0x600  }
0x34: {  	s9 =	simm.s32 $0x1;
	s12 =	simm.s32 $0x3;
	[dreg:$0x1c] =	wrdreg s0  }
0x35: {  	s17 =	simm.s32 $0x0;
	s0 =	sadd.s32 s14, s24;
	[smem:$0x7FD] =	sst s26  }
0x36: {  	s14 =	sadd.s32 $0x40, s5;
	[dreg:$0x1e] =	wrdreg s0;
	s0 =	sadd.s32 s16, s24  }
0x37: {  	s26 =	sadd.s32 $0x12000, s29;
	[smem:$0x7F4] =	sst s0;
	s0 =	sadd.s32 s18, s24  }
0x38: {  	s5 =	simm.s32 $0x400;
	[smem:$0x7F6] =	sst s0;
	s0 =	sadd.s32 s20, s24  }
0x39: {  	v0 =	vimm.f32 $0.0e+00;
	s16 =	simm.s32 $0x4;
	[smem:$0x7F8] =	sst s0;
	s0 =	simm.s32 $0x800  }
.LBB2_1:
0x3a: {  	s18 =	simm.s32 $0x0;
	s19 =	simm.s32 $0x400  }
.LBB2_2:
0x3b: {  	p0 =	sne.s32 s19, $0x7C00;
	[tilespmem:s18+$0x8F0] =	vst v0  }
0x3c: {  	[tilespmem:s18+$0x800] =	vst v0  }
0x3d: {  	[tilespmem:s18+$0x810] =	vst v0  }
0x3e: {  	[tilespmem:s18+$0x820] =	vst v0  }
0x3f: {  	[tilespmem:s18+$0x830] =	vst v0  }
0x40: {  	[tilespmem:s18+$0x840] =	vst v0  }
0x41: {  	[tilespmem:s18+$0x850] =	vst v0  }
0x42: {  	[tilespmem:s18+$0x860] =	vst v0  }
0x43: {  	[tilespmem:s18+$0x870] =	vst v0  }
0x44: {  	[tilespmem:s18+$0x880] =	vst v0  }
0x45: {  	[tilespmem:s18+$0x890] =	vst v0  }
.Ltmp0:
0x46: {  	[tilespmem:s18+$0x8A0] =	vst v0;
	(pc) =	sbr.rel @p0 .LBB2_2-.Ltmp0, $4  }
0x47: {  	[tilespmem:s18+$0x8B0] =	vst v0  }
0x48: {  	[tilespmem:s18+$0x8C0] =	vst v0  }
0x49: {  	[tilespmem:s18+$0x8D0] =	vst v0  }
0x4a: {  	[tilespmem:s18+$0x8E0] =	vst v0;
	s18 =	sshra.s32 s19, $0x2;
	s19 =	sadd.s32 $0x400, s19  }
0x4b: {  	[tilespmem:s18+$0x8F0] =	vst v0  }
0x4c: {  	[tilespmem:s18+$0x800] =	vst v0  }
0x4d: {  	[tilespmem:s18+$0x810] =	vst v0  }
0x4e: {  	[tilespmem:s18+$0x820] =	vst v0  }
0x4f: {  	[tilespmem:s18+$0x830] =	vst v0  }
0x50: {  	[tilespmem:s18+$0x840] =	vst v0  }
0x51: {  	[tilespmem:s18+$0x850] =	vst v0  }
0x52: {  	[tilespmem:s18+$0x860] =	vst v0  }
0x53: {  	[tilespmem:s18+$0x870] =	vst v0  }
0x54: {  	[tilespmem:s18+$0x880] =	vst v0  }
0x55: {  	[tilespmem:s18+$0x890] =	vst v0  }
0x56: {  	[tilespmem:s18+$0x8A0] =	vst v0  }
0x57: {  	[tilespmem:s18+$0x8B0] =	vst v0  }
0x58: {  	[tilespmem:s18+$0x8C0] =	vst v0  }
0x59: {  	[tilespmem:s18+$0x8D0] =	vst v0  }
0x5a: {  	[tilespmem:s18+$0x8E0] =	vst v0  }
0x5b: {  	[spmem:s29] =	stream.linear.scatter [tilespmem:s0], [sflag:$0x7], $0x2000, $0x38;
	[tilespmem:$0x1D000] =	vst v63  }
0x5c: {  	_ =	swait.ge [sflag:s2], $0x2000  }
0x5d: {  	s19 =	sld [smem:$0x7F9]  }
0x5e: {  	[sflag:s2] =	ssyncset.done $0x0  }
0x5f: {  	[sflag:s2] =	ssyncadd.s32 $0xFFFFE000  }
0x60: {  	[spmem:s19] =	stream.linear.scatter [tilespmem:s0], [sflag:$0x7], $0x2000, $0x38;
	[tilespmem:$0x1D000] =	vst v63  }
0x61: {  	_ =	swait.ge [sflag:s2], $0x2000  }
0x62: {  	s20 =	sld [smem:$0x7FA]  }
0x63: {  	[sflag:s2] =	ssyncset.done $0x0  }
0x64: {  	[sflag:s2] =	ssyncadd.s32 $0xFFFFE000  }
0x65: {  	[spmem:s20] =	stream.linear.scatter [tilespmem:s0], [sflag:$0x7], $0x2000, $0x38;
	[tilespmem:$0x1D000] =	vst v63  }
0x66: {  	_ =	swait.ge [sflag:s2], $0x2000  }
0x67: {  	s19 =	sld [smem:$0x7FB]  }
0x68: {  	[sflag:s2] =	ssyncset.done $0x0  }
0x69: {  	[sflag:s2] =	ssyncadd.s32 $0xFFFFE000  }
0x6a: {  	[spmem:s19] =	stream.linear.scatter [tilespmem:s0], [sflag:$0x7], $0x2000, $0x38;
	[tilespmem:$0x1D000] =	vst v63  }
0x6b: {  	_ =	swait.ge [sflag:s2], $0x2000  }
0x6c: {  	s20 =	sld [smem:$0x7FC]  }
0x6d: {  	[sflag:s2] =	ssyncset.done $0x0  }
0x6e: {  	[sflag:s2] =	ssyncadd.s32 $0xFFFFE000  }
0x6f: {  	[spmem:s20] =	stream.linear.scatter [tilespmem:s0], [sflag:$0x7], $0x2000, $0x38;
	[tilespmem:$0x1D000] =	vst v63  }
0x70: {  	_ =	swait.ge [sflag:s2], $0x2000  }
0x71: {  	s19 =	sld [smem:$0x7FD]  }
0x72: {  	[sflag:s2] =	ssyncset.done $0x0  }
0x73: {  	[sflag:s2] =	ssyncadd.s32 $0xFFFFE000  }
0x74: {  	[spmem:s19] =	stream.linear.scatter [tilespmem:s0], [sflag:$0x7], $0x2000, $0x38;
	[tilespmem:$0x1D000] =	vst v63  }
0x75: {  	_ =	swait.ge [sflag:s2], $0x2000  }
0x76: {  	[sflag:s2] =	ssyncset.done $0x0  }
0x77: {  	[sflag:s2] =	ssyncadd.s32 $0xFFFFE000  }
0x78: {  	[spmem:s21] =	stream.linear.scatter [tilespmem:s0], [sflag:$0x7], $0x2000, $0x38;
	[tilespmem:$0x1D000] =	vst v63  }
0x79: {  	_ =	swait.ge [sflag:s2], $0x2000  }
0x7a: {  	[sflag:s2] =	ssyncset.done $0x0  }
0x7b: {  	[sflag:s2] =	ssyncadd.s32 $0xFFFFE000  }
0x7c: {  	[spmem:s23] =	stream.linear.scatter [tilespmem:s0], [sflag:$0x7], $0x2000, $0x38;
	[tilespmem:$0x1D000] =	vst v63  }
0x7d: {  	_ =	swait.ge [sflag:s2], $0x2000  }
0x7e: {  	[sflag:s2] =	ssyncset.done $0x0  }
0x7f: {  	[sflag:s2] =	ssyncadd.s32 $0xFFFFE000  }
0x80: {  	[spmem:s25] =	stream.linear.scatter [tilespmem:s0], [sflag:$0x7], $0x2000, $0x38;
	[tilespmem:$0x1D000] =	vst v63  }
0x81: {  	_ =	swait.ge [sflag:s2], $0x2000  }
0x82: {  	[sflag:s2] =	ssyncset.done $0x0  }
0x83: {  	[sflag:s2] =	ssyncadd.s32 $0xFFFFE000  }
0x84: {  	[spmem:s26] =	stream.linear.scatter [tilespmem:s0], [sflag:$0x7], $0x2000, $0x38;
	[tilespmem:$0x1D000] =	vst v63  }
0x85: {  	_ =	swait.ge [sflag:s2], $0x2000  }
0x86: {  	[sflag:s2] =	ssyncset.done $0x0  }
0x87: {  	[sflag:s2] =	ssyncadd.s32 $0xFFFFE000  }
0x88: {  	[spmem:s31] =	stream.linear.scatter [tilespmem:s0], [sflag:$0x7], $0x2000, $0x38;
	[tilespmem:$0x1D000] =	vst v63  }
0x89: {  	_ =	swait.ge [sflag:s2], $0x2000  }
0x8a: {  	[sflag:s2] =	ssyncset.done $0x0  }
0x8b: {  	[sflag:s2] =	ssyncadd.s32 $0xFFFFE000  }
0x8c: {  	[spmem:s22] =	stream.linear.scatter [tilespmem:s0], [sflag:$0x7], $0x2000, $0x38;
	[tilespmem:$0x1D000] =	vst v63  }
0x8d: {  	_ =	swait.ge [sflag:s2], $0x2000  }
0x8e: {  	[sflag:s2] =	ssyncset.done $0x0  }
0x8f: {  	[sflag:s2] =	ssyncadd.s32 $0xFFFFE000  }
0x90: {  	[spmem:s30] =	stream.linear.scatter [tilespmem:s0], [sflag:$0x7], $0x800, $0x38;
	[tilespmem:$0x1D000] =	vst v63  }
0x91: {  	_ =	swait.ge [sflag:s2], $0x800  }
0x92: {  	[sflag:s2] =	ssyncset.done $0x0  }
0x93: {  	[sflag:s2] =	ssyncadd.s32 $0xFFFFF800  }
0x94: {  	[bflag:$0x0] =	sbarrier.arrive $0xFFFF  }
0x95: {  	s18 =	simm.s32 $0x0;
	s19 =	rddreg [dreg:$0x3]  }
0x96: {  	[tilespmem:s18], [sflag:$0x5] =	stream.linear.gather [hbm4b:s19+s18], $0x200, $0x38;
	[tilespmem:$0x1D000] =	vst v63  }
0x97: {  	s20 =	rddreg [dreg:$0x4]  }
0x98: {  	[tilespmem:s3], [sflag:$0x5] =	stream.linear.gather [hbm4b:s20+s18], $0x200, $0x38;
	[tilespmem:$0x1D000] =	vst v63  }
0x99: {  	_ =	swait.ge [sflag:s4], $0x200  }
0x9a: {  	[sflag:s4] =	ssyncset.done $0x0  }
0x9b: {  	[sflag:s4] =	ssyncadd.s32 $0xFFFFFE00  }
0x9c: {  	_ =	swait.ge [sflag:s4], $0x200  }
0x9d: {  	[sflag:s4] =	ssyncset.done $0x0  }
0x9e: {  	[sflag:s4] =	ssyncadd.s32 $0xFFFFFE00  }
0x9f: {  	[tilespmem:s0], [sflag:$0x1] =	stream.indirect.gather [hbm4b:s28+s3], $0x10, s18, s3, $0xb8;
	[tilespmem:$0x1D000] =	vst v63  }
0xa0: {  	s20 =	rddreg [dreg:$0x5]  }
0xa1: {  	[tilespmem:s5], [sflag:$0x6] =	stream.linear.gather [hbm4b:s20+s18], $0x200, $0x38;
	[tilespmem:$0x1D000] =	vst v63  }
0xa2: {  	s20 =	rddreg [dreg:$0x6]  }
0xa3: {  	[tilespmem:s6], [sflag:$0x6] =	stream.linear.gather [hbm4b:s20+s18], $0x200, $0x38;
	[tilespmem:$0x1D000] =	vst v63  }
0xa4: {  	_ =	swait.ge [sflag:s7], $0x200  }
0xa5: {  	[sflag:s7] =	ssyncset.done $0x0  }
0xa6: {  	[sflag:s7] =	ssyncadd.s32 $0xFFFFFE00  }
0xa7: {  	_ =	swait.ge [sflag:s7], $0x200  }
0xa8: {  	[sflag:s7] =	ssyncset.done $0x0  }
0xa9: {  	[sflag:s7] =	ssyncadd.s32 $0xFFFFFE00  }
0xaa: {  	[tilespmem:s8], [sflag:$0x2] =	stream.indirect.gather [hbm4b:s28+s3], $0x10, s5, s3, $0xb8;
	[tilespmem:$0x1D000] =	vst v63  }
0xab: {  	_ =	swait.ge [sflag:s9], $0x2000  }
0xac: {  	[sflag:s9] =	ssyncset.done $0x0  }
0xad: {  	[sflag:s9] =	ssyncadd.s32 $0xFFFFE000  }
0xae: {  	[spmem:s24] =	stream.indirect.scatter.add.f32 [tilespmem:s0], [sflag:$0x3], $0x10, s3, s3, $0xb8;
	[tilespmem:$0x1D000] =	vst v63  }
0xaf: {  	_ =	swait.ge [sflag:s12], $0x2000  }
0xb0: {  	[sflag:s12] =	ssyncset.done $0x0  }
0xb1: {  	s20 =	rddreg [dreg:$0x7];
	[sflag:s12] =	ssyncadd.s32 $0xFFFFE000  }
0xb2: {  	[tilespmem:s18], [sflag:$0x5] =	stream.linear.gather [hbm4b:s20+s18], $0x200, $0x38;
	[tilespmem:$0x1D000] =	vst v63  }
0xb3: {  	s20 =	rddreg [dreg:$0x8]  }
0xb4: {  	[tilespmem:s3], [sflag:$0x5] =	stream.linear.gather [hbm4b:s20+s18], $0x200, $0x38;
	[tilespmem:$0x1D000] =	vst v63  }
0xb5: {  	_ =	swait.ge [sflag:s4], $0x200  }
0xb6: {  	[sflag:s4] =	ssyncset.done $0x0  }
0xb7: {  	[sflag:s4] =	ssyncadd.s32 $0xFFFFFE00  }
0xb8: {  	_ =	swait.ge [sflag:s4], $0x200  }
0xb9: {  	[sflag:s4] =	ssyncset.done $0x0  }
0xba: {  	[sflag:s4] =	ssyncadd.s32 $0xFFFFFE00  }
0xbb: {  	[tilespmem:s0], [sflag:$0x1] =	stream.indirect.gather [hbm4b:s28+s3], $0x10, s18, s3, $0xb8;
	[tilespmem:$0x1D000] =	vst v63  }
0xbc: {  	_ =	swait.ge [sflag:s13], $0x2000  }
0xbd: {  	[sflag:s13] =	ssyncset.done $0x0  }
0xbe: {  	[sflag:s13] =	ssyncadd.s32 $0xFFFFE000  }
0xbf: {  	[spmem:s24] =	stream.indirect.scatter.add.f32 [tilespmem:s8], [sflag:$0x4], $0x10, s6, s3, $0xb8;
	[tilespmem:$0x1D000] =	vst v63  }
0xc0: {  	_ =	swait.ge [sflag:s16], $0x2000  }
0xc1: {  	[sflag:s16] =	ssyncset.done $0x0  }
0xc2: {  	s19 =	sadd.s32 $0x0, s14;
	[sflag:s16] =	ssyncadd.s32 $0xFFFFE000  }
0xc3: {  	[tilespmem:s5], [sflag:$0x6] =	stream.linear.gather [hbm4b:s19+s1], $0x200, $0x38;
	[tilespmem:$0x1D000] =	vst v63  }
0xc4: {  	s20 =	sadd.s32 $0x0, s15  }
0xc5: {  	[tilespmem:s6], [sflag:$0x6] =	stream.linear.gather [hbm4b:s20+s1], $0x200, $0x38;
	[tilespmem:$0x1D000] =	vst v63  }
0xc6: {  	_ =	swait.ge [sflag:s7], $0x200  }
0xc7: {  	[sflag:s7] =	ssyncset.done $0x0  }
0xc8: {  	[sflag:s7] =	ssyncadd.s32 $0xFFFFFE00  }
0xc9: {  	_ =	swait.ge [sflag:s7], $0x200  }
0xca: {  	[sflag:s7] =	ssyncset.done $0x0  }
0xcb: {  	[sflag:s7] =	ssyncadd.s32 $0xFFFFFE00  }
0xcc: {  	[tilespmem:s8], [sflag:$0x2] =	stream.indirect.gather [hbm4b:s28+s3], $0x10, s5, s3, $0xb8;
	[tilespmem:$0x1D000] =	vst v63  }
0xcd: {  	_ =	swait.ge [sflag:s9], $0x2000  }
0xce: {  	[sflag:s9] =	ssyncset.done $0x0  }
0xcf: {  	[sflag:s9] =	ssyncadd.s32 $0xFFFFE000  }
0xd0: {  	[spmem:s24] =	stream.indirect.scatter.add.f32 [tilespmem:s0], [sflag:$0x3], $0x10, s3, s3, $0xb8;
	[tilespmem:$0x1D000] =	vst v63  }
0xd1: {  	_ =	swait.ge [sflag:s12], $0x2000  }
0xd2: {  	[sflag:s12] =	ssyncset.done $0x0  }
0xd3: {  	s19 =	sadd.s32 $0x0, s10;
	[sflag:s12] =	ssyncadd.s32 $0xFFFFE000  }
0xd4: {  	[tilespmem:s1], [sflag:$0x5] =	stream.linear.gather [hbm4b:s19+s1], $0x200, $0x38;
	[tilespmem:$0x1D000] =	vst v63  }
0xd5: {  	s20 =	sadd.s32 $0x0, s11  }
0xd6: {  	[tilespmem:s3], [sflag:$0x5] =	stream.linear.gather [hbm4b:s20+s1], $0x200, $0x38;
	[tilespmem:$0x1D000] =	vst v63  }
0xd7: {  	_ =	swait.ge [sflag:s4], $0x200  }
0xd8: {  	[sflag:s4] =	ssyncset.done $0x0  }
0xd9: {  	[sflag:s4] =	ssyncadd.s32 $0xFFFFFE00  }
0xda: {  	_ =	swait.ge [sflag:s4], $0x200  }
0xdb: {  	[sflag:s4] =	ssyncset.done $0x0  }
0xdc: {  	[sflag:s4] =	ssyncadd.s32 $0xFFFFFE00  }
0xdd: {  	[tilespmem:s0], [sflag:$0x1] =	stream.indirect.gather [hbm4b:s28+s3], $0x10, s1, s3, $0xb8;
	[tilespmem:$0x1D000] =	vst v63  }
0xde: {  	_ =	swait.ge [sflag:s13], $0x2000  }
0xdf: {  	[sflag:s13] =	ssyncset.done $0x0  }
0xe0: {  	s18 =	simm.s32 $0x80;
	[sflag:s13] =	ssyncadd.s32 $0xFFFFE000  }
.LBB2_4:
0xe1: {  	[spmem:s24] =	stream.indirect.scatter.add.f32 [tilespmem:s8], [sflag:$0x4], $0x10, s6, s3, $0xb8;
	[tilespmem:$0x1D000] =	vst v63  }
0xe2: {  	s19 =	smov.u32 s18  }
0xe3: {  	p0 =	sne.s32 s18, $0x1700;
	s18 =	sadd.s32 $0x80, s18;
	_ =	swait.ge [sflag:s16], $0x2000  }
0xe4: {  	[sflag:s16] =	ssyncset.done $0x0  }
0xe5: {  	s20 =	sadd.s32 s19, s14;
	[sflag:s16] =	ssyncadd.s32 $0xFFFFE000  }
0xe6: {  	[tilespmem:s5], [sflag:$0x6] =	stream.linear.gather [hbm4b:s20+s1], $0x200, $0x38;
	[tilespmem:$0x1D000] =	vst v63  }
0xe7: {  	s20 =	sadd.s32 s19, s15  }
0xe8: {  	[tilespmem:s6], [sflag:$0x6] =	stream.linear.gather [hbm4b:s20+s1], $0x200, $0x38;
	[tilespmem:$0x1D000] =	vst v63  }
0xe9: {  	_ =	swait.ge [sflag:s7], $0x200  }
0xea: {  	[sflag:s7] =	ssyncset.done $0x0  }
0xeb: {  	[sflag:s7] =	ssyncadd.s32 $0xFFFFFE00  }
0xec: {  	_ =	swait.ge [sflag:s7], $0x200  }
0xed: {  	[sflag:s7] =	ssyncset.done $0x0  }
0xee: {  	[sflag:s7] =	ssyncadd.s32 $0xFFFFFE00  }
0xef: {  	[tilespmem:s8], [sflag:$0x2] =	stream.indirect.gather [hbm4b:s28+s3], $0x10, s5, s3, $0xb8;
	[tilespmem:$0x1D000] =	vst v63  }
0xf0: {  	_ =	swait.ge [sflag:s9], $0x2000  }
0xf1: {  	[sflag:s9] =	ssyncset.done $0x0  }
0xf2: {  	[sflag:s9] =	ssyncadd.s32 $0xFFFFE000  }
0xf3: {  	[spmem:s24] =	stream.indirect.scatter.add.f32 [tilespmem:s0], [sflag:$0x3], $0x10, s3, s3, $0xb8;
	[tilespmem:$0x1D000] =	vst v63  }
0xf4: {  	_ =	swait.ge [sflag:s12], $0x2000  }
0xf5: {  	[sflag:s12] =	ssyncset.done $0x0  }
0xf6: {  	s20 =	sadd.s32 s19, s10;
	[sflag:s12] =	ssyncadd.s32 $0xFFFFE000  }
0xf7: {  	[tilespmem:s1], [sflag:$0x5] =	stream.linear.gather [hbm4b:s20+s1], $0x200, $0x38;
	[tilespmem:$0x1D000] =	vst v63  }
0xf8: {  	s19 =	sadd.s32 s19, s11  }
0xf9: {  	[tilespmem:s3], [sflag:$0x5] =	stream.linear.gather [hbm4b:s19+s1], $0x200, $0x38;
	[tilespmem:$0x1D000] =	vst v63  }
0xfa: {  	_ =	swait.ge [sflag:s4], $0x200  }
0xfb: {  	[sflag:s4] =	ssyncset.done $0x0  }
0xfc: {  	[sflag:s4] =	ssyncadd.s32 $0xFFFFFE00  }
0xfd: {  	_ =	swait.ge [sflag:s4], $0x200  }
0xfe: {  	[sflag:s4] =	ssyncset.done $0x0  }
.Ltmp1:
0xff: {  	[sflag:s4] =	ssyncadd.s32 $0xFFFFFE00;
	(pc) =	sbr.rel @p0 .LBB2_4-.Ltmp1, $4  }
0x100: {  	[tilespmem:s0], [sflag:$0x1] =	stream.indirect.gather [hbm4b:s28+s3], $0x10, s1, s3, $0xb8;
	[tilespmem:$0x1D000] =	vst v63  }
0x101: {  	_ =	swait.ge [sflag:s13], $0x2000  }
0x102: {  	[sflag:s13] =	ssyncset.done $0x0  }
0x103: {  	[sflag:s13] =	ssyncadd.s32 $0xFFFFE000  }
0x104: {  	[spmem:s24] =	stream.indirect.scatter.add.f32 [tilespmem:s8], [sflag:$0x4], $0x10, s6, s3, $0xb8;
	[tilespmem:$0x1D000] =	vst v63  }
0x105: {  	_ =	swait.ge [sflag:s16], $0x2000  }
0x106: {  	[sflag:s16] =	ssyncset.done $0x0  }
0x107: {  	s18 =	rddreg [dreg:$0x9];
	[sflag:s16] =	ssyncadd.s32 $0xFFFFE000  }
0x108: {  	[tilespmem:s5], [sflag:$0x6] =	stream.linear.gather [hbm4b:s18+s1], $0x200, $0x38;
	[tilespmem:$0x1D000] =	vst v63  }
0x109: {  	s20 =	rddreg [dreg:$0xa]  }
0x10a: {  	[tilespmem:s6], [sflag:$0x6] =	stream.linear.gather [hbm4b:s20+s1], $0x200, $0x38;
	[tilespmem:$0x1D000] =	vst v63  }
0x10b: {  	_ =	swait.ge [sflag:s7], $0x200  }
0x10c: {  	[sflag:s7] =	ssyncset.done $0x0  }
0x10d: {  	[sflag:s7] =	ssyncadd.s32 $0xFFFFFE00  }
0x10e: {  	_ =	swait.ge [sflag:s7], $0x200  }
0x10f: {  	[sflag:s7] =	ssyncset.done $0x0  }
0x110: {  	[sflag:s7] =	ssyncadd.s32 $0xFFFFFE00  }
0x111: {  	[tilespmem:s8], [sflag:$0x2] =	stream.indirect.gather [hbm4b:s28+s3], $0x10, s5, s3, $0xb8;
	[tilespmem:$0x1D000] =	vst v63  }
0x112: {  	_ =	swait.ge [sflag:s9], $0x2000  }
0x113: {  	[sflag:s9] =	ssyncset.done $0x0  }
0x114: {  	[sflag:s9] =	ssyncadd.s32 $0xFFFFE000  }
0x115: {  	[spmem:s24] =	stream.indirect.scatter.add.f32 [tilespmem:s0], [sflag:$0x3], $0x10, s3, s3, $0xb8;
	[tilespmem:$0x1D000] =	vst v63  }
0x116: {  	_ =	swait.ge [sflag:s13], $0x2000  }
0x117: {  	[sflag:s13] =	ssyncset.done $0x0  }
0x118: {  	[sflag:s13] =	ssyncadd.s32 $0xFFFFE000  }
0x119: {  	[spmem:s24] =	stream.indirect.scatter.add.f32 [tilespmem:s8], [sflag:$0x4], $0x10, s6, s3, $0xb8;
	[tilespmem:$0x1D000] =	vst v63  }
0x11a: {  	_ =	swait.ge [sflag:s12], $0x2000  }
0x11b: {  	[sflag:s12] =	ssyncset.done $0x0  }
0x11c: {  	[sflag:s12] =	ssyncadd.s32 $0xFFFFE000  }
0x11d: {  	_ =	swait.ge [sflag:s16], $0x2000  }
0x11e: {  	[sflag:s16] =	ssyncset.done $0x0  }
0x11f: {  	[sflag:s16] =	ssyncadd.s32 $0xFFFFE000  }
0x120: {  	[bflag:$0x0] =	sbarrier.arrive $0xFFFF  }
0x121: {  	s19 =	rddreg [dreg:$0x19]  }
0x122: {  	[tilespmem:s0], [sflag:$0x7] =	stream.linear.gather [spmem:s19], $0x2000, $0x38;
	[tilespmem:$0x1D000] =	vst v63  }
0x123: {  	_ =	swait.ge [sflag:s2], $0x2000  }
0x124: {  	[sflag:s2] =	ssyncset.done $0x0  }
0x125: {  	s20 =	rddreg [dreg:$0xb];
	[sflag:s2] =	ssyncadd.s32 $0xFFFFE000  }
0x126: {  	[hbm4b:s20+s1] =	stream.linear.scatter [tilespmem:s0], [sflag:$0x1], $0x2000, $0x38;
	[tilespmem:$0x1D000] =	vst v63  }
0x127: {  	s19 =	rddreg [dreg:$0x1a]  }
0x128: {  	[tilespmem:s8], [sflag:$0x7] =	stream.linear.gather [spmem:s19], $0x2000, $0x38;
	[tilespmem:$0x1D000] =	vst v63  }
0x129: {  	_ =	swait.ge [sflag:s2], $0x2000  }
0x12a: {  	[sflag:s2] =	ssyncset.done $0x0  }
0x12b: {  	s20 =	rddreg [dreg:$0xc];
	[sflag:s2] =	ssyncadd.s32 $0xFFFFE000  }
0x12c: {  	[hbm4b:s20+s1] =	stream.linear.scatter [tilespmem:s8], [sflag:$0x2], $0x2000, $0x38;
	[tilespmem:$0x1D000] =	vst v63  }
0x12d: {  	_ =	swait.ge [sflag:s9], $0x2000  }
0x12e: {  	[sflag:s9] =	ssyncset.done $0x0  }
0x12f: {  	s19 =	rddreg [dreg:$0x1b];
	[sflag:s9] =	ssyncadd.s32 $0xFFFFE000  }
0x130: {  	[tilespmem:s0], [sflag:$0x7] =	stream.linear.gather [spmem:s19], $0x2000, $0x38;
	[tilespmem:$0x1D000] =	vst v63  }
0x131: {  	_ =	swait.ge [sflag:s2], $0x2000  }
0x132: {  	[sflag:s2] =	ssyncset.done $0x0  }
0x133: {  	s20 =	rddreg [dreg:$0xd];
	[sflag:s2] =	ssyncadd.s32 $0xFFFFE000  }
0x134: {  	[hbm4b:s20+s1] =	stream.linear.scatter [tilespmem:s0], [sflag:$0x1], $0x2000, $0x38;
	[tilespmem:$0x1D000] =	vst v63  }
0x135: {  	_ =	swait.ge [sflag:s13], $0x2000  }
0x136: {  	[sflag:s13] =	ssyncset.done $0x0  }
0x137: {  	s19 =	rddreg [dreg:$0x1c];
	[sflag:s13] =	ssyncadd.s32 $0xFFFFE000  }
0x138: {  	[tilespmem:s8], [sflag:$0x7] =	stream.linear.gather [spmem:s19], $0x2000, $0x38;
	[tilespmem:$0x1D000] =	vst v63  }
0x139: {  	_ =	swait.ge [sflag:s2], $0x2000  }
0x13a: {  	[sflag:s2] =	ssyncset.done $0x0  }
0x13b: {  	s20 =	rddreg [dreg:$0xe];
	[sflag:s2] =	ssyncadd.s32 $0xFFFFE000  }
0x13c: {  	[hbm4b:s20+s1] =	stream.linear.scatter [tilespmem:s8], [sflag:$0x2], $0x2000, $0x38;
	[tilespmem:$0x1D000] =	vst v63  }
0x13d: {  	_ =	swait.ge [sflag:s9], $0x2000  }
0x13e: {  	[sflag:s9] =	ssyncset.done $0x0  }
0x13f: {  	s19 =	rddreg [dreg:$0x1d];
	[sflag:s9] =	ssyncadd.s32 $0xFFFFE000  }
0x140: {  	[tilespmem:s0], [sflag:$0x7] =	stream.linear.gather [spmem:s19], $0x2000, $0x38;
	[tilespmem:$0x1D000] =	vst v63  }
0x141: {  	_ =	swait.ge [sflag:s2], $0x2000  }
0x142: {  	[sflag:s2] =	ssyncset.done $0x0  }
0x143: {  	s20 =	rddreg [dreg:$0xf];
	[sflag:s2] =	ssyncadd.s32 $0xFFFFE000  }
0x144: {  	[hbm4b:s20+s1] =	stream.linear.scatter [tilespmem:s0], [sflag:$0x1], $0x2000, $0x38;
	[tilespmem:$0x1D000] =	vst v63  }
0x145: {  	_ =	swait.ge [sflag:s13], $0x2000  }
0x146: {  	[sflag:s13] =	ssyncset.done $0x0  }
0x147: {  	s19 =	rddreg [dreg:$0x1e];
	[sflag:s13] =	ssyncadd.s32 $0xFFFFE000  }
0x148: {  	[tilespmem:s8], [sflag:$0x7] =	stream.linear.gather [spmem:s19], $0x2000, $0x38;
	[tilespmem:$0x1D000] =	vst v63  }
0x149: {  	_ =	swait.ge [sflag:s2], $0x2000  }
0x14a: {  	[sflag:s2] =	ssyncset.done $0x0  }
0x14b: {  	s20 =	rddreg [dreg:$0x10];
	[sflag:s2] =	ssyncadd.s32 $0xFFFFE000  }
0x14c: {  	[hbm4b:s20+s1] =	stream.linear.scatter [tilespmem:s8], [sflag:$0x2], $0x2000, $0x38;
	[tilespmem:$0x1D000] =	vst v63  }
0x14d: {  	_ =	swait.ge [sflag:s9], $0x2000  }
0x14e: {  	[sflag:s9] =	ssyncset.done $0x0  }
0x14f: {  	s19 =	rddreg [dreg:$0x1f];
	[sflag:s9] =	ssyncadd.s32 $0xFFFFE000  }
0x150: {  	[tilespmem:s0], [sflag:$0x7] =	stream.linear.gather [spmem:s19], $0x2000, $0x38;
	[tilespmem:$0x1D000] =	vst v63  }
0x151: {  	_ =	swait.ge [sflag:s2], $0x2000  }
0x152: {  	[sflag:s2] =	ssyncset.done $0x0  }
0x153: {  	s20 =	rddreg [dreg:$0x11];
	[sflag:s2] =	ssyncadd.s32 $0xFFFFE000  }
0x154: {  	[hbm4b:s20+s1] =	stream.linear.scatter [tilespmem:s0], [sflag:$0x1], $0x2000, $0x38;
	[tilespmem:$0x1D000] =	vst v63  }
0x155: {  	_ =	swait.ge [sflag:s13], $0x2000  }
0x156: {  	s19 =	sld [smem:$0x7F4]  }
0x157: {  	[sflag:s13] =	ssyncset.done $0x0  }
0x158: {  	[sflag:s13] =	ssyncadd.s32 $0xFFFFE000  }
0x159: {  	[tilespmem:s8], [sflag:$0x7] =	stream.linear.gather [spmem:s19], $0x2000, $0x38;
	[tilespmem:$0x1D000] =	vst v63  }
0x15a: {  	_ =	swait.ge [sflag:s2], $0x2000  }
0x15b: {  	[sflag:s2] =	ssyncset.done $0x0  }
0x15c: {  	s20 =	rddreg [dreg:$0x12];
	[sflag:s2] =	ssyncadd.s32 $0xFFFFE000  }
0x15d: {  	[hbm4b:s20+s1] =	stream.linear.scatter [tilespmem:s8], [sflag:$0x2], $0x2000, $0x38;
	[tilespmem:$0x1D000] =	vst v63  }
0x15e: {  	_ =	swait.ge [sflag:s9], $0x2000  }
0x15f: {  	s19 =	sld [smem:$0x7F5]  }
0x160: {  	[sflag:s9] =	ssyncset.done $0x0  }
0x161: {  	[sflag:s9] =	ssyncadd.s32 $0xFFFFE000  }
0x162: {  	[tilespmem:s0], [sflag:$0x7] =	stream.linear.gather [spmem:s19], $0x2000, $0x38;
	[tilespmem:$0x1D000] =	vst v63  }
0x163: {  	_ =	swait.ge [sflag:s2], $0x2000  }
0x164: {  	[sflag:s2] =	ssyncset.done $0x0  }
0x165: {  	s20 =	rddreg [dreg:$0x13];
	[sflag:s2] =	ssyncadd.s32 $0xFFFFE000  }
0x166: {  	[hbm4b:s20+s1] =	stream.linear.scatter [tilespmem:s0], [sflag:$0x1], $0x2000, $0x38;
	[tilespmem:$0x1D000] =	vst v63  }
0x167: {  	_ =	swait.ge [sflag:s13], $0x2000  }
0x168: {  	s19 =	sld [smem:$0x7F6]  }
0x169: {  	[sflag:s13] =	ssyncset.done $0x0  }
0x16a: {  	[sflag:s13] =	ssyncadd.s32 $0xFFFFE000  }
0x16b: {  	[tilespmem:s8], [sflag:$0x7] =	stream.linear.gather [spmem:s19], $0x2000, $0x38;
	[tilespmem:$0x1D000] =	vst v63  }
0x16c: {  	_ =	swait.ge [sflag:s2], $0x2000  }
0x16d: {  	[sflag:s2] =	ssyncset.done $0x0  }
0x16e: {  	s20 =	rddreg [dreg:$0x14];
	[sflag:s2] =	ssyncadd.s32 $0xFFFFE000  }
0x16f: {  	[hbm4b:s20+s1] =	stream.linear.scatter [tilespmem:s8], [sflag:$0x2], $0x2000, $0x38;
	[tilespmem:$0x1D000] =	vst v63  }
0x170: {  	_ =	swait.ge [sflag:s9], $0x2000  }
0x171: {  	s19 =	sld [smem:$0x7F7]  }
0x172: {  	[sflag:s9] =	ssyncset.done $0x0  }
0x173: {  	[sflag:s9] =	ssyncadd.s32 $0xFFFFE000  }
0x174: {  	[tilespmem:s0], [sflag:$0x7] =	stream.linear.gather [spmem:s19], $0x2000, $0x38;
	[tilespmem:$0x1D000] =	vst v63  }
0x175: {  	_ =	swait.ge [sflag:s2], $0x2000  }
0x176: {  	[sflag:s2] =	ssyncset.done $0x0  }
0x177: {  	s20 =	rddreg [dreg:$0x15];
	[sflag:s2] =	ssyncadd.s32 $0xFFFFE000  }
0x178: {  	[hbm4b:s20+s1] =	stream.linear.scatter [tilespmem:s0], [sflag:$0x1], $0x2000, $0x38;
	[tilespmem:$0x1D000] =	vst v63  }
0x179: {  	_ =	swait.ge [sflag:s13], $0x2000  }
0x17a: {  	s19 =	sld [smem:$0x7F8]  }
0x17b: {  	[sflag:s13] =	ssyncset.done $0x0  }
0x17c: {  	[sflag:s13] =	ssyncadd.s32 $0xFFFFE000  }
0x17d: {  	[tilespmem:s8], [sflag:$0x7] =	stream.linear.gather [spmem:s19], $0x2000, $0x38;
	[tilespmem:$0x1D000] =	vst v63  }
0x17e: {  	_ =	swait.ge [sflag:s2], $0x2000  }
0x17f: {  	[sflag:s2] =	ssyncset.done $0x0  }
0x180: {  	s20 =	rddreg [dreg:$0x16];
	[sflag:s2] =	ssyncadd.s32 $0xFFFFE000  }
0x181: {  	[hbm4b:s20+s1] =	stream.linear.scatter [tilespmem:s8], [sflag:$0x2], $0x2000, $0x38;
	[tilespmem:$0x1D000] =	vst v63  }
0x182: {  	_ =	swait.ge [sflag:s9], $0x2000  }
0x183: {  	[sflag:s9] =	ssyncset.done $0x0  }
0x184: {  	[sflag:s9] =	ssyncadd.s32 $0xFFFFE000  }
0x185: {  	[tilespmem:s0], [sflag:$0x7] =	stream.linear.gather [spmem:s30], $0x800, $0x38;
	[tilespmem:$0x1D000] =	vst v63  }
0x186: {  	_ =	swait.ge [sflag:s2], $0x800  }
0x187: {  	[sflag:s2] =	ssyncset.done $0x0  }
0x188: {  	s19 =	rddreg [dreg:$0x17];
	[sflag:s2] =	ssyncadd.s32 $0xFFFFF800  }
0x189: {  	[hbm4b:s19+s1] =	stream.linear.scatter [tilespmem:s0], [sflag:$0x1], $0x800, $0x38;
	[tilespmem:$0x1D000] =	vst v63  }
0x18a: {  	_ =	swait.ge [sflag:s9], $0x800  }
0x18b: {  	[sflag:s9] =	ssyncset.done $0x0  }
0x18c: {  	[sflag:s9] =	ssyncadd.s32 $0xFFFFF800  }
0x18d: {  	_ =	swait.ge [sflag:s13], $0x2000  }
0x18e: {  	s17 =	sadd.s32 $0x1, s17;
	s20 =	rddreg [dreg:$0x18]  }
0x18f: {  	p0 =	sne.s32 s17, s20  }
.Ltmp2:
0x190: {  	_ = 	snop;
	(pc) =	sbr.rel @p0 .LBB2_1-.Ltmp2, $3  }
0x191: {  	_ =	sdelay $0x1  }
0x192: {  	[sflag:s13] =	ssyncset.done $0x0  }
0x193: {  	[sflag:s13] =	ssyncadd.s32 $0xFFFFE000  }
0x194: {  	_ =	sfence.sel $0x180000  }
0x195: {  	[bflag:$0x0] =	sbarrier.arrive $0xFFFF  }
0x196: {  	_ =	strace $0x90000047  }
0x197: {  	s0 =	stileid.u32;
	[bflag:$0x2] =	sbarrier.arrive $0xFFFF  }
0x198: {  	p0 =	sne.s32 s0, $0x0;
	s0 =	rddreg [dreg:$0x2]  }
0x199: {  	s0 =	sadd.s32 @!p0 $0x100000, s0  }
0x19a: {  	[sflag:s0] =	ssyncadd.tile.s32 @!p0 $0x1;
	_ =	shalt  }
.Lfunc_end2:
_tile_overlayer_lowered:
.L_overlay_start_2:
0x19b: {  	(tag) =	ssettag $0x2  }
0x19c: {  	s0 =	rddreg [dreg:$0x0];
	s2 =	stileid.u32  }
0x19d: {  	s1 =	rddreg [dreg:$0x1];
	p0 =	sne.s32 s2, $0x0  }
0x19e: {  	s3 =	rddreg [dreg:$0x2];
	[bflag:$0x3] =	sbarrier.arrive $0xFFFF;
	s2 =	simm.s32 @!p0 $0x1C07  }
0x19f: {  	[timem:s3], [sflag:s2] =	dma.local @!p0 [hbm:s0], s1  }
0x1a0: {  	s0 =	simm.s32 @!p0 $0x7  }
0x1a1: {  	_ =	swait.ge @!p0 [sflag:s0], s1  }
0x1a2: {  	s1 =	ssub.s32 @!p0 $0x0, s1;
	[sflag:s0] =	ssyncset.done @!p0 $0x0  }
0x1a3: {  	[sflag:s0] =	ssyncadd.s32 @!p0 s1  }
0x1a4: {  	[bflag:$0x3] =	sbarrier.arrive $0xFFFF  }
0x1a5: {  	_ =	shalt  }

// kernel: kernel.9.cloned.1.call-start
scs
__scs_entry_jumppad:
0x0: {  	(pc) =	sbr.rel $0x88, $3  }
0x1: {  	(tag) =	ssettag $0x0;
	lr =	simm.s32 $0x1  }
0x2: {  	[smem:$0x3F94] =	sst lr;
	_ =	strace $0xD0000000  }
0x3: {  	_ = 	snop  }
0x4: {  	_ = 	snop  }
0x5: {  	_ = 	snop  }
0x6: {  	_ = 	snop  }
0x7: {  	_ = 	snop  }
__scs_overlays_trampoline_lowered:
0x8: {  	[smem:$0x3FA3] =	sst s0  }
0x9: {  	[smem:$0x3FA4] =	sst s1  }
0xa: {  	[smem:$0x3FA5] =	sst s2  }
0xb: {  	[smem:$0x3FA6] =	sst s3  }
0xc: {  	[smem:$0x3FA7] =	sst s4  }
0xd: {  	[smem:$0x3FA8] =	sst s5  }
0xe: {  	[smem:$0x3FA9] =	sst s6  }
0xf: {  	[smem:$0x3FAA] =	sst s7  }
0x10: {  	[smem:$0x3FAB] =	sst s8  }
0x11: {  	[smem:$0x3FAC] =	sst s9;
	s0 =	simm.s32 @!p0 $0x0  }
0x12: {  	s1 =	sld [smem:$0x3F92];
	s0 =	simm.s32 @p0 $0x1  }
0x13: {  	[smem:$0x3FAD] =	sst s0;
	s0 =	simm.s32 @!p1 $0x0  }
0x14: {  	s2 =	sld [smem:$0x3F91];
	s0 =	simm.s32 @p1 $0x1  }
0x15: {  	[smem:$0x3FAE] =	sst s0;
	s0 =	simm.s32 @!p2 $0x0  }
0x16: {  	s3 =	sld [smem:$0x3FDB];
	s0 =	simm.s32 @p2 $0x1  }
0x17: {  	s4 =	simm.s32 $0x1BF5;
	[smem:$0x3FB0] =	sst s0  }
0x18: {  	s0 =	sld [smem:$0x3F93];
	_ =	swait.ge [sflag:s4], $0x0  }
0x19: {  	s7 =	sld [smem:$0x3F94]  }
0x1a: {  	s8 =	sadd.s32 $0xFFFFE003, lr  }
0x1b: {  	s9 =	sadd.s32 $0xFFFFFEF7, lr;
	s5 =	simm.s32 $0xFFFFFFFF;
	p2 =	slt.u32 s8, $0xFFFFF086  }
0x1c: {  	p1 =	slt.u32 s9, $0xF7A;
	s5 =	simm.s32 @!p2 $0x0  }
0x1d: {  	s5 =	simm.s32 @p1 $0x1;
	p0 =	seq.s32 s7, s2  }
0x1e: {  	s7 =	smul.u32 @!p0 $0xF7A, s2;
	p2 =	seq.s32 @!p0 s5, $0x0  }
0x1f: {  	s9 =	smul.u32 $0xF7A, s1;
	s8 =	simm.s32 @!p0 $0x1BF5;
	p2 =	por !p2, p0  }
0x20: {  	[sflag:s8] =	ssyncset.s32 @!p0 $0xFFFFF086;
	s6 =	sadd.s32 @!p0 s3, s7;
	s7 =	simm.s32 @!p0 $0x108  }
0x21: {  	s3 =	sadd.s32 s3, s9;
	s6 =	sadd.s32 @!p0 $0x88, s6;
	s7 =	simm.s32 @p2 $0x1082  }
0x22: {  	[simem:s7], [sflag:s8] =	dma.local @!p0 [hbm:s6], $0xF7A  }
0x23: {  	s9 =	sor.u32 $0xD0000000, s2;
	s6 =	simm.s32 $0x108;
	_ =	swait.ge @!p0 [sflag:s8], $0x0  }
0x24: {  	s3 =	sadd.s32 $0x88, s3;
	s6 =	simm.s32 @!p1 $0x1082;
	[sflag:s4] =	ssyncset.s32 $0xFFFFF086  }
0x25: {  	[simem:s6], [sflag:s4] =	dma.local [hbm:s3], $0xF7A  }
0x26: {  	[smem:$0x3F94] =	sst s1;
	(tag) =	ssettag s2;
	_ =	strace s9  }
0x27: {  	s1 =	sld [smem:$0x3FA4]  }
0x28: {  	s2 =	sld [smem:$0x3FA5]  }
0x29: {  	s4 =	sld [smem:$0x3FA7]  }
0x2a: {  	p0 =	seq.s32 s5, $0x0;
	s5 =	sld [smem:$0x3FA8]  }
0x2b: {  	s6 =	sld [smem:$0x3FA9]  }
0x2c: {  	s7 =	sld [smem:$0x3FAA]  }
0x2d: {  	s3 =	simm.s32 $0x108;
	s8 =	sld [smem:$0x3FAB]  }
0x2e: {  	s3 =	simm.s32 @!p0 $0x1082;
	s9 =	sld [smem:$0x3FAC]  }
0x2f: {  	lr =	sadd.s32 s0, s3;
	s0 =	sld [smem:$0x3FA3]  }
0x30: {  	s3 =	sld [smem:$0x3FA6]  }
0x31: {  	[smem:$0x3FAF] =	sst s10  }
0x32: {  	s10 =	sld [smem:$0x3FAD];
	_ =	sdelay $0x3  }
0x33: {  	p0 =	seq.s32 s10, $0x1;
	s10 =	sld [smem:$0x3FAF];
	_ =	sdelay $0x3  }
0x34: {  	[smem:$0x3FAF] =	sst s10  }
0x35: {  	s10 =	sld [smem:$0x3FAE];
	_ =	sdelay $0x3  }
0x36: {  	p1 =	seq.s32 s10, $0x1;
	s10 =	sld [smem:$0x3FAF];
	_ =	sdelay $0x3  }
0x37: {  	[smem:$0x3FAF] =	sst s10  }
0x38: {  	s10 =	sld [smem:$0x3FB0]  }
0x39: {  	_ = 	snop;
	(pc) =	sbr.ind lr, $3  }
0x3a: {  	_ = 	snop  }
0x3b: {  	_ = 	snop  }
0x3c: {  	p2 =	seq.s32 s10, $0x1;
	s10 =	sld [smem:$0x3FAF]  }
0x3d: {  	_ =	shalt  }
0x3e: {  	_ =	shalt  }
0x3f: {  	_ =	shalt  }
0x40: {  	_ =	shalt  }
0x41: {  	_ =	shalt  }
0x42: {  	_ =	shalt  }
0x43: {  	_ =	shalt  }
0x44: {  	_ =	shalt  }
0x45: {  	_ =	shalt  }
0x46: {  	_ =	shalt  }
0x47: {  	_ =	shalt  }
0x48: {  	_ =	shalt  }
0x49: {  	_ =	shalt  }
0x4a: {  	_ =	shalt  }
0x4b: {  	_ =	shalt  }
0x4c: {  	_ =	shalt  }
0x4d: {  	_ =	shalt  }
0x4e: {  	_ =	shalt  }
0x4f: {  	_ =	shalt  }
0x50: {  	_ =	shalt  }
0x51: {  	_ =	shalt  }
0x52: {  	_ =	shalt  }
0x53: {  	_ =	shalt  }
0x54: {  	_ =	shalt  }
0x55: {  	_ =	shalt  }
0x56: {  	_ =	shalt  }
0x57: {  	_ =	shalt  }
0x58: {  	_ =	shalt  }
0x59: {  	_ =	shalt  }
0x5a: {  	_ =	shalt  }
0x5b: {  	_ =	shalt  }
0x5c: {  	_ =	shalt  }
0x5d: {  	_ =	shalt  }
0x5e: {  	_ =	shalt  }
0x5f: {  	_ =	shalt  }
0x60: {  	_ =	shalt  }
0x61: {  	_ =	shalt  }
0x62: {  	_ =	shalt  }
0x63: {  	_ =	shalt  }
0x64: {  	_ =	shalt  }
0x65: {  	_ =	shalt  }
0x66: {  	_ =	shalt  }
0x67: {  	_ =	shalt  }
0x68: {  	_ =	shalt  }
0x69: {  	_ =	shalt  }
0x6a: {  	_ =	shalt  }
0x6b: {  	_ =	shalt  }
0x6c: {  	_ =	shalt  }
0x6d: {  	_ =	shalt  }
0x6e: {  	_ =	shalt  }
0x6f: {  	_ =	shalt  }
0x70: {  	_ =	shalt  }
0x71: {  	_ =	shalt  }
0x72: {  	_ =	shalt  }
0x73: {  	_ =	shalt  }
0x74: {  	_ =	shalt  }
0x75: {  	_ =	shalt  }
0x76: {  	_ =	shalt  }
0x77: {  	_ =	shalt  }
0x78: {  	_ =	shalt  }
0x79: {  	_ =	shalt  }
0x7a: {  	_ =	shalt  }
0x7b: {  	_ =	shalt  }
0x7c: {  	_ =	shalt  }
0x7d: {  	_ =	shalt  }
0x7e: {  	_ =	shalt  }
0x7f: {  	_ =	shalt  }
0x80: {  	_ =	shalt  }
0x81: {  	_ =	shalt  }
0x82: {  	_ =	shalt  }
0x83: {  	_ =	shalt  }
0x84: {  	_ =	shalt  }
0x85: {  	_ =	shalt  }
0x86: {  	_ =	shalt  }
0x87: {  	_ =	shalt  }
.Lfunc_end0:
.L_simem_size_0:
called_computation.1_lowered:
.L_overlay_start_0:
0x88: {  	s2 =	sld [smem:$0x3FD9]  }
0x89: {  	s3 =	sld [smem:$0x3FFE];
	_ =	sdelay $0x1  }
0x8a: {  	s1 =	srdreg.scid  }
0x8b: {  	s0 =	sand.u32 $0x1, s1  }
0x8c: {  	s16 =	sshll.u32 s0, $0xA;
	s2 =	sadd.s32 s3, s2  }
0x8d: {  	s2 =	sadd.s32 s2, s16  }
0x8e: {  	[smem:$0x3FBB] =	sst s2  }
0x8f: {  	_ = 	snop  }
0x90: {  	(tm) =	ssettm $0x1  }
0x91: {  	s17 =	sld [smem:$0x3FFB];
	_ =	sdelay $0x3  }
0x92: {  	_ =	strace s17  }
0x93: {  	s2 =	sld [smem:$0x3FFC];
	_ =	sdelay $0x3  }
0x94: {  	_ =	strace s2  }
0x95: {  	s2 =	sld [smem:$0x3FFD];
	_ =	sdelay $0x3  }
0x96: {  	_ =	strace s2  }
0x97: {  	_ =	strace $0x8FFFFFFF  }
0x98: {  	s18 =	sld [smem:$0x3FDB];
	_ =	sdelay $0x1  }
0x99: {  	s19 =	simm.s32 $_scs_section_size  }
0x9a: {  	s4 =	simm.s32 $_size__tile_overlayer_lowered;
	s5 =	simm.s32 $_tile_overlayer_lowered  }
0x9b: {  	s22 =	simm.s32 $0x1BFF;
	s21 =	sshll.u32 s5, $0x1;
	s2 =	sadd.s32 s19, s18  }
0x9c: {  	s6 =	simm.s32 $0x0;
	s20 =	sshll.u32 s4, $0x1;
	s4 =	sadd.s32 s21, s2  }
0x9d: {  	[timem:s6], [sflag:s22] =	dma.local [hbm:s4], s20  }
0x9e: {  	_ =	swait.ge [sflag:s22], s20  }
0x9f: {  	s3 =	ssub.s32 $0x0, s20;
	[sflag:s22] =	ssyncset.done $0x0  }
0xa0: {  	[sflag:s22] =	ssyncadd.s32 s3;
	_ =	sdelay $0x1  }
0xa1: {  	s23 =	simm.s32 $0x1B8B  }
0xa2: {  	_ =	swait.ge [sflag:s23], $0x1  }
0xa3: {  	[sflag:s23] =	ssyncset.done $0x0  }
0xa4: {  	s25 =	simm.s32 $0x1B8E;
	s24 =	sld [smem:$0x3FFE];
	[sflag:s23] =	ssyncadd.s32 $0xFFFFFFFF  }
0xa5: {  	s26 =	simm.s32 $execute0_lowered;
	[smem:$0x3FD2] =	sst s25  }
0xa6: {  	s4 =	sshll.u32 s26, $0x1;
	_ =	strace $0x80000049;
	[dreg:$0x1] =	wrdreg $0xFFFFFFFF  }
0xa7: {  	s28 =	simm.s32 $_size_execute0_lowered;
	s2 =	sadd.s32 s2, s4;
	[dreg:$0x0] =	wrdreg $0x0  }
0xa8: {  	s4 =	sshll.u32 s28, $0x1;
	[dreg:$0x2] =	wrdreg s2  }
0xa9: {  	[dreg:$0x3] =	wrdreg s4  }
0xaa: {  	[dreg:$0x4] =	wrdreg $0xC0  }
0xab: {  	_ =	task [dreg:s6], $0x5FFFF  }
0xac: {  	[dreg:$0x1] =	wrdreg $0xFFFFFFFF  }
0xad: {  	[dreg:$0x0] =	wrdreg $0x60  }
0xae: {  	[dreg:$0x2] =	wrdreg s24  }
0xaf: {  	[dreg:$0x3] =	wrdreg $0x48000  }
0xb0: {  	[dreg:$0x4] =	wrdreg $0x9  }
0xb1: {  	_ =	task.clear_ibuf [dreg:s6], $0x5FFFF;
	_ =	strace $0x90000049  }
0xb2: {  	s29 =	simm.s32 $0x9;
	_ =	strace $0x8000004B  }
0xb3: {  	_ =	swait.ge [sflag:s29], $0x1  }
0xb4: {  	[sflag:s29] =	ssyncadd.s32 $0xFFFFFFFF  }
0xb5: {  	_ =	strace $0x9000004B  }
0xb6: {  	_ =	sfence  }
0xb7: {  	s30 =	sld [smem:$0x0];
	_ =	sdelay $0x2  }
0xb8: {  	s31 =	sshll.u32 s1, $0xD;
	s1 =	sshrl.u32 s1, $0x2  }
0xb9: {  	s3 =	sand.u32 $0x4000, s31;
	s1 =	sadd.s32 s1, s30  }
0xba: {  	s0 =	sor.u32 s3, s0;
	s1 =	sshll.u32 s1, $0x11  }
0xbb: {  	s0 =	sor.u32 s1, s0  }
0xbc: {  	s0 =	sadd.s32 $0x8F2B, s0  }
0xbd: {  	[sflag:s0] =	ssyncadd.remote.s32 $0x1  }
0xbe: {  	_ =	sfence.sel $0xFFFF  }
0xbf: {  	[dreg:$0x0] =	wrdreg $0xFFFFFFFF;
	(pc) =	sbr.abs _section_cstart, $3  }
0xc0: {  	[dreg:$0x1] =	wrdreg $0xFFFFFFFF  }
0xc1: {  	_ =	task.clear_ibuf [dreg:s6], $0x2FFFF;
	_ =	strace $0x9FFFFFFF  }
0xc2: {  	(tm) =	ssettm $0x7FFFFFFF  }
0xc3: {  	_ =	shalt  }
tec
execute0_lowered:
.L_overlay_start_1:
0x0: {  	(tag) =	ssettag $0x1  }
0x1: {  	s0 =	rddreg [dreg:$0x0];
	s22 =	stileid.u32  }
0x2: {  	s1 =	simm.s32 $0x0;
	s2 =	srdreg.scid;
	s7 =	smul.u32 $0x1880, s22  }
0x3: {  	[smem:$0x7FF] =	sst s1;
	s4 =	sand.u32 $0x1, s2;
	s18 =	smul.u32 $0xC4, s22  }
0x4: {  	s5 =	sadd.s32 $0x34600, s0;
	s3 =	sshll.u32 s22, $0x1;
	s2 =	smul.u32 $0x31000, s4  }
0x5: {  	s6 =	ssub.s32 $0x2, s4;
	s3 =	sor.u32 s4, s3;
	s4 =	smul.u32 $0x62, s4  }
0x6: {  	s8 =	sadd.s32 $0x65600, s0;
	s28 =	sadd.s32 $0x3600, s0;
	s10 =	smul.u32 $0x1880, s3  }
0x7: {  	s9 =	sshrl.u32 s6, $0x1;
	s3 =	smul.u32 $0x31000, s22;
	s11 =	sadd.s32 s2, s0  }
0x8: {  	s2 =	ssub.s32 s6, s9;
	s6 =	sadd.s32 $0x200, s7;
	s4 =	sadd.s32 s4, s18  }
0x9: {  	s13 =	sadd.s32 s5, s10;
	s14 =	sadd.s32 s8, s10;
	s15 =	sor.u32 $0x40, s10  }
0xa: {  	s12 =	sadd.s32 $0x96600, s11;
	s17 =	sadd.s32 $0x80, s10;
	s19 =	sshrl.u32 s3, $0x4  }
0xb: {  	s20 =	sshll.u32 s6, $0x1;
	s10 =	sadd.s32 $0x1840, s10;
	[dreg:$0x3] =	wrdreg s13  }
0xc: {  	s4 =	sshll.u32 s4, $0x6;
	[dreg:$0x4] =	wrdreg s14;
	s16 =	sadd.s32 s5, s15  }
0xd: {  	s18 =	sadd.s32 $0x10000, s3;
	s9 =	sadd.s32 s8, s15;
	[dreg:$0x5] =	wrdreg s16  }
0xe: {  	s13 =	sadd.s32 s5, s17;
	s14 =	sadd.s32 s5, s10;
	[dreg:$0x6] =	wrdreg s9  }
0xf: {  	s10 =	sadd.s32 s8, s10;
	s15 =	sadd.s32 $0xA00, s7;
	[dreg:$0x7] =	wrdreg s13  }
0x10: {  	s21 =	sadd.s32 $0x100, s4;
	s23 =	sadd.s32 s20, s12;
	[dreg:$0x9] =	wrdreg s14  }
0x11: {  	s9 =	sadd.s32 s8, s17;
	[dreg:$0xa] =	wrdreg s10;
	s14 =	sadd.s32 $0x600, s7  }
0x12: {  	s16 =	sadd.s32 $0xE00, s7;
	s17 =	sadd.s32 $0x80, s4;
	[dreg:$0xc] =	wrdreg s23  }
0x13: {  	s10 =	sadd.s32 s21, s5;
	s11 =	sadd.s32 s21, s8;
	[dreg:$0x8] =	wrdreg s9  }
0x14: {  	s4 =	sadd.s32 s17, s5;
	s5 =	sadd.s32 s17, s8;
	s8 =	sadd.s32 $0x1200, s7  }
0x15: {  	s7 =	sadd.s32 $0x1600, s7;
	s9 =	sadd.s32 s19, s12;
	s25 =	sshll.u32 s14, $0x1  }
0x16: {  	s17 =	sshrl.u32 s18, $0x4;
	[dreg:$0xb] =	wrdreg s9;
	s9 =	sadd.s32 $0x8000, s3  }
0x17: {  	s19 =	sshll.u32 s15, $0x1;
	s26 =	sadd.s32 s25, s12;
	s24 =	sshrl.u32 s9, $0x4  }
0x18: {  	[dreg:$0xe] =	wrdreg s26;
	s26 =	smul.u32 $0x62000, s22;
	s13 =	sadd.s32 s24, s12  }
0x19: {  	[dreg:$0xd] =	wrdreg s13;
	s13 =	sadd.s32 s17, s12;
	s17 =	sadd.s32 $0x18000, s3  }
0x1a: {  	[dreg:$0xf] =	wrdreg s13;
	s13 =	sadd.s32 s19, s12;
	s20 =	sshrl.u32 s17, $0x4  }
0x1b: {  	s19 =	sshll.u32 s16, $0x1;
	[dreg:$0x10] =	wrdreg s13;
	s13 =	sadd.s32 s20, s12  }
0x1c: {  	s22 =	sshrl.u32 s3, $0x1;
	s21 =	sadd.s32 s19, s12;
	[dreg:$0x11] =	wrdreg s13  }
0x1d: {  	s26 =	sshrl.u32 s26, $0x2;
	s20 =	sshll.u32 s8, $0x1;
	[dreg:$0x12] =	wrdreg s21  }
0x1e: {  	s13 =	sadd.s32 $0x20000, s3;
	s21 =	sadd.s32 $0x28000, s3;
	s24 =	sadd.s32 s20, s12  }
0x1f: {  	s20 =	smax.u32 s2, $0x1;
	s2 =	sshll.u32 s14, $0x4;
	s14 =	sshll.u32 s16, $0x4  }
0x20: {  	s23 =	sshrl.u32 s13, $0x4;
	[dreg:$0x14] =	wrdreg s24;
	s25 =	sshrl.u32 s21, $0x4  }
0x21: {  	s24 =	sshll.u32 s7, $0x1;
	s19 =	sadd.s32 s23, s12;
	s23 =	rddreg [dreg:$0x1]  }
0x22: {  	s16 =	sshrl.u32 s13, $0x1;
	s24 =	sadd.s32 s24, s12;
	[dreg:$0x13] =	wrdreg s19  }
0x23: {  	s13 =	simm.s32 $0x2;
	s19 =	sadd.s32 s25, s12;
	[dreg:$0x16] =	wrdreg s24  }
0x24: {  	s29 =	sadd.s32 s26, s23;
	s24 =	sshll.u32 s6, $0x4;
	s0 =	sadd.s32 s22, s23  }
0x25: {  	s26 =	sshrl.u32 s9, $0x1;
	[dreg:$0x15] =	wrdreg s19;
	s19 =	sadd.s32 $0x30000, s3  }
0x26: {  	s9 =	sshll.u32 s15, $0x4;
	s15 =	sadd.s32 s14, s23;
	s25 =	sshrl.u32 s19, $0x4  }
0x27: {  	s14 =	sadd.s32 $0x40, s4;
	s4 =	simm.s32 $0x5;
	s12 =	sadd.s32 s25, s12  }
0x28: {  	s3 =	sshrl.u32 s18, $0x1;
	s18 =	sshrl.u32 s21, $0x1;
	[dreg:$0x17] =	wrdreg s12  }
0x29: {  	s21 =	sadd.s32 $0x2000, s29;
	_ =	strace $0x8000004A;
	[dreg:$0x18] =	wrdreg s20  }
0x2a: {  	s22 =	sadd.s32 $0x4000, s29;
	s25 =	sadd.s32 s24, s23;
	[dreg:$0x19] =	wrdreg s0  }
0x2b: {  	s31 =	sadd.s32 $0x14000, s29;
	s6 =	sadd.s32 s3, s23;
	[dreg:$0x1a] =	wrdreg s25  }
0x2c: {  	s19 =	sshrl.u32 s19, $0x1;
	s3 =	simm.s32 $0x200;
	[dreg:$0x1d] =	wrdreg s6  }
0x2d: {  	s30 =	sadd.s32 s19, s23;
	s19 =	sadd.s32 s18, s23;
	[smem:$0x7F4] =	sst s15  }
0x2e: {  	s24 =	sadd.s32 $0x6000, s29;
	s12 =	sshrl.u32 s17, $0x1;
	[smem:$0x7F7] =	sst s19  }
0x2f: {  	s17 =	sshll.u32 s8, $0x4;
	s8 =	simm.s32 $0x2800;
	[smem:$0x7F9] =	sst s21  }
0x30: {  	s0 =	sadd.s32 s26, s23;
	s20 =	sshll.u32 s7, $0x4;
	[smem:$0x7FA] =	sst s22  }
0x31: {  	s15 =	sadd.s32 $0x40, s5;
	[smem:$0x7FB] =	sst s24;
	s25 =	sadd.s32 $0x8000, s29  }
0x32: {  	s26 =	sadd.s32 $0xA000, s29;
	s21 =	sadd.s32 $0xC000, s29;
	s22 =	sadd.s32 $0xE000, s29  }
0x33: {  	s24 =	sadd.s32 $0x16000, s29;
	s5 =	simm.s32 $0x400;
	[dreg:$0x1b] =	wrdreg s0  }
0x34: {  	s6 =	simm.s32 $0x600;
	s7 =	simm.s32 $0x6;
	[smem:$0x7FC] =	sst s25  }
0x35: {  	s0 =	sadd.s32 s2, s23;
	[smem:$0x7FD] =	sst s26;
	s25 =	sadd.s32 $0x10000, s29  }
0x36: {  	s26 =	sadd.s32 $0x12000, s29;
	[dreg:$0x1c] =	wrdreg s0;
	s0 =	sadd.s32 s9, s23  }
0x37: {  	s2 =	simm.s32 $0x7;
	[dreg:$0x1e] =	wrdreg s0;
	s0 =	sadd.s32 s12, s23  }
0x38: {  	s9 =	simm.s32 $0x1;
	[dreg:$0x1f] =	wrdreg s0;
	s0 =	sadd.s32 s16, s23  }
0x39: {  	s12 =	simm.s32 $0x3;
	[smem:$0x7F5] =	sst s0;
	s0 =	sadd.s32 s17, s23  }
0x3a: {  	s16 =	simm.s32 $0x4;
	[smem:$0x7F6] =	sst s0;
	s0 =	sadd.s32 s20, s23  }
0x3b: {  	v0 =	vimm.bf16 $0.0e+00;
	s17 =	simm.s32 $0x0;
	[smem:$0x7F8] =	sst s0;
	s0 =	simm.s32 $0x800  }
.LBB2_1:
0x3c: {  	s18 =	simm.s32 $0x0;
	s19 =	simm.s32 $0x400  }
.LBB2_2:
0x3d: {  	p0 =	sne.s32 s19, $0x7C00;
	[tilespmem:s18+$0x8F0] =	vst v0  }
0x3e: {  	[tilespmem:s18+$0x800] =	vst v0  }
0x3f: {  	[tilespmem:s18+$0x810] =	vst v0  }
0x40: {  	[tilespmem:s18+$0x820] =	vst v0  }
0x41: {  	[tilespmem:s18+$0x830] =	vst v0  }
0x42: {  	[tilespmem:s18+$0x840] =	vst v0  }
0x43: {  	[tilespmem:s18+$0x850] =	vst v0  }
0x44: {  	[tilespmem:s18+$0x860] =	vst v0  }
0x45: {  	[tilespmem:s18+$0x870] =	vst v0  }
0x46: {  	[tilespmem:s18+$0x880] =	vst v0  }
0x47: {  	[tilespmem:s18+$0x890] =	vst v0  }
.Ltmp0:
0x48: {  	[tilespmem:s18+$0x8A0] =	vst v0;
	(pc) =	sbr.rel @p0 .LBB2_2-.Ltmp0, $4  }
0x49: {  	[tilespmem:s18+$0x8B0] =	vst v0  }
0x4a: {  	[tilespmem:s18+$0x8C0] =	vst v0  }
0x4b: {  	[tilespmem:s18+$0x8D0] =	vst v0  }
0x4c: {  	[tilespmem:s18+$0x8E0] =	vst v0;
	s18 =	sshra.s32 s19, $0x2;
	s19 =	sadd.s32 $0x400, s19  }
0x4d: {  	[tilespmem:s18+$0x8F0] =	vst v0  }
0x4e: {  	[tilespmem:s18+$0x800] =	vst v0  }
0x4f: {  	[tilespmem:s18+$0x810] =	vst v0  }
0x50: {  	[tilespmem:s18+$0x820] =	vst v0  }
0x51: {  	[tilespmem:s18+$0x830] =	vst v0  }
0x52: {  	[tilespmem:s18+$0x840] =	vst v0  }
0x53: {  	[tilespmem:s18+$0x850] =	vst v0  }
0x54: {  	[tilespmem:s18+$0x860] =	vst v0  }
0x55: {  	[tilespmem:s18+$0x870] =	vst v0  }
0x56: {  	[tilespmem:s18+$0x880] =	vst v0  }
0x57: {  	[tilespmem:s18+$0x890] =	vst v0  }
0x58: {  	[tilespmem:s18+$0x8A0] =	vst v0  }
0x59: {  	[tilespmem:s18+$0x8B0] =	vst v0  }
0x5a: {  	[tilespmem:s18+$0x8C0] =	vst v0  }
0x5b: {  	[tilespmem:s18+$0x8D0] =	vst v0  }
0x5c: {  	[tilespmem:s18+$0x8E0] =	vst v0  }
0x5d: {  	[spmem:s29] =	stream.linear.scatter [tilespmem:s0], [sflag:$0x7], $0x2000, $0x38;
	[tilespmem:$0x1D000] =	vst v63  }
0x5e: {  	_ =	swait.ge [sflag:s2], $0x2000  }
0x5f: {  	s19 =	sld [smem:$0x7F9]  }
0x60: {  	[sflag:s2] =	ssyncset.done $0x0  }
0x61: {  	[sflag:s2] =	ssyncadd.s32 $0xFFFFE000  }
0x62: {  	[spmem:s19] =	stream.linear.scatter [tilespmem:s0], [sflag:$0x7], $0x2000, $0x38;
	[tilespmem:$0x1D000] =	vst v63  }
0x63: {  	_ =	swait.ge [sflag:s2], $0x2000  }
0x64: {  	s20 =	sld [smem:$0x7FA]  }
0x65: {  	[sflag:s2] =	ssyncset.done $0x0  }
0x66: {  	[sflag:s2] =	ssyncadd.s32 $0xFFFFE000  }
0x67: {  	[spmem:s20] =	stream.linear.scatter [tilespmem:s0], [sflag:$0x7], $0x2000, $0x38;
	[tilespmem:$0x1D000] =	vst v63  }
0x68: {  	_ =	swait.ge [sflag:s2], $0x2000  }
0x69: {  	s19 =	sld [smem:$0x7FB]  }
0x6a: {  	[sflag:s2] =	ssyncset.done $0x0  }
0x6b: {  	[sflag:s2] =	ssyncadd.s32 $0xFFFFE000  }
0x6c: {  	[spmem:s19] =	stream.linear.scatter [tilespmem:s0], [sflag:$0x7], $0x2000, $0x38;
	[tilespmem:$0x1D000] =	vst v63  }
0x6d: {  	_ =	swait.ge [sflag:s2], $0x2000  }
0x6e: {  	s20 =	sld [smem:$0x7FC]  }
0x6f: {  	[sflag:s2] =	ssyncset.done $0x0  }
0x70: {  	[sflag:s2] =	ssyncadd.s32 $0xFFFFE000  }
0x71: {  	[spmem:s20] =	stream.linear.scatter [tilespmem:s0], [sflag:$0x7], $0x2000, $0x38;
	[tilespmem:$0x1D000] =	vst v63  }
0x72: {  	_ =	swait.ge [sflag:s2], $0x2000  }
0x73: {  	s19 =	sld [smem:$0x7FD]  }
0x74: {  	[sflag:s2] =	ssyncset.done $0x0  }
0x75: {  	[sflag:s2] =	ssyncadd.s32 $0xFFFFE000  }
0x76: {  	[spmem:s19] =	stream.linear.scatter [tilespmem:s0], [sflag:$0x7], $0x2000, $0x38;
	[tilespmem:$0x1D000] =	vst v63  }
0x77: {  	_ =	swait.ge [sflag:s2], $0x2000  }
0x78: {  	[sflag:s2] =	ssyncset.done $0x0  }
0x79: {  	[sflag:s2] =	ssyncadd.s32 $0xFFFFE000  }
0x7a: {  	[spmem:s21] =	stream.linear.scatter [tilespmem:s0], [sflag:$0x7], $0x2000, $0x38;
	[tilespmem:$0x1D000] =	vst v63  }
0x7b: {  	_ =	swait.ge [sflag:s2], $0x2000  }
0x7c: {  	[sflag:s2] =	ssyncset.done $0x0  }
0x7d: {  	[sflag:s2] =	ssyncadd.s32 $0xFFFFE000  }
0x7e: {  	[spmem:s22] =	stream.linear.scatter [tilespmem:s0], [sflag:$0x7], $0x2000, $0x38;
	[tilespmem:$0x1D000] =	vst v63  }
0x7f: {  	_ =	swait.ge [sflag:s2], $0x2000  }
0x80: {  	[sflag:s2] =	ssyncset.done $0x0  }
0x81: {  	[sflag:s2] =	ssyncadd.s32 $0xFFFFE000  }
0x82: {  	[spmem:s25] =	stream.linear.scatter [tilespmem:s0], [sflag:$0x7], $0x2000, $0x38;
	[tilespmem:$0x1D000] =	vst v63  }
0x83: {  	_ =	swait.ge [sflag:s2], $0x2000  }
0x84: {  	[sflag:s2] =	ssyncset.done $0x0  }
0x85: {  	[sflag:s2] =	ssyncadd.s32 $0xFFFFE000  }
0x86: {  	[spmem:s26] =	stream.linear.scatter [tilespmem:s0], [sflag:$0x7], $0x2000, $0x38;
	[tilespmem:$0x1D000] =	vst v63  }
0x87: {  	_ =	swait.ge [sflag:s2], $0x2000  }
0x88: {  	[sflag:s2] =	ssyncset.done $0x0  }
0x89: {  	[sflag:s2] =	ssyncadd.s32 $0xFFFFE000  }
0x8a: {  	[spmem:s31] =	stream.linear.scatter [tilespmem:s0], [sflag:$0x7], $0x2000, $0x38;
	[tilespmem:$0x1D000] =	vst v63  }
0x8b: {  	_ =	swait.ge [sflag:s2], $0x2000  }
0x8c: {  	[sflag:s2] =	ssyncset.done $0x0  }
0x8d: {  	[sflag:s2] =	ssyncadd.s32 $0xFFFFE000  }
0x8e: {  	[spmem:s24] =	stream.linear.scatter [tilespmem:s0], [sflag:$0x7], $0x2000, $0x38;
	[tilespmem:$0x1D000] =	vst v63  }
0x8f: {  	_ =	swait.ge [sflag:s2], $0x2000  }
0x90: {  	[sflag:s2] =	ssyncset.done $0x0  }
0x91: {  	[sflag:s2] =	ssyncadd.s32 $0xFFFFE000  }
0x92: {  	[spmem:s30] =	stream.linear.scatter [tilespmem:s0], [sflag:$0x7], $0x800, $0x38;
	[tilespmem:$0x1D000] =	vst v63  }
0x93: {  	_ =	swait.ge [sflag:s2], $0x800  }
0x94: {  	[sflag:s2] =	ssyncset.done $0x0  }
0x95: {  	[sflag:s2] =	ssyncadd.s32 $0xFFFFF800  }
0x96: {  	[bflag:$0x0] =	sbarrier.arrive $0xFFFF  }
0x97: {  	s18 =	simm.s32 $0x0;
	s19 =	rddreg [dreg:$0x3]  }
0x98: {  	[tilespmem:s18], [sflag:$0x5] =	stream.linear.gather [hbm4b:s19+s18], $0x200, $0x38;
	[tilespmem:$0x1D000] =	vst v63  }
0x99: {  	s20 =	rddreg [dreg:$0x4]  }
0x9a: {  	[tilespmem:s3], [sflag:$0x5] =	stream.linear.gather [hbm4b:s20+s18], $0x200, $0x38;
	[tilespmem:$0x1D000] =	vst v63  }
0x9b: {  	_ =	swait.ge [sflag:s4], $0x200  }
0x9c: {  	[sflag:s4] =	ssyncset.done $0x0  }
0x9d: {  	[sflag:s4] =	ssyncadd.s32 $0xFFFFFE00  }
0x9e: {  	_ =	swait.ge [sflag:s4], $0x200  }
0x9f: {  	[sflag:s4] =	ssyncset.done $0x0  }
0xa0: {  	[sflag:s4] =	ssyncadd.s32 $0xFFFFFE00  }
0xa1: {  	[tilespmem:s0], [sflag:$0x1] =	stream.indirect.gather [hbm4b:s28+s3], $0x10, s18, s3, $0xb8;
	[tilespmem:$0x1D000] =	vst v63  }
0xa2: {  	s20 =	rddreg [dreg:$0x5]  }
0xa3: {  	[tilespmem:s5], [sflag:$0x6] =	stream.linear.gather [hbm4b:s20+s18], $0x200, $0x38;
	[tilespmem:$0x1D000] =	vst v63  }
0xa4: {  	s20 =	rddreg [dreg:$0x6]  }
0xa5: {  	[tilespmem:s6], [sflag:$0x6] =	stream.linear.gather [hbm4b:s20+s18], $0x200, $0x38;
	[tilespmem:$0x1D000] =	vst v63  }
0xa6: {  	_ =	swait.ge [sflag:s7], $0x200  }
0xa7: {  	[sflag:s7] =	ssyncset.done $0x0  }
0xa8: {  	[sflag:s7] =	ssyncadd.s32 $0xFFFFFE00  }
0xa9: {  	_ =	swait.ge [sflag:s7], $0x200  }
0xaa: {  	[sflag:s7] =	ssyncset.done $0x0  }
0xab: {  	[sflag:s7] =	ssyncadd.s32 $0xFFFFFE00  }
0xac: {  	[tilespmem:s8], [sflag:$0x2] =	stream.indirect.gather [hbm4b:s28+s3], $0x10, s5, s3, $0xb8;
	[tilespmem:$0x1D000] =	vst v63  }
0xad: {  	_ =	swait.ge [sflag:s9], $0x2000  }
0xae: {  	[sflag:s9] =	ssyncset.done $0x0  }
0xaf: {  	[sflag:s9] =	ssyncadd.s32 $0xFFFFE000  }
0xb0: {  	[spmem:s23] =	stream.indirect.scatter.add.bf16 [tilespmem:s0], [sflag:$0x3], $0x10, s3, s3, $0xb8;
	[tilespmem:$0x1D000] =	vst v63  }
0xb1: {  	_ =	swait.ge [sflag:s12], $0x2000  }
0xb2: {  	[sflag:s12] =	ssyncset.done $0x0  }
0xb3: {  	s20 =	rddreg [dreg:$0x7];
	[sflag:s12] =	ssyncadd.s32 $0xFFFFE000  }
0xb4: {  	[tilespmem:s18], [sflag:$0x5] =	stream.linear.gather [hbm4b:s20+s18], $0x200, $0x38;
	[tilespmem:$0x1D000] =	vst v63  }
0xb5: {  	s20 =	rddreg [dreg:$0x8]  }
0xb6: {  	[tilespmem:s3], [sflag:$0x5] =	stream.linear.gather [hbm4b:s20+s18], $0x200, $0x38;
	[tilespmem:$0x1D000] =	vst v63  }
0xb7: {  	_ =	swait.ge [sflag:s4], $0x200  }
0xb8: {  	[sflag:s4] =	ssyncset.done $0x0  }
0xb9: {  	[sflag:s4] =	ssyncadd.s32 $0xFFFFFE00  }
0xba: {  	_ =	swait.ge [sflag:s4], $0x200  }
0xbb: {  	[sflag:s4] =	ssyncset.done $0x0  }
0xbc: {  	[sflag:s4] =	ssyncadd.s32 $0xFFFFFE00  }
0xbd: {  	[tilespmem:s0], [sflag:$0x1] =	stream.indirect.gather [hbm4b:s28+s3], $0x10, s18, s3, $0xb8;
	[tilespmem:$0x1D000] =	vst v63  }
0xbe: {  	_ =	swait.ge [sflag:s13], $0x2000  }
0xbf: {  	[sflag:s13] =	ssyncset.done $0x0  }
0xc0: {  	[sflag:s13] =	ssyncadd.s32 $0xFFFFE000  }
0xc1: {  	[spmem:s23] =	stream.indirect.scatter.add.bf16 [tilespmem:s8], [sflag:$0x4], $0x10, s6, s3, $0xb8;
	[tilespmem:$0x1D000] =	vst v63  }
0xc2: {  	_ =	swait.ge [sflag:s16], $0x2000  }
0xc3: {  	[sflag:s16] =	ssyncset.done $0x0  }
0xc4: {  	s19 =	sadd.s32 $0x0, s14;
	[sflag:s16] =	ssyncadd.s32 $0xFFFFE000  }
0xc5: {  	[tilespmem:s5], [sflag:$0x6] =	stream.linear.gather [hbm4b:s19+s1], $0x200, $0x38;
	[tilespmem:$0x1D000] =	vst v63  }
0xc6: {  	s20 =	sadd.s32 $0x0, s15  }
0xc7: {  	[tilespmem:s6], [sflag:$0x6] =	stream.linear.gather [hbm4b:s20+s1], $0x200, $0x38;
	[tilespmem:$0x1D000] =	vst v63  }
0xc8: {  	_ =	swait.ge [sflag:s7], $0x200  }
0xc9: {  	[sflag:s7] =	ssyncset.done $0x0  }
0xca: {  	[sflag:s7] =	ssyncadd.s32 $0xFFFFFE00  }
0xcb: {  	_ =	swait.ge [sflag:s7], $0x200  }
0xcc: {  	[sflag:s7] =	ssyncset.done $0x0  }
0xcd: {  	[sflag:s7] =	ssyncadd.s32 $0xFFFFFE00  }
0xce: {  	[tilespmem:s8], [sflag:$0x2] =	stream.indirect.gather [hbm4b:s28+s3], $0x10, s5, s3, $0xb8;
	[tilespmem:$0x1D000] =	vst v63  }
0xcf: {  	_ =	swait.ge [sflag:s9], $0x2000  }
0xd0: {  	[sflag:s9] =	ssyncset.done $0x0  }
0xd1: {  	[sflag:s9] =	ssyncadd.s32 $0xFFFFE000  }
0xd2: {  	[spmem:s23] =	stream.indirect.scatter.add.bf16 [tilespmem:s0], [sflag:$0x3], $0x10, s3, s3, $0xb8;
	[tilespmem:$0x1D000] =	vst v63  }
0xd3: {  	_ =	swait.ge [sflag:s12], $0x2000  }
0xd4: {  	[sflag:s12] =	ssyncset.done $0x0  }
0xd5: {  	s19 =	sadd.s32 $0x0, s10;
	[sflag:s12] =	ssyncadd.s32 $0xFFFFE000  }
0xd6: {  	[tilespmem:s1], [sflag:$0x5] =	stream.linear.gather [hbm4b:s19+s1], $0x200, $0x38;
	[tilespmem:$0x1D000] =	vst v63  }
0xd7: {  	s20 =	sadd.s32 $0x0, s11  }
0xd8: {  	[tilespmem:s3], [sflag:$0x5] =	stream.linear.gather [hbm4b:s20+s1], $0x200, $0x38;
	[tilespmem:$0x1D000] =	vst v63  }
0xd9: {  	_ =	swait.ge [sflag:s4], $0x200  }
0xda: {  	[sflag:s4] =	ssyncset.done $0x0  }
0xdb: {  	[sflag:s4] =	ssyncadd.s32 $0xFFFFFE00  }
0xdc: {  	_ =	swait.ge [sflag:s4], $0x200  }
0xdd: {  	[sflag:s4] =	ssyncset.done $0x0  }
0xde: {  	[sflag:s4] =	ssyncadd.s32 $0xFFFFFE00  }
0xdf: {  	[tilespmem:s0], [sflag:$0x1] =	stream.indirect.gather [hbm4b:s28+s3], $0x10, s1, s3, $0xb8;
	[tilespmem:$0x1D000] =	vst v63  }
0xe0: {  	_ =	swait.ge [sflag:s13], $0x2000  }
0xe1: {  	[sflag:s13] =	ssyncset.done $0x0  }
0xe2: {  	s18 =	simm.s32 $0x80;
	[sflag:s13] =	ssyncadd.s32 $0xFFFFE000  }
.LBB2_4:
0xe3: {  	[spmem:s23] =	stream.indirect.scatter.add.bf16 [tilespmem:s8], [sflag:$0x4], $0x10, s6, s3, $0xb8;
	[tilespmem:$0x1D000] =	vst v63  }
0xe4: {  	s19 =	smov.u32 s18  }
0xe5: {  	p0 =	sne.s32 s18, $0x1700;
	s18 =	sadd.s32 $0x80, s18;
	_ =	swait.ge [sflag:s16], $0x2000  }
0xe6: {  	[sflag:s16] =	ssyncset.done $0x0  }
0xe7: {  	s20 =	sadd.s32 s19, s14;
	[sflag:s16] =	ssyncadd.s32 $0xFFFFE000  }
0xe8: {  	[tilespmem:s5], [sflag:$0x6] =	stream.linear.gather [hbm4b:s20+s1], $0x200, $0x38;
	[tilespmem:$0x1D000] =	vst v63  }
0xe9: {  	s20 =	sadd.s32 s19, s15  }
0xea: {  	[tilespmem:s6], [sflag:$0x6] =	stream.linear.gather [hbm4b:s20+s1], $0x200, $0x38;
	[tilespmem:$0x1D000] =	vst v63  }
0xeb: {  	_ =	swait.ge [sflag:s7], $0x200  }
0xec: {  	[sflag:s7] =	ssyncset.done $0x0  }
0xed: {  	[sflag:s7] =	ssyncadd.s32 $0xFFFFFE00  }
0xee: {  	_ =	swait.ge [sflag:s7], $0x200  }
0xef: {  	[sflag:s7] =	ssyncset.done $0x0  }
0xf0: {  	[sflag:s7] =	ssyncadd.s32 $0xFFFFFE00  }
0xf1: {  	[tilespmem:s8], [sflag:$0x2] =	stream.indirect.gather [hbm4b:s28+s3], $0x10, s5, s3, $0xb8;
	[tilespmem:$0x1D000] =	vst v63  }
0xf2: {  	_ =	swait.ge [sflag:s9], $0x2000  }
0xf3: {  	[sflag:s9] =	ssyncset.done $0x0  }
0xf4: {  	[sflag:s9] =	ssyncadd.s32 $0xFFFFE000  }
0xf5: {  	[spmem:s23] =	stream.indirect.scatter.add.bf16 [tilespmem:s0], [sflag:$0x3], $0x10, s3, s3, $0xb8;
	[tilespmem:$0x1D000] =	vst v63  }
0xf6: {  	_ =	swait.ge [sflag:s12], $0x2000  }
0xf7: {  	[sflag:s12] =	ssyncset.done $0x0  }
0xf8: {  	s20 =	sadd.s32 s19, s10;
	[sflag:s12] =	ssyncadd.s32 $0xFFFFE000  }
0xf9: {  	[tilespmem:s1], [sflag:$0x5] =	stream.linear.gather [hbm4b:s20+s1], $0x200, $0x38;
	[tilespmem:$0x1D000] =	vst v63  }
0xfa: {  	s19 =	sadd.s32 s19, s11  }
0xfb: {  	[tilespmem:s3], [sflag:$0x5] =	stream.linear.gather [hbm4b:s19+s1], $0x200, $0x38;
	[tilespmem:$0x1D000] =	vst v63  }
0xfc: {  	_ =	swait.ge [sflag:s4], $0x200  }
0xfd: {  	[sflag:s4] =	ssyncset.done $0x0  }
0xfe: {  	[sflag:s4] =	ssyncadd.s32 $0xFFFFFE00  }
0xff: {  	_ =	swait.ge [sflag:s4], $0x200  }
0x100: {  	[sflag:s4] =	ssyncset.done $0x0  }
.Ltmp1:
0x101: {  	[sflag:s4] =	ssyncadd.s32 $0xFFFFFE00;
	(pc) =	sbr.rel @p0 .LBB2_4-.Ltmp1, $4  }
0x102: {  	[tilespmem:s0], [sflag:$0x1] =	stream.indirect.gather [hbm4b:s28+s3], $0x10, s1, s3, $0xb8;
	[tilespmem:$0x1D000] =	vst v63  }
0x103: {  	_ =	swait.ge [sflag:s13], $0x2000  }
0x104: {  	[sflag:s13] =	ssyncset.done $0x0  }
0x105: {  	[sflag:s13] =	ssyncadd.s32 $0xFFFFE000  }
0x106: {  	[spmem:s23] =	stream.indirect.scatter.add.bf16 [tilespmem:s8], [sflag:$0x4], $0x10, s6, s3, $0xb8;
	[tilespmem:$0x1D000] =	vst v63  }
0x107: {  	_ =	swait.ge [sflag:s16], $0x2000  }
0x108: {  	[sflag:s16] =	ssyncset.done $0x0  }
0x109: {  	s18 =	rddreg [dreg:$0x9];
	[sflag:s16] =	ssyncadd.s32 $0xFFFFE000  }
0x10a: {  	[tilespmem:s5], [sflag:$0x6] =	stream.linear.gather [hbm4b:s18+s1], $0x200, $0x38;
	[tilespmem:$0x1D000] =	vst v63  }
0x10b: {  	s20 =	rddreg [dreg:$0xa]  }
0x10c: {  	[tilespmem:s6], [sflag:$0x6] =	stream.linear.gather [hbm4b:s20+s1], $0x200, $0x38;
	[tilespmem:$0x1D000] =	vst v63  }
0x10d: {  	_ =	swait.ge [sflag:s7], $0x200  }
0x10e: {  	[sflag:s7] =	ssyncset.done $0x0  }
0x10f: {  	[sflag:s7] =	ssyncadd.s32 $0xFFFFFE00  }
0x110: {  	_ =	swait.ge [sflag:s7], $0x200  }
0x111: {  	[sflag:s7] =	ssyncset.done $0x0  }
0x112: {  	[sflag:s7] =	ssyncadd.s32 $0xFFFFFE00  }
0x113: {  	[tilespmem:s8], [sflag:$0x2] =	stream.indirect.gather [hbm4b:s28+s3], $0x10, s5, s3, $0xb8;
	[tilespmem:$0x1D000] =	vst v63  }
0x114: {  	_ =	swait.ge [sflag:s9], $0x2000  }
0x115: {  	[sflag:s9] =	ssyncset.done $0x0  }
0x116: {  	[sflag:s9] =	ssyncadd.s32 $0xFFFFE000  }
0x117: {  	[spmem:s23] =	stream.indirect.scatter.add.bf16 [tilespmem:s0], [sflag:$0x3], $0x10, s3, s3, $0xb8;
	[tilespmem:$0x1D000] =	vst v63  }
0x118: {  	_ =	swait.ge [sflag:s13], $0x2000  }
0x119: {  	[sflag:s13] =	ssyncset.done $0x0  }
0x11a: {  	[sflag:s13] =	ssyncadd.s32 $0xFFFFE000  }
0x11b: {  	[spmem:s23] =	stream.indirect.scatter.add.bf16 [tilespmem:s8], [sflag:$0x4], $0x10, s6, s3, $0xb8;
	[tilespmem:$0x1D000] =	vst v63  }
0x11c: {  	_ =	swait.ge [sflag:s12], $0x2000  }
0x11d: {  	[sflag:s12] =	ssyncset.done $0x0  }
0x11e: {  	[sflag:s12] =	ssyncadd.s32 $0xFFFFE000  }
0x11f: {  	_ =	swait.ge [sflag:s16], $0x2000  }
0x120: {  	[sflag:s16] =	ssyncset.done $0x0  }
0x121: {  	[sflag:s16] =	ssyncadd.s32 $0xFFFFE000  }
0x122: {  	[bflag:$0x0] =	sbarrier.arrive $0xFFFF  }
0x123: {  	s19 =	rddreg [dreg:$0x19]  }
0x124: {  	[tilespmem:s0], [sflag:$0x7] =	stream.linear.gather [spmem:s19], $0x2000, $0x38;
	[tilespmem:$0x1D000] =	vst v63  }
0x125: {  	_ =	swait.ge [sflag:s2], $0x2000  }
0x126: {  	[sflag:s2] =	ssyncset.done $0x0  }
0x127: {  	s20 =	rddreg [dreg:$0xb];
	[sflag:s2] =	ssyncadd.s32 $0xFFFFE000  }
0x128: {  	[hbm4b:s20+s1] =	stream.linear.scatter [tilespmem:s0], [sflag:$0x1], $0x2000, $0x38;
	[tilespmem:$0x1D000] =	vst v63  }
0x129: {  	s19 =	rddreg [dreg:$0x1a]  }
0x12a: {  	[tilespmem:s8], [sflag:$0x7] =	stream.linear.gather [spmem:s19], $0x2000, $0x38;
	[tilespmem:$0x1D000] =	vst v63  }
0x12b: {  	_ =	swait.ge [sflag:s2], $0x2000  }
0x12c: {  	[sflag:s2] =	ssyncset.done $0x0  }
0x12d: {  	s20 =	rddreg [dreg:$0xc];
	[sflag:s2] =	ssyncadd.s32 $0xFFFFE000  }
0x12e: {  	[hbm4b:s20+s1] =	stream.linear.scatter [tilespmem:s8], [sflag:$0x2], $0x2000, $0x38;
	[tilespmem:$0x1D000] =	vst v63  }
0x12f: {  	_ =	swait.ge [sflag:s9], $0x2000  }
0x130: {  	[sflag:s9] =	ssyncset.done $0x0  }
0x131: {  	s19 =	rddreg [dreg:$0x1b];
	[sflag:s9] =	ssyncadd.s32 $0xFFFFE000  }
0x132: {  	[tilespmem:s0], [sflag:$0x7] =	stream.linear.gather [spmem:s19], $0x2000, $0x38;
	[tilespmem:$0x1D000] =	vst v63  }
0x133: {  	_ =	swait.ge [sflag:s2], $0x2000  }
0x134: {  	[sflag:s2] =	ssyncset.done $0x0  }
0x135: {  	s20 =	rddreg [dreg:$0xd];
	[sflag:s2] =	ssyncadd.s32 $0xFFFFE000  }
0x136: {  	[hbm4b:s20+s1] =	stream.linear.scatter [tilespmem:s0], [sflag:$0x1], $0x2000, $0x38;
	[tilespmem:$0x1D000] =	vst v63  }
0x137: {  	_ =	swait.ge [sflag:s13], $0x2000  }
0x138: {  	[sflag:s13] =	ssyncset.done $0x0  }
0x139: {  	s19 =	rddreg [dreg:$0x1c];
	[sflag:s13] =	ssyncadd.s32 $0xFFFFE000  }
0x13a: {  	[tilespmem:s8], [sflag:$0x7] =	stream.linear.gather [spmem:s19], $0x2000, $0x38;
	[tilespmem:$0x1D000] =	vst v63  }
0x13b: {  	_ =	swait.ge [sflag:s2], $0x2000  }
0x13c: {  	[sflag:s2] =	ssyncset.done $0x0  }
0x13d: {  	s20 =	rddreg [dreg:$0xe];
	[sflag:s2] =	ssyncadd.s32 $0xFFFFE000  }
0x13e: {  	[hbm4b:s20+s1] =	stream.linear.scatter [tilespmem:s8], [sflag:$0x2], $0x2000, $0x38;
	[tilespmem:$0x1D000] =	vst v63  }
0x13f: {  	_ =	swait.ge [sflag:s9], $0x2000  }
0x140: {  	[sflag:s9] =	ssyncset.done $0x0  }
0x141: {  	s19 =	rddreg [dreg:$0x1d];
	[sflag:s9] =	ssyncadd.s32 $0xFFFFE000  }
0x142: {  	[tilespmem:s0], [sflag:$0x7] =	stream.linear.gather [spmem:s19], $0x2000, $0x38;
	[tilespmem:$0x1D000] =	vst v63  }
0x143: {  	_ =	swait.ge [sflag:s2], $0x2000  }
0x144: {  	[sflag:s2] =	ssyncset.done $0x0  }
0x145: {  	s20 =	rddreg [dreg:$0xf];
	[sflag:s2] =	ssyncadd.s32 $0xFFFFE000  }
0x146: {  	[hbm4b:s20+s1] =	stream.linear.scatter [tilespmem:s0], [sflag:$0x1], $0x2000, $0x38;
	[tilespmem:$0x1D000] =	vst v63  }
0x147: {  	_ =	swait.ge [sflag:s13], $0x2000  }
0x148: {  	[sflag:s13] =	ssyncset.done $0x0  }
0x149: {  	s19 =	rddreg [dreg:$0x1e];
	[sflag:s13] =	ssyncadd.s32 $0xFFFFE000  }
0x14a: {  	[tilespmem:s8], [sflag:$0x7] =	stream.linear.gather [spmem:s19], $0x2000, $0x38;
	[tilespmem:$0x1D000] =	vst v63  }
0x14b: {  	_ =	swait.ge [sflag:s2], $0x2000  }
0x14c: {  	[sflag:s2] =	ssyncset.done $0x0  }
0x14d: {  	s20 =	rddreg [dreg:$0x10];
	[sflag:s2] =	ssyncadd.s32 $0xFFFFE000  }
0x14e: {  	[hbm4b:s20+s1] =	stream.linear.scatter [tilespmem:s8], [sflag:$0x2], $0x2000, $0x38;
	[tilespmem:$0x1D000] =	vst v63  }
0x14f: {  	_ =	swait.ge [sflag:s9], $0x2000  }
0x150: {  	[sflag:s9] =	ssyncset.done $0x0  }
0x151: {  	s19 =	rddreg [dreg:$0x1f];
	[sflag:s9] =	ssyncadd.s32 $0xFFFFE000  }
0x152: {  	[tilespmem:s0], [sflag:$0x7] =	stream.linear.gather [spmem:s19], $0x2000, $0x38;
	[tilespmem:$0x1D000] =	vst v63  }
0x153: {  	_ =	swait.ge [sflag:s2], $0x2000  }
0x154: {  	[sflag:s2] =	ssyncset.done $0x0  }
0x155: {  	s20 =	rddreg [dreg:$0x11];
	[sflag:s2] =	ssyncadd.s32 $0xFFFFE000  }
0x156: {  	[hbm4b:s20+s1] =	stream.linear.scatter [tilespmem:s0], [sflag:$0x1], $0x2000, $0x38;
	[tilespmem:$0x1D000] =	vst v63  }
0x157: {  	_ =	swait.ge [sflag:s13], $0x2000  }
0x158: {  	s19 =	sld [smem:$0x7F4]  }
0x159: {  	[sflag:s13] =	ssyncset.done $0x0  }
0x15a: {  	[sflag:s13] =	ssyncadd.s32 $0xFFFFE000  }
0x15b: {  	[tilespmem:s8], [sflag:$0x7] =	stream.linear.gather [spmem:s19], $0x2000, $0x38;
	[tilespmem:$0x1D000] =	vst v63  }
0x15c: {  	_ =	swait.ge [sflag:s2], $0x2000  }
0x15d: {  	[sflag:s2] =	ssyncset.done $0x0  }
0x15e: {  	s20 =	rddreg [dreg:$0x12];
	[sflag:s2] =	ssyncadd.s32 $0xFFFFE000  }
0x15f: {  	[hbm4b:s20+s1] =	stream.linear.scatter [tilespmem:s8], [sflag:$0x2], $0x2000, $0x38;
	[tilespmem:$0x1D000] =	vst v63  }
0x160: {  	_ =	swait.ge [sflag:s9], $0x2000  }
0x161: {  	s19 =	sld [smem:$0x7F5]  }
0x162: {  	[sflag:s9] =	ssyncset.done $0x0  }
0x163: {  	[sflag:s9] =	ssyncadd.s32 $0xFFFFE000  }
0x164: {  	[tilespmem:s0], [sflag:$0x7] =	stream.linear.gather [spmem:s19], $0x2000, $0x38;
	[tilespmem:$0x1D000] =	vst v63  }
0x165: {  	_ =	swait.ge [sflag:s2], $0x2000  }
0x166: {  	[sflag:s2] =	ssyncset.done $0x0  }
0x167: {  	s20 =	rddreg [dreg:$0x13];
	[sflag:s2] =	ssyncadd.s32 $0xFFFFE000  }
0x168: {  	[hbm4b:s20+s1] =	stream.linear.scatter [tilespmem:s0], [sflag:$0x1], $0x2000, $0x38;
	[tilespmem:$0x1D000] =	vst v63  }
0x169: {  	_ =	swait.ge [sflag:s13], $0x2000  }
0x16a: {  	s19 =	sld [smem:$0x7F6]  }
0x16b: {  	[sflag:s13] =	ssyncset.done $0x0  }
0x16c: {  	[sflag:s13] =	ssyncadd.s32 $0xFFFFE000  }
0x16d: {  	[tilespmem:s8], [sflag:$0x7] =	stream.linear.gather [spmem:s19], $0x2000, $0x38;
	[tilespmem:$0x1D000] =	vst v63  }
0x16e: {  	_ =	swait.ge [sflag:s2], $0x2000  }
0x16f: {  	[sflag:s2] =	ssyncset.done $0x0  }
0x170: {  	s20 =	rddreg [dreg:$0x14];
	[sflag:s2] =	ssyncadd.s32 $0xFFFFE000  }
0x171: {  	[hbm4b:s20+s1] =	stream.linear.scatter [tilespmem:s8], [sflag:$0x2], $0x2000, $0x38;
	[tilespmem:$0x1D000] =	vst v63  }
0x172: {  	_ =	swait.ge [sflag:s9], $0x2000  }
0x173: {  	s19 =	sld [smem:$0x7F7]  }
0x174: {  	[sflag:s9] =	ssyncset.done $0x0  }
0x175: {  	[sflag:s9] =	ssyncadd.s32 $0xFFFFE000  }
0x176: {  	[tilespmem:s0], [sflag:$0x7] =	stream.linear.gather [spmem:s19], $0x2000, $0x38;
	[tilespmem:$0x1D000] =	vst v63  }
0x177: {  	_ =	swait.ge [sflag:s2], $0x2000  }
0x178: {  	[sflag:s2] =	ssyncset.done $0x0  }
0x179: {  	s20 =	rddreg [dreg:$0x15];
	[sflag:s2] =	ssyncadd.s32 $0xFFFFE000  }
0x17a: {  	[hbm4b:s20+s1] =	stream.linear.scatter [tilespmem:s0], [sflag:$0x1], $0x2000, $0x38;
	[tilespmem:$0x1D000] =	vst v63  }
0x17b: {  	_ =	swait.ge [sflag:s13], $0x2000  }
0x17c: {  	s19 =	sld [smem:$0x7F8]  }
0x17d: {  	[sflag:s13] =	ssyncset.done $0x0  }
0x17e: {  	[sflag:s13] =	ssyncadd.s32 $0xFFFFE000  }
0x17f: {  	[tilespmem:s8], [sflag:$0x7] =	stream.linear.gather [spmem:s19], $0x2000, $0x38;
	[tilespmem:$0x1D000] =	vst v63  }
0x180: {  	_ =	swait.ge [sflag:s2], $0x2000  }
0x181: {  	[sflag:s2] =	ssyncset.done $0x0  }
0x182: {  	s20 =	rddreg [dreg:$0x16];
	[sflag:s2] =	ssyncadd.s32 $0xFFFFE000  }
0x183: {  	[hbm4b:s20+s1] =	stream.linear.scatter [tilespmem:s8], [sflag:$0x2], $0x2000, $0x38;
	[tilespmem:$0x1D000] =	vst v63  }
0x184: {  	_ =	swait.ge [sflag:s9], $0x2000  }
0x185: {  	[sflag:s9] =	ssyncset.done $0x0  }
0x186: {  	[sflag:s9] =	ssyncadd.s32 $0xFFFFE000  }
0x187: {  	[tilespmem:s0], [sflag:$0x7] =	stream.linear.gather [spmem:s30], $0x800, $0x38;
	[tilespmem:$0x1D000] =	vst v63  }
0x188: {  	_ =	swait.ge [sflag:s2], $0x800  }
0x189: {  	[sflag:s2] =	ssyncset.done $0x0  }
0x18a: {  	s19 =	rddreg [dreg:$0x17];
	[sflag:s2] =	ssyncadd.s32 $0xFFFFF800  }
0x18b: {  	[hbm4b:s19+s1] =	stream.linear.scatter [tilespmem:s0], [sflag:$0x1], $0x800, $0x38;
	[tilespmem:$0x1D000] =	vst v63  }
0x18c: {  	_ =	swait.ge [sflag:s9], $0x800  }
0x18d: {  	[sflag:s9] =	ssyncset.done $0x0  }
0x18e: {  	[sflag:s9] =	ssyncadd.s32 $0xFFFFF800  }
0x18f: {  	_ =	swait.ge [sflag:s13], $0x2000  }
0x190: {  	s17 =	sadd.s32 $0x1, s17;
	s20 =	rddreg [dreg:$0x18]  }
0x191: {  	p0 =	sne.s32 s17, s20  }
.Ltmp2:
0x192: {  	_ = 	snop;
	(pc) =	sbr.rel @p0 .LBB2_1-.Ltmp2, $3  }
0x193: {  	_ =	sdelay $0x1  }
0x194: {  	[sflag:s13] =	ssyncset.done $0x0  }
0x195: {  	[sflag:s13] =	ssyncadd.s32 $0xFFFFE000  }
0x196: {  	_ =	sfence.sel $0x180000  }
0x197: {  	[bflag:$0x0] =	sbarrier.arrive $0xFFFF  }
0x198: {  	_ =	strace $0x9000004A  }
0x199: {  	s0 =	stileid.u32;
	[bflag:$0x2] =	sbarrier.arrive $0xFFFF  }
0x19a: {  	p0 =	sne.s32 s0, $0x0;
	s0 =	rddreg [dreg:$0x2]  }
0x19b: {  	s0 =	sadd.s32 @!p0 $0x100000, s0  }
0x19c: {  	[sflag:s0] =	ssyncadd.tile.s32 @!p0 $0x1;
	_ =	shalt  }
.Lfunc_end2:
_tile_overlayer_lowered:
.L_overlay_start_2:
0x19d: {  	(tag) =	ssettag $0x2  }
0x19e: {  	s0 =	rddreg [dreg:$0x0];
	s2 =	stileid.u32  }
0x19f: {  	s1 =	rddreg [dreg:$0x1];
	p0 =	sne.s32 s2, $0x0  }
0x1a0: {  	s3 =	rddreg [dreg:$0x2];
	[bflag:$0x3] =	sbarrier.arrive $0xFFFF;
	s2 =	simm.s32 @!p0 $0x1C07  }
0x1a1: {  	[timem:s3], [sflag:s2] =	dma.local @!p0 [hbm:s0], s1  }
0x1a2: {  	s0 =	simm.s32 @!p0 $0x7  }
0x1a3: {  	_ =	swait.ge @!p0 [sflag:s0], s1  }
0x1a4: {  	s1 =	ssub.s32 @!p0 $0x0, s1;
	[sflag:s0] =	ssyncset.done @!p0 $0x0  }
0x1a5: {  	[sflag:s0] =	ssyncadd.s32 @!p0 s1  }
0x1a6: {  	[bflag:$0x3] =	sbarrier.arrive $0xFFFF  }
0x1a7: {  	_ =	shalt  }

</sc_bundles>
